<compile_context>
chip_gen: v7x
topology: tpu7x:2x2x1
jax: 0.10.2.dev20260603
libtpu: 0.0.44.dev20260713+nightly
codegen_flags: <defaults>
</compile_context>

<pallas_src>
import functools

import jax
import jax.numpy as jnp
from jax import lax
from jax.experimental import pallas as pl
from jax.experimental.pallas import tpu as pltpu
from jax.experimental.pallas import tpu_sc as plsc

N = 10000
NP = 10240
E = 160000
EP = 163840
D_IN = 256
D_HID = 512
D_OUT = 64
HALF = 128
CH = 128
ROWS_T = NP // 16

_mesh = plsc.VectorSubcoreMesh(core_axis_name="c", subcore_axis_name="s")


def _fill(buf_v, val, width=HALF, dtype=jnp.float32):
    vw = 32 if dtype == jnp.bfloat16 else 16
    def frow(r, carry):
        for k in range(width // vw):
            buf_v[r, pl.ds(k * vw, vw)] = jnp.full((vw,), val, dtype)
        return carry
    lax.fori_loop(0, CH, frow, 0)


_UNTILED = pltpu.CompilerParams(use_tc_tiling_on_sc=False)


@functools.partial(
    pl.kernel, mesh=_mesh,
    out_type=jax.ShapeDtypeStruct((2, NP, 16), jnp.float32),
    scratch_types=[
        pltpu.VMEM((EP // 32 // CH, CH), jnp.int32),
        pltpu.VMEM((CH, 16), jnp.float32),
        pltpu.VMEM_SHARED((NP, 16), jnp.float32),
        pltpu.SemaphoreType.DMA,
    ],
    compiler_params=_UNTILED,
)
def _deg_kernel(dst_hbm, out_hbm, idx_v, buf_v, acc, sem):
    c = lax.axis_index("c")
    s = lax.axis_index("s")
    w = c * 16 + s
    pltpu.sync_copy(dst_hbm.at[w], idx_v)

    _fill(buf_v, 0.0, width=16)
    for i in range(ROWS_T // CH):
        pltpu.sync_copy(buf_v, acc.at[pl.ds(s * ROWS_T + i * CH, CH)])
    _fill(buf_v, 1.0, width=16)
    plsc.subcore_barrier()

    def body(j, carry):
        pltpu.async_copy(buf_v, acc.at[idx_v.at[j]], sem, add=True)
        return carry

    lax.fori_loop(0, EP // 32 // CH, body, 0)

    def drain(j, carry):
        pltpu.make_async_copy(buf_v, acc.at[idx_v.at[j]], sem).wait()
        return carry

    lax.fori_loop(0, EP // 32 // CH, drain, 0)
    plsc.subcore_barrier()
    pltpu.sync_copy(acc.at[pl.ds(s * ROWS_T, ROWS_T)],
                    out_hbm.at[c, pl.ds(s * ROWS_T, ROWS_T)])


NBUF = 2
NIDX = 4


def _edge_pipeline(table_hbm, src_row, dst_row, srcr, dstr, bufs,
                   isems, gsems, ssems, acc, n_chunks, src_off=None):
    for k in range(NBUF):
        pltpu.async_copy(src_row(k), srcr.at[k], isems[k])
        pltpu.async_copy(dst_row(k), dstr.at[k], isems[k])

    def issue(j, b, q, qn):
        @pl.when(j >= NBUF)
        def _():
            pltpu.make_async_copy(bufs[b], acc.at[dstr.at[q]], ssems[b]).wait()

        @pl.when(j + NBUF < n_chunks)
        def _():
            pltpu.async_copy(src_row(j + NBUF), srcr.at[qn], isems[qn])
            pltpu.async_copy(dst_row(j + NBUF), dstr.at[qn], isems[qn])

        pltpu.make_async_copy(src_row(j), srcr.at[q], isems[q]).wait()
        pltpu.make_async_copy(dst_row(j), dstr.at[q], isems[q]).wait()
        if src_off is not None:
            for k in range(CH // 16):
                srcr[q, pl.ds(16 * k, 16)] = srcr[q, pl.ds(16 * k, 16)] + src_off
        pltpu.async_copy(table_hbm.at[srcr.at[q]], bufs[b], gsems[b])

    def complete(j, b, q):
        pltpu.make_async_copy(table_hbm.at[srcr.at[q]], bufs[b], gsems[b]).wait()
        pltpu.async_copy(bufs[b], acc.at[dstr.at[q]], ssems[b], add=True)

    def group(g, carry):
        for u in range(NIDX):
            j = g * NIDX + u
            issue(j, u % NBUF, u, (u + NBUF) % NIDX)
            if u == 0:
                @pl.when(j >= 1)
                def _():
                    complete(j - 1, (NIDX - 1) % NBUF, NIDX - 1)
            else:
                complete(j - 1, (u - 1) % NBUF, u - 1)
        return carry

    lax.fori_loop(0, n_chunks // NIDX, group, 0)
    complete(n_chunks - 1, (NIDX - 1) % NBUF, NIDX - 1)
    for b in range(NBUF):
        pltpu.make_async_copy(bufs[b], acc.at[pl.ds(0, CH)], ssems[b]).wait()


def _pipe_scratch(width, dtype=jnp.float32):
    return (
        [pltpu.VMEM((NIDX, CH), jnp.int32),
         pltpu.VMEM((NIDX, CH), jnp.int32)]
        + [pltpu.VMEM((CH, width), dtype)] * NBUF
        + [pltpu.VMEM_SHARED((NP, width), dtype)]
        + [pltpu.SemaphoreType.DMA] * (NIDX + 2 * NBUF)
    )


def _unpack_pipe(rest):
    srcr, dstr = rest[0], rest[1]
    bufs = rest[2:2 + NBUF]
    acc = rest[2 + NBUF]
    sems = rest[3 + NBUF:]
    isems = sems[:NIDX]
    gsems = sems[NIDX:NIDX + NBUF]
    ssems = sems[NIDX + NBUF:]
    return srcr, dstr, bufs, acc, isems, gsems, ssems


@functools.partial(
    pl.kernel, mesh=_mesh,
    out_type=jax.ShapeDtypeStruct((2, NP, D_IN), jnp.bfloat16),
    scratch_types=_pipe_scratch(D_IN, jnp.bfloat16),
    compiler_params=_UNTILED,
)
def _prop1_kernel(xs_hbm, src_hbm, dst_hbm, out_hbm, *rest):
    srcr, dstr, bufs, acc, isems, gsems, ssems = _unpack_pipe(rest)
    c = lax.axis_index("c")
    s = lax.axis_index("s")
    w = c * 16 + s

    @pl.when(c == 0)
    def _():
        pltpu.sync_copy(xs_hbm.at[pl.ds(s * ROWS_T, ROWS_T)],
                        acc.at[pl.ds(s * ROWS_T, ROWS_T)])

    @pl.when(c == 1)
    def _():
        _fill(bufs[0], 0.0, width=D_IN, dtype=jnp.bfloat16)
        for i in range(ROWS_T // CH):
            pltpu.sync_copy(bufs[0], acc.at[pl.ds(s * ROWS_T + i * CH, CH)])

    plsc.subcore_barrier()
    _edge_pipeline(xs_hbm,
                   lambda j: src_hbm.at[w, j],
                   lambda j: dst_hbm.at[w, j],
                   srcr, dstr, bufs, isems, gsems, ssems, acc, EP // 32 // CH)
    plsc.subcore_barrier()
    pltpu.sync_copy(acc.at[pl.ds(s * ROWS_T, ROWS_T)],
                    out_hbm.at[c, pl.ds(s * ROWS_T, ROWS_T)])


@functools.partial(
    pl.kernel, mesh=_mesh,
    out_type=jax.ShapeDtypeStruct((2, NP, D_OUT), jnp.bfloat16),
    scratch_types=_pipe_scratch(D_OUT, jnp.bfloat16),
    compiler_params=_UNTILED,
)
def _prop2_kernel(zs_hbm, src_hbm, dst_hbm, out_hbm, *rest):
    srcr, dstr, bufs, acc, isems, gsems, ssems = _unpack_pipe(rest)
    c = lax.axis_index("c")
    s = lax.axis_index("s")
    w = c * 16 + s

    @pl.when(c == 0)
    def _():
        pltpu.sync_copy(zs_hbm.at[pl.ds(s * ROWS_T, ROWS_T)],
                        acc.at[pl.ds(s * ROWS_T, ROWS_T)])

    @pl.when(c == 1)
    def _():
        _fill(bufs[0], 0.0, width=D_OUT, dtype=jnp.bfloat16)
        for i in range(ROWS_T // CH):
            pltpu.sync_copy(bufs[0], acc.at[pl.ds(s * ROWS_T + i * CH, CH)])

    plsc.subcore_barrier()
    _edge_pipeline(zs_hbm,
                   lambda j: src_hbm.at[w, j],
                   lambda j: dst_hbm.at[w, j],
                   srcr, dstr, bufs, isems, gsems, ssems, acc, EP // 32 // CH)
    plsc.subcore_barrier()
    pltpu.sync_copy(acc.at[pl.ds(s * ROWS_T, ROWS_T)],
                    out_hbm.at[c, pl.ds(s * ROWS_T, ROWS_T)])


_RB = 1024


def _tc1_body(degp_ref, x_ref, dis_ref, xs_ref):
    deg = degp_ref[0, :, 0:1] + degp_ref[1, :, 0:1] + 1.0
    dis = lax.rsqrt(deg)
    dis_ref[...] = dis
    xs_ref[...] = (x_ref[...] * dis).astype(jnp.bfloat16)


def _tc1(degp, x_pad):
    grid = (NP // _RB,)
    return pl.pallas_call(
        _tc1_body,
        grid=grid,
        in_specs=[
            pl.BlockSpec((2, _RB, 16), lambda i: (0, i, 0)),
            pl.BlockSpec((_RB, D_IN), lambda i: (i, 0)),
        ],
        out_specs=[
            pl.BlockSpec((_RB, 1), lambda i: (i, 0)),
            pl.BlockSpec((_RB, D_IN), lambda i: (i, 0)),
        ],
        out_shape=[
            jax.ShapeDtypeStruct((NP, 1), jnp.float32),
            jax.ShapeDtypeStruct((NP, D_IN), jnp.bfloat16),
        ],
    )(degp, x_pad)


def _tc2_body(p1_ref, dis_ref, w1_ref, b1_ref, w2_ref, zs_ref):
    p1 = (p1_ref[0].astype(jnp.float32)
          + p1_ref[1].astype(jnp.float32)).astype(jnp.bfloat16)
    y = jnp.dot(p1, w1_ref[...], preferred_element_type=jnp.float32)
    h = jnp.maximum(y * dis_ref[...] + b1_ref[...], 0.0)
    zs = jnp.dot(h.astype(jnp.bfloat16), w2_ref[...],
                 preferred_element_type=jnp.float32) * dis_ref[...]
    zs_ref[...] = zs.astype(jnp.bfloat16)


def _tc2(p1, dis, W1r, b1r, W2):
    grid = (NP // _RB,)
    return pl.pallas_call(
        _tc2_body,
        grid=grid,
        in_specs=[
            pl.BlockSpec((2, _RB, D_IN), lambda i: (0, i, 0)),
            pl.BlockSpec((_RB, 1), lambda i: (i, 0)),
            pl.BlockSpec((D_IN, D_HID), lambda i: (0, 0)),
            pl.BlockSpec((1, D_HID), lambda i: (0, 0)),
            pl.BlockSpec((D_HID, D_OUT), lambda i: (0, 0)),
        ],
        out_specs=pl.BlockSpec((_RB, D_OUT), lambda i: (i, 0)),
        out_shape=jax.ShapeDtypeStruct((NP, D_OUT), jnp.bfloat16),
    )(p1, dis, W1r, b1r, W2)


_RB3 = 1000


def _tc3_body(p2_ref, dis_ref, b2_ref, out_ref):
    p2sum = p2_ref[0].astype(jnp.float32) + p2_ref[1].astype(jnp.float32)
    out_ref[...] = p2sum * dis_ref[...] + b2_ref[...]


def _tc3(p2, dis, b2r):
    grid = (N // _RB3,)
    return pl.pallas_call(
        _tc3_body,
        grid=grid,
        in_specs=[
            pl.BlockSpec((2, _RB3, D_OUT), lambda i: (0, i, 0)),
            pl.BlockSpec((_RB3, 1), lambda i: (i, 0)),
            pl.BlockSpec((1, D_OUT), lambda i: (0, 0)),
        ],
        out_specs=pl.BlockSpec((_RB3, D_OUT), lambda i: (i, 0)),
        out_shape=jax.ShapeDtypeStruct((N, D_OUT), jnp.float32),
    )(p2, dis, b2r)


def kernel(x, edge_index, W1, b1, W2, b2):
    src = edge_index[0].astype(jnp.int32)
    dst = edge_index[1].astype(jnp.int32)

    pad_ids = N + (jnp.arange(EP - E, dtype=jnp.int32) % 16)
    src_p = jnp.concatenate([src, pad_ids])
    dst_p = jnp.concatenate([dst, pad_ids])

    src32 = src_p.reshape(32, EP // 32 // CH, CH)
    dst32 = dst_p.reshape(32, EP // 32 // CH, CH)

    x_pad = jnp.pad(x, ((0, NP - N), (0, 0)))

    degp = _deg_kernel(dst32)

    dis, xs = _tc1(degp, x_pad)

    p1 = _prop1_kernel(xs, src32, dst32)

    zs = _tc2(p1, dis, W1.astype(jnp.bfloat16), b1.reshape(1, D_HID),
              W2.astype(jnp.bfloat16))

    p2 = _prop2_kernel(zs, src32, dst32)

    return _tc3(p2, dis, b2.reshape(1, D_OUT))

# --- scband reference (transcript-rebuilt; emitter-appended) ---
"""Pipeline reference for scband-simple-gcn-18433999635059 (READ-ONLY COPY).

The authoritative reference and input builder live on the scoring server;
editing this copy changes nothing except your own understanding.
"""

import jax, jax.numpy as jnp
import numpy as np

N_NODES = 10000
N_EDGES = 160000
D_IN = 256
D_HID = 512
D_OUT = 64


def _gcn_conv(x, edge_index, W, b):
    N = x.shape[0]
    src = edge_index[0]
    dst = edge_index[1]
    # add self-loops (PyG GCNConv default add_self_loops=True)
    loop = jnp.arange(N, dtype=src.dtype)
    src = jnp.concatenate([src, loop])
    dst = jnp.concatenate([dst, loop])
    # symmetric normalization: deg computed on destination (col)
    ones = jnp.ones(dst.shape[0], dtype=x.dtype)
    deg = jnp.zeros(N, dtype=x.dtype).at[dst].add(ones)
    deg_inv_sqrt = jnp.where(deg > 0, jax.lax.rsqrt(deg), 0.0)
    norm = deg_inv_sqrt[src] * deg_inv_sqrt[dst]
    # linear transform then propagate
    xw = x @ W
    msg = xw[src] * norm[:, None]
    out = jnp.zeros((N, W.shape[1]), dtype=x.dtype).at[dst].add(msg)
    return out + b


def setup_inputs(seed: int = 0) -> dict:
    key = jax.random.key(seed)
    k1, k2, k3, k4, k5, k6 = jax.random.split(key, 6)
    x = jax.random.normal(k1, (N_NODES, D_IN), dtype=jnp.float32)
    edge_index = jax.random.randint(k2, (2, N_EDGES), 0, N_NODES, dtype=jnp.int64)
    # glorot-style init for GCN weights
    W1 = jax.random.normal(k3, (D_IN, D_HID), dtype=jnp.float32) * (1.0 / np.sqrt(D_IN))
    b1 = jnp.zeros((D_HID,), dtype=jnp.float32)
    W2 = jax.random.normal(k4, (D_HID, D_OUT), dtype=jnp.float32) * (1.0 / np.sqrt(D_HID))
    b2 = jnp.zeros((D_OUT,), dtype=jnp.float32)
    return {"x": x, "edge_index": edge_index, "W1": W1, "b1": b1, "W2": W2, "b2": b2}


def reference(x, edge_index, W1, b1, W2, b2):
    h = _gcn_conv(x, edge_index, W1, b1)
    h = jax.nn.relu(h)
    # dropout p=0.0 -> identity
    out = _gcn_conv(h, edge_index, W2, b2)
    return out

if __name__ == "__main__":
    import jax
    _d = setup_inputs()
    print(jax.jit(kernel)(*tuple(_d.values())))

</pallas_src>

<mosaic_0001>
#map = affine_map<(d0, d1) -> (0, 0, 0)>
module attributes {stable_mosaic.version = 14 : i64} {
  func.func @_deg_kernel(%arg0: i32, %arg1: i32, %arg2: memref<32x40x128xi32, #tpu.memory_space<hbm>>, %arg3: memref<2x10240x16xf32, #tpu.memory_space<hbm>>, %arg4: memref<40x128xi32, #tpu.memory_space<vmem>>, %arg5: memref<128x16xf32, #tpu.memory_space<vmem>>, %arg6: memref<10240x16xf32, #tpu.memory_space<vmem_shared>>, %arg7: memref<!tpu.dma_semaphore, #tpu.memory_space<semaphore_mem>>) attributes {dimension_semantics = [#tpu.dimension_semantics<core_parallel>, #tpu.dimension_semantics<subcore_parallel>], iteration_bounds = array<i64: 2, 16>, scalar_prefetch = 0 : i64, scratch_operands = 4 : i64, tpu.core_type = #tpu.core_type<sc_vector_subcore>, window_params = [{transform_indices = #map}, {transform_indices = #map}]} {
    %mul3A = arith.constant 16 : i32
    %mul3A_0 = arith.muli %arg0, %mul3A : i32
    %add3A = arith.addi %mul3A_0, %arg1 : i32
    "tpu.region"() ({
      %run_scoped3A = tpu.sem_alloc : memref<!tpu.dma_semaphore, #tpu.memory_space<semaphore_mem>>
      %dma_start3A = arith.constant 0 : i32
      %dma_start3A_49 = arith.constant 0 : i32
      %dma_start3A_50 = tpu.memref_slice %arg2[%add3A, %dma_start3A, %dma_start3A_49] : memref<32x40x128xi32, #tpu.memory_space<hbm>> -> memref<1x40x128xi32, #tpu.memory_space<hbm>>
      %dma_start3A_51 = tpu.memref_squeeze %dma_start3A_50 : memref<1x40x128xi32, #tpu.memory_space<hbm>> -> memref<40x128xi32, #tpu.memory_space<hbm>>
      %dma_start3A_52 = arith.constant 0 : i32
      %dma_start3A_53 = arith.constant 0 : i32
      %dma_start3A_54 = tpu.memref_slice %arg2[%add3A, %dma_start3A_52, %dma_start3A_53] : memref<32x40x128xi32, #tpu.memory_space<hbm>> -> memref<1x40x128xi32, #tpu.memory_space<hbm>>
      %dma_start3A_55 = tpu.memref_squeeze %dma_start3A_54 : memref<1x40x128xi32, #tpu.memory_space<hbm>> -> memref<40x128xi32, #tpu.memory_space<hbm>>
      tpu.enqueue_dma source(%dma_start3A_55 : memref<40x128xi32, #tpu.memory_space<hbm>>) target(%arg4 : memref<40x128xi32, #tpu.memory_space<vmem>>) target_semaphore(%run_scoped3A : memref<!tpu.dma_semaphore, #tpu.memory_space<semaphore_mem>>)
      %dma_wait3A = arith.constant 0 : i32
      %dma_wait3A_56 = arith.constant 0 : i32
      %dma_wait3A_57 = tpu.memref_slice %arg2[%add3A, %dma_wait3A, %dma_wait3A_56] : memref<32x40x128xi32, #tpu.memory_space<hbm>> -> memref<1x40x128xi32, #tpu.memory_space<hbm>>
      %dma_wait3A_58 = tpu.memref_squeeze %dma_wait3A_57 : memref<1x40x128xi32, #tpu.memory_space<hbm>> -> memref<40x128xi32, #tpu.memory_space<hbm>>
      %dma_wait3A_59 = arith.constant 0 : i32
      %dma_wait3A_60 = arith.constant 0 : i32
      %dma_wait3A_61 = tpu.memref_slice %arg2[%add3A, %dma_wait3A_59, %dma_wait3A_60] : memref<32x40x128xi32, #tpu.memory_space<hbm>> -> memref<1x40x128xi32, #tpu.memory_space<hbm>>
      %dma_wait3A_62 = tpu.memref_squeeze %dma_wait3A_61 : memref<1x40x128xi32, #tpu.memory_space<hbm>> -> memref<40x128xi32, #tpu.memory_space<hbm>>
      tpu.wait_dma2 semaphore(%run_scoped3A : memref<!tpu.dma_semaphore, #tpu.memory_space<semaphore_mem>>) src(%dma_wait3A_62 : memref<40x128xi32, #tpu.memory_space<hbm>>) dst(%arg4 : memref<40x128xi32, #tpu.memory_space<vmem>>)
      tpu.yield
    }) : () -> ()
    %scan3A = arith.constant 0 : i32
    %scan3A_1 = arith.constant 0 : i32
    %scan3A_2 = arith.constant 128 : i32
    %scan3A_3 = arith.addi %scan3A_1, %scan3A_2 : i32
    %scan3A_4 = arith.constant 1 : i32
    scf.for %scan3A_49 = %scan3A_1 to %scan3A_3 step %scan3A_4  : i32 {
      %broadcast_in_dim3A = arith.constant 0.000000e+00 : f32
      %broadcast_in_dim3A_50 = vector.broadcast %broadcast_in_dim3A : f32 to vector<16xf32>
      %swap3A = arith.index_cast %scan3A_49 : i32 to index
      %swap3A_51 = arith.constant 0 : index
      %swap3A_52 = tpu.vector_load %arg5[%swap3A, %swap3A_51] {strides = array<i32>} : memref<128x16xf32, #tpu.memory_space<vmem>>, vector<1x16xf32>,
      %swap3A_53 = vector.shape_cast %swap3A_52 : vector<1x16xf32> to vector<16xf32>
      %swap3A_54 = vector.shape_cast %broadcast_in_dim3A_50 : vector<16xf32> to vector<1x16xf32>
      tpu.vector_store %arg5[%swap3A, %swap3A_51], %swap3A_54 {strides = array<i32>} : memref<128x16xf32, #tpu.memory_space<vmem>>, vector<1x16xf32>,
    }
    %scan3A_5 = arith.constant 128 : i32
    %mul3A_6 = arith.constant 640 : i32
    %mul3A_7 = arith.muli %arg1, %mul3A_6 : i32
    %add3A_8 = arith.constant 0 : i32
    %add3A_9 = arith.addi %mul3A_7, %add3A_8 : i32
    "tpu.region"() ({
      %run_scoped3A = tpu.sem_alloc : memref<!tpu.dma_semaphore, #tpu.memory_space<semaphore_mem>>
      %dma_start3A = arith.constant 0 : i32
      %dma_start3A_49 = tpu.memref_slice %arg6[%add3A_9, %dma_start3A] : memref<10240x16xf32, #tpu.memory_space<vmem_shared>> -> memref<128x16xf32, #tpu.memory_space<vmem_shared>>
      %dma_start3A_50 = arith.constant 0 : i32
      %dma_start3A_51 = tpu.memref_slice %arg6[%add3A_9, %dma_start3A_50] : memref<10240x16xf32, #tpu.memory_space<vmem_shared>> -> memref<128x16xf32, #tpu.memory_space<vmem_shared>>
      tpu.enqueue_dma source(%arg5 : memref<128x16xf32, #tpu.memory_space<vmem>>) target(%dma_start3A_51 : memref<128x16xf32, #tpu.memory_space<vmem_shared>>) target_semaphore(%run_scoped3A : memref<!tpu.dma_semaphore, #tpu.memory_space<semaphore_mem>>)
      %dma_wait3A = arith.constant 0 : i32
      %dma_wait3A_52 = tpu.memref_slice %arg6[%add3A_9, %dma_wait3A] : memref<10240x16xf32, #tpu.memory_space<vmem_shared>> -> memref<128x16xf32, #tpu.memory_space<vmem_shared>>
      %dma_wait3A_53 = arith.constant 0 : i32
      %dma_wait3A_54 = tpu.memref_slice %arg6[%add3A_9, %dma_wait3A_53] : memref<10240x16xf32, #tpu.memory_space<vmem_shared>> -> memref<128x16xf32, #tpu.memory_space<vmem_shared>>
      tpu.wait_dma2 semaphore(%run_scoped3A : memref<!tpu.dma_semaphore, #tpu.memory_space<semaphore_mem>>) src(%arg5 : memref<128x16xf32, #tpu.memory_space<vmem>>) dst(%dma_wait3A_54 : memref<128x16xf32, #tpu.memory_space<vmem_shared>>)
      tpu.yield
    }) : () -> ()
    %mul3A_10 = arith.constant 640 : i32
    %mul3A_11 = arith.muli %arg1, %mul3A_10 : i32
    %add3A_12 = arith.constant 128 : i32
    %add3A_13 = arith.addi %mul3A_11, %add3A_12 : i32
    "tpu.region"() ({
      %run_scoped3A = tpu.sem_alloc : memref<!tpu.dma_semaphore, #tpu.memory_space<semaphore_mem>>
      %dma_start3A = arith.constant 0 : i32
      %dma_start3A_49 = tpu.memref_slice %arg6[%add3A_13, %dma_start3A] : memref<10240x16xf32, #tpu.memory_space<vmem_shared>> -> memref<128x16xf32, #tpu.memory_space<vmem_shared>>
      %dma_start3A_50 = arith.constant 0 : i32
      %dma_start3A_51 = tpu.memref_slice %arg6[%add3A_13, %dma_start3A_50] : memref<10240x16xf32, #tpu.memory_space<vmem_shared>> -> memref<128x16xf32, #tpu.memory_space<vmem_shared>>
      tpu.enqueue_dma source(%arg5 : memref<128x16xf32, #tpu.memory_space<vmem>>) target(%dma_start3A_51 : memref<128x16xf32, #tpu.memory_space<vmem_shared>>) target_semaphore(%run_scoped3A : memref<!tpu.dma_semaphore, #tpu.memory_space<semaphore_mem>>)
      %dma_wait3A = arith.constant 0 : i32
      %dma_wait3A_52 = tpu.memref_slice %arg6[%add3A_13, %dma_wait3A] : memref<10240x16xf32, #tpu.memory_space<vmem_shared>> -> memref<128x16xf32, #tpu.memory_space<vmem_shared>>
      %dma_wait3A_53 = arith.constant 0 : i32
      %dma_wait3A_54 = tpu.memref_slice %arg6[%add3A_13, %dma_wait3A_53] : memref<10240x16xf32, #tpu.memory_space<vmem_shared>> -> memref<128x16xf32, #tpu.memory_space<vmem_shared>>
      tpu.wait_dma2 semaphore(%run_scoped3A : memref<!tpu.dma_semaphore, #tpu.memory_space<semaphore_mem>>) src(%arg5 : memref<128x16xf32, #tpu.memory_space<vmem>>) dst(%dma_wait3A_54 : memref<128x16xf32, #tpu.memory_space<vmem_shared>>)
      tpu.yield
    }) : () -> ()
    %mul3A_14 = arith.constant 640 : i32
    %mul3A_15 = arith.muli %arg1, %mul3A_14 : i32
    %add3A_16 = arith.constant 256 : i32
    %add3A_17 = arith.addi %mul3A_15, %add3A_16 : i32
    "tpu.region"() ({
      %run_scoped3A = tpu.sem_alloc : memref<!tpu.dma_semaphore, #tpu.memory_space<semaphore_mem>>
      %dma_start3A = arith.constant 0 : i32
      %dma_start3A_49 = tpu.memref_slice %arg6[%add3A_17, %dma_start3A] : memref<10240x16xf32, #tpu.memory_space<vmem_shared>> -> memref<128x16xf32, #tpu.memory_space<vmem_shared>>
      %dma_start3A_50 = arith.constant 0 : i32
      %dma_start3A_51 = tpu.memref_slice %arg6[%add3A_17, %dma_start3A_50] : memref<10240x16xf32, #tpu.memory_space<vmem_shared>> -> memref<128x16xf32, #tpu.memory_space<vmem_shared>>
      tpu.enqueue_dma source(%arg5 : memref<128x16xf32, #tpu.memory_space<vmem>>) target(%dma_start3A_51 : memref<128x16xf32, #tpu.memory_space<vmem_shared>>) target_semaphore(%run_scoped3A : memref<!tpu.dma_semaphore, #tpu.memory_space<semaphore_mem>>)
      %dma_wait3A = arith.constant 0 : i32
      %dma_wait3A_52 = tpu.memref_slice %arg6[%add3A_17, %dma_wait3A] : memref<10240x16xf32, #tpu.memory_space<vmem_shared>> -> memref<128x16xf32, #tpu.memory_space<vmem_shared>>
      %dma_wait3A_53 = arith.constant 0 : i32
      %dma_wait3A_54 = tpu.memref_slice %arg6[%add3A_17, %dma_wait3A_53] : memref<10240x16xf32, #tpu.memory_space<vmem_shared>> -> memref<128x16xf32, #tpu.memory_space<vmem_shared>>
      tpu.wait_dma2 semaphore(%run_scoped3A : memref<!tpu.dma_semaphore, #tpu.memory_space<semaphore_mem>>) src(%arg5 : memref<128x16xf32, #tpu.memory_space<vmem>>) dst(%dma_wait3A_54 : memref<128x16xf32, #tpu.memory_space<vmem_shared>>)
      tpu.yield
    }) : () -> ()
    %mul3A_18 = arith.constant 640 : i32
    %mul3A_19 = arith.muli %arg1, %mul3A_18 : i32
    %add3A_20 = arith.constant 384 : i32
    %add3A_21 = arith.addi %mul3A_19, %add3A_20 : i32
    "tpu.region"() ({
      %run_scoped3A = tpu.sem_alloc : memref<!tpu.dma_semaphore, #tpu.memory_space<semaphore_mem>>
      %dma_start3A = arith.constant 0 : i32
      %dma_start3A_49 = tpu.memref_slice %arg6[%add3A_21, %dma_start3A] : memref<10240x16xf32, #tpu.memory_space<vmem_shared>> -> memref<128x16xf32, #tpu.memory_space<vmem_shared>>
      %dma_start3A_50 = arith.constant 0 : i32
      %dma_start3A_51 = tpu.memref_slice %arg6[%add3A_21, %dma_start3A_50] : memref<10240x16xf32, #tpu.memory_space<vmem_shared>> -> memref<128x16xf32, #tpu.memory_space<vmem_shared>>
      tpu.enqueue_dma source(%arg5 : memref<128x16xf32, #tpu.memory_space<vmem>>) target(%dma_start3A_51 : memref<128x16xf32, #tpu.memory_space<vmem_shared>>) target_semaphore(%run_scoped3A : memref<!tpu.dma_semaphore, #tpu.memory_space<semaphore_mem>>)
      %dma_wait3A = arith.constant 0 : i32
      %dma_wait3A_52 = tpu.memref_slice %arg6[%add3A_21, %dma_wait3A] : memref<10240x16xf32, #tpu.memory_space<vmem_shared>> -> memref<128x16xf32, #tpu.memory_space<vmem_shared>>
      %dma_wait3A_53 = arith.constant 0 : i32
      %dma_wait3A_54 = tpu.memref_slice %arg6[%add3A_21, %dma_wait3A_53] : memref<10240x16xf32, #tpu.memory_space<vmem_shared>> -> memref<128x16xf32, #tpu.memory_space<vmem_shared>>
      tpu.wait_dma2 semaphore(%run_scoped3A : memref<!tpu.dma_semaphore, #tpu.memory_space<semaphore_mem>>) src(%arg5 : memref<128x16xf32, #tpu.memory_space<vmem>>) dst(%dma_wait3A_54 : memref<128x16xf32, #tpu.memory_space<vmem_shared>>)
      tpu.yield
    }) : () -> ()
    %mul3A_22 = arith.constant 640 : i32
    %mul3A_23 = arith.muli %arg1, %mul3A_22 : i32
    %add3A_24 = arith.constant 512 : i32
    %add3A_25 = arith.addi %mul3A_23, %add3A_24 : i32
    "tpu.region"() ({
      %run_scoped3A = tpu.sem_alloc : memref<!tpu.dma_semaphore, #tpu.memory_space<semaphore_mem>>
      %dma_start3A = arith.constant 0 : i32
      %dma_start3A_49 = tpu.memref_slice %arg6[%add3A_25, %dma_start3A] : memref<10240x16xf32, #tpu.memory_space<vmem_shared>> -> memref<128x16xf32, #tpu.memory_space<vmem_shared>>
      %dma_start3A_50 = arith.constant 0 : i32
      %dma_start3A_51 = tpu.memref_slice %arg6[%add3A_25, %dma_start3A_50] : memref<10240x16xf32, #tpu.memory_space<vmem_shared>> -> memref<128x16xf32, #tpu.memory_space<vmem_shared>>
      tpu.enqueue_dma source(%arg5 : memref<128x16xf32, #tpu.memory_space<vmem>>) target(%dma_start3A_51 : memref<128x16xf32, #tpu.memory_space<vmem_shared>>) target_semaphore(%run_scoped3A : memref<!tpu.dma_semaphore, #tpu.memory_space<semaphore_mem>>)
      %dma_wait3A = arith.constant 0 : i32
      %dma_wait3A_52 = tpu.memref_slice %arg6[%add3A_25, %dma_wait3A] : memref<10240x16xf32, #tpu.memory_space<vmem_shared>> -> memref<128x16xf32, #tpu.memory_space<vmem_shared>>
      %dma_wait3A_53 = arith.constant 0 : i32
      %dma_wait3A_54 = tpu.memref_slice %arg6[%add3A_25, %dma_wait3A_53] : memref<10240x16xf32, #tpu.memory_space<vmem_shared>> -> memref<128x16xf32, #tpu.memory_space<vmem_shared>>
      tpu.wait_dma2 semaphore(%run_scoped3A : memref<!tpu.dma_semaphore, #tpu.memory_space<semaphore_mem>>) src(%arg5 : memref<128x16xf32, #tpu.memory_space<vmem>>) dst(%dma_wait3A_54 : memref<128x16xf32, #tpu.memory_space<vmem_shared>>)
      tpu.yield
    }) : () -> ()
    %scan3A_26 = arith.constant 0 : i32
    %scan3A_27 = arith.constant 0 : i32
    %scan3A_28 = arith.constant 128 : i32
    %scan3A_29 = arith.addi %scan3A_27, %scan3A_28 : i32
    %scan3A_30 = arith.constant 1 : i32
    scf.for %scan3A_49 = %scan3A_27 to %scan3A_29 step %scan3A_30  : i32 {
      %broadcast_in_dim3A = arith.constant 1.000000e+00 : f32
      %broadcast_in_dim3A_50 = vector.broadcast %broadcast_in_dim3A : f32 to vector<16xf32>
      %swap3A = arith.index_cast %scan3A_49 : i32 to index
      %swap3A_51 = arith.constant 0 : index
      %swap3A_52 = tpu.vector_load %arg5[%swap3A, %swap3A_51] {strides = array<i32>} : memref<128x16xf32, #tpu.memory_space<vmem>>, vector<1x16xf32>,
      %swap3A_53 = vector.shape_cast %swap3A_52 : vector<1x16xf32> to vector<16xf32>
      %swap3A_54 = vector.shape_cast %broadcast_in_dim3A_50 : vector<16xf32> to vector<1x16xf32>
      tpu.vector_store %arg5[%swap3A, %swap3A_51], %swap3A_54 {strides = array<i32>} : memref<128x16xf32, #tpu.memory_space<vmem>>, vector<1x16xf32>,
    }
    %scan3A_31 = arith.constant 128 : i32
    %barrier3A = arith.constant 0 : index
    tpu.barrier barrier_id(%barrier3A)
    %scan3A_32 = arith.constant 0 : i32
    %scan3A_33 = arith.constant 0 : i32
    %scan3A_34 = arith.constant 40 : i32
    %scan3A_35 = arith.addi %scan3A_33, %scan3A_34 : i32
    %scan3A_36 = arith.constant 1 : i32
    scf.for %scan3A_49 = %scan3A_33 to %scan3A_35 step %scan3A_36  : i32 {
      %dma_start3A = arith.constant 0 : i32
      %dma_start3A_50 = tpu.memref_slice %arg4[%scan3A_49, %dma_start3A] : memref<40x128xi32, #tpu.memory_space<vmem>> -> memref<1x128xi32, #tpu.memory_space<vmem>>
      %dma_start3A_51 = tpu.memref_squeeze %dma_start3A_50 : memref<1x128xi32, #tpu.memory_space<vmem>> -> memref<128xi32, #tpu.memory_space<vmem>>
      %dma_start3A_52 = arith.constant 0 : i32
      %dma_start3A_53 = arith.constant 0 : i32
      %dma_start3A_54 = tpu.memref_slice %arg6[%dma_start3A_52, %dma_start3A_53] : memref<10240x16xf32, #tpu.memory_space<vmem_shared>> -> memref<10240x16xf32, #tpu.memory_space<vmem_shared>>
      tpu.enqueue_indirect_dma source(%arg5 : memref<128x16xf32, #tpu.memory_space<vmem>>) target(%dma_start3A_54 : memref<10240x16xf32, #tpu.memory_space<vmem_shared>>) offsets(%dma_start3A_51 : memref<128xi32, #tpu.memory_space<vmem>>) semaphore(%arg7 : memref<!tpu.dma_semaphore, #tpu.memory_space<semaphore_mem>>) {add = true}
    }
    %scan3A_37 = arith.constant 40 : i32
    %scan3A_38 = arith.constant 0 : i32
    %scan3A_39 = arith.constant 0 : i32
    %scan3A_40 = arith.constant 40 : i32
    %scan3A_41 = arith.addi %scan3A_39, %scan3A_40 : i32
    %scan3A_42 = arith.constant 1 : i32
    scf.for %scan3A_49 = %scan3A_39 to %scan3A_41 step %scan3A_42  : i32 {
      %dma_wait3A = arith.constant 0 : i32
      %dma_wait3A_50 = tpu.memref_slice %arg4[%scan3A_49, %dma_wait3A] : memref<40x128xi32, #tpu.memory_space<vmem>> -> memref<1x128xi32, #tpu.memory_space<vmem>>
      %dma_wait3A_51 = tpu.memref_squeeze %dma_wait3A_50 : memref<1x128xi32, #tpu.memory_space<vmem>> -> memref<128xi32, #tpu.memory_space<vmem>>
      %dma_wait3A_52 = arith.constant 0 : i32
      %dma_wait3A_53 = arith.constant 0 : i32
      %dma_wait3A_54 = tpu.memref_slice %arg6[%dma_wait3A_52, %dma_wait3A_53] : memref<10240x16xf32, #tpu.memory_space<vmem_shared>> -> memref<10240x16xf32, #tpu.memory_space<vmem_shared>>
      tpu.wait_indirect_dma semaphore(%arg7 : memref<!tpu.dma_semaphore, #tpu.memory_space<semaphore_mem>>) src(%arg5 : memref<128x16xf32, #tpu.memory_space<vmem>>) dst(%dma_wait3A_54 : memref<10240x16xf32, #tpu.memory_space<vmem_shared>>)
    }
    %scan3A_43 = arith.constant 40 : i32
    %barrier3A_44 = arith.constant 0 : index
    tpu.barrier barrier_id(%barrier3A_44)
    %mul3A_45 = arith.constant 640 : i32
    %mul3A_46 = arith.muli %arg1, %mul3A_45 : i32
    %mul3A_47 = arith.constant 640 : i32
    %mul3A_48 = arith.muli %arg1, %mul3A_47 : i32
    "tpu.region"() ({
      %run_scoped3A = tpu.sem_alloc : memref<!tpu.dma_semaphore, #tpu.memory_space<semaphore_mem>>
      %dma_start3A = arith.constant 0 : i32
      %dma_start3A_49 = tpu.memref_slice %arg3[%arg0, %mul3A_48, %dma_start3A] : memref<2x10240x16xf32, #tpu.memory_space<hbm>> -> memref<1x640x16xf32, #tpu.memory_space<hbm>>
      %dma_start3A_50 = tpu.memref_squeeze %dma_start3A_49 : memref<1x640x16xf32, #tpu.memory_space<hbm>> -> memref<640x16xf32, #tpu.memory_space<hbm>>
      %dma_start3A_51 = arith.constant 0 : i32
      %dma_start3A_52 = tpu.memref_slice %arg6[%mul3A_46, %dma_start3A_51] : memref<10240x16xf32, #tpu.memory_space<vmem_shared>> -> memref<640x16xf32, #tpu.memory_space<vmem_shared>>
      tpu.enqueue_dma source(%dma_start3A_52 : memref<640x16xf32, #tpu.memory_space<vmem_shared>>) target(%dma_start3A_50 : memref<640x16xf32, #tpu.memory_space<hbm>>) target_semaphore(%run_scoped3A : memref<!tpu.dma_semaphore, #tpu.memory_space<semaphore_mem>>)
      %dma_wait3A = arith.constant 0 : i32
      %dma_wait3A_53 = tpu.memref_slice %arg3[%arg0, %mul3A_48, %dma_wait3A] : memref<2x10240x16xf32, #tpu.memory_space<hbm>> -> memref<1x640x16xf32, #tpu.memory_space<hbm>>
      %dma_wait3A_54 = tpu.memref_squeeze %dma_wait3A_53 : memref<1x640x16xf32, #tpu.memory_space<hbm>> -> memref<640x16xf32, #tpu.memory_space<hbm>>
      %dma_wait3A_55 = arith.constant 0 : i32
      %dma_wait3A_56 = tpu.memref_slice %arg6[%mul3A_46, %dma_wait3A_55] : memref<10240x16xf32, #tpu.memory_space<vmem_shared>> -> memref<640x16xf32, #tpu.memory_space<vmem_shared>>
      tpu.wait_dma2 semaphore(%run_scoped3A : memref<!tpu.dma_semaphore, #tpu.memory_space<semaphore_mem>>) src(%dma_wait3A_56 : memref<640x16xf32, #tpu.memory_space<vmem_shared>>) dst(%dma_wait3A_54 : memref<640x16xf32, #tpu.memory_space<hbm>>)
      tpu.yield
    }) : () -> ()
    return
  }
}

#map = affine_map<(d0, d1) -> (0, 0)>
#map1 = affine_map<(d0, d1) -> (0, 0, 0)>
module attributes {stable_mosaic.version = 14 : i64} {
  func.func @_prop1_kernel(%arg0: i32, %arg1: i32, %arg2: memref<10240x256xbf16, #tpu.memory_space<hbm>>, %arg3: memref<32x40x128xi32, #tpu.memory_space<hbm>>, %arg4: memref<32x40x128xi32, #tpu.memory_space<hbm>>, %arg5: memref<2x10240x256xbf16, #tpu.memory_space<hbm>>, %arg6: memref<4x128xi32, #tpu.memory_space<vmem>>, %arg7: memref<4x128xi32, #tpu.memory_space<vmem>>, %arg8: memref<128x256xbf16, #tpu.memory_space<vmem>>, %arg9: memref<128x256xbf16, #tpu.memory_space<vmem>>, %arg10: memref<10240x256xbf16, #tpu.memory_space<vmem_shared>>, %arg11: memref<!tpu.dma_semaphore, #tpu.memory_space<semaphore_mem>>, %arg12: memref<!tpu.dma_semaphore, #tpu.memory_space<semaphore_mem>>, %arg13: memref<!tpu.dma_semaphore, #tpu.memory_space<semaphore_mem>>, %arg14: memref<!tpu.dma_semaphore, #tpu.memory_space<semaphore_mem>>, %arg15: memref<!tpu.dma_semaphore, #tpu.memory_space<semaphore_mem>>, %arg16: memref<!tpu.dma_semaphore, #tpu.memory_space<semaphore_mem>>, %arg17: memref<!tpu.dma_semaphore, #tpu.memory_space<semaphore_mem>>, %arg18: memref<!tpu.dma_semaphore, #tpu.memory_space<semaphore_mem>>) attributes {dimension_semantics = [#tpu.dimension_semantics<core_parallel>, #tpu.dimension_semantics<subcore_parallel>], iteration_bounds = array<i64: 2, 16>, scalar_prefetch = 0 : i64, scratch_operands = 13 : i64, tpu.core_type = #tpu.core_type<sc_vector_subcore>, window_params = [{transform_indices = #map}, {transform_indices = #map1}, {transform_indices = #map1}, {transform_indices = #map1}]} {
    %mul3A = arith.constant 16 : i32
    %mul3A_0 = arith.muli %arg0, %mul3A : i32
    %add3A = arith.addi %mul3A_0, %arg1 : i32
    %eq3A = arith.constant 0 : i32
    %eq3A_1 = arith.cmpi eq, %arg0, %eq3A : i32
    %convert_element_type3A = arith.extui %eq3A_1 : i1 to i32
    %cond3A = arith.constant 0 : i32
    %cond3A_2 = arith.cmpi ne, %convert_element_type3A, %cond3A : i32
    scf.if %cond3A_2 {
      %mul3A_98 = arith.constant 640 : i32
      %mul3A_99 = arith.muli %arg1, %mul3A_98 : i32
      %mul3A_100 = arith.constant 640 : i32
      %mul3A_101 = arith.muli %arg1, %mul3A_100 : i32
      "tpu.region"() ({
        %run_scoped3A = tpu.sem_alloc : memref<!tpu.dma_semaphore, #tpu.memory_space<semaphore_mem>>
        %dma_start3A_102 = arith.constant 0 : i32
        %dma_start3A_103 = tpu.memref_slice %arg10[%mul3A_101, %dma_start3A_102] : memref<10240x256xbf16, #tpu.memory_space<vmem_shared>> -> memref<640x256xbf16, #tpu.memory_space<vmem_shared>>
        %dma_start3A_104 = arith.constant 0 : i32
        %dma_start3A_105 = tpu.memref_slice %arg2[%mul3A_99, %dma_start3A_104] : memref<10240x256xbf16, #tpu.memory_space<hbm>> -> memref<640x256xbf16, #tpu.memory_space<hbm>>
        tpu.enqueue_dma source(%dma_start3A_105 : memref<640x256xbf16, #tpu.memory_space<hbm>>) target(%dma_start3A_103 : memref<640x256xbf16, #tpu.memory_space<vmem_shared>>) target_semaphore(%run_scoped3A : memref<!tpu.dma_semaphore, #tpu.memory_space<semaphore_mem>>)
        %dma_wait3A_106 = arith.constant 0 : i32
        %dma_wait3A_107 = tpu.memref_slice %arg10[%mul3A_101, %dma_wait3A_106] : memref<10240x256xbf16, #tpu.memory_space<vmem_shared>> -> memref<640x256xbf16, #tpu.memory_space<vmem_shared>>
        %dma_wait3A_108 = arith.constant 0 : i32
        %dma_wait3A_109 = tpu.memref_slice %arg2[%mul3A_99, %dma_wait3A_108] : memref<10240x256xbf16, #tpu.memory_space<hbm>> -> memref<640x256xbf16, #tpu.memory_space<hbm>>
        tpu.wait_dma2 semaphore(%run_scoped3A : memref<!tpu.dma_semaphore, #tpu.memory_space<semaphore_mem>>) src(%dma_wait3A_109 : memref<640x256xbf16, #tpu.memory_space<hbm>>) dst(%dma_wait3A_107 : memref<640x256xbf16, #tpu.memory_space<vmem_shared>>)
        tpu.yield
      }) : () -> ()
    } else {
    }
    %eq3A_3 = arith.constant 1 : i32
    %eq3A_4 = arith.cmpi eq, %arg0, %eq3A_3 : i32
    %convert_element_type3A_5 = arith.extui %eq3A_4 : i1 to i32
    %cond3A_6 = arith.constant 0 : i32
    %cond3A_7 = arith.cmpi ne, %convert_element_type3A_5, %cond3A_6 : i32
    scf.if %cond3A_7 {
      %scan3A_98 = arith.constant 0 : i32
      %scan3A_99 = arith.constant 0 : i32
      %scan3A_100 = arith.constant 128 : i32
      %scan3A_101 = arith.addi %scan3A_99, %scan3A_100 : i32
      %scan3A_102 = arith.constant 1 : i32
      scf.for %scan3A_124 = %scan3A_99 to %scan3A_101 step %scan3A_102  : i32 {
        %broadcast_in_dim3A = arith.constant 0.000000e+00 : bf16
        %broadcast_in_dim3A_125 = vector.broadcast %broadcast_in_dim3A : bf16 to vector<32xbf16>
        %swap3A = arith.index_cast %scan3A_124 : i32 to index
        %swap3A_126 = arith.constant 0 : index
        %swap3A_127 = tpu.vector_load %arg8[%swap3A, %swap3A_126] {strides = array<i32>} : memref<128x256xbf16, #tpu.memory_space<vmem>>, vector<1x32xbf16>,
        %swap3A_128 = vector.shape_cast %swap3A_127 : vector<1x32xbf16> to vector<32xbf16>
        %swap3A_129 = vector.shape_cast %broadcast_in_dim3A_125 : vector<32xbf16> to vector<1x32xbf16>
        tpu.vector_store %arg8[%swap3A, %swap3A_126], %swap3A_129 {strides = array<i32>} : memref<128x256xbf16, #tpu.memory_space<vmem>>, vector<1x32xbf16>,
        %broadcast_in_dim3A_130 = arith.constant 0.000000e+00 : bf16
        %broadcast_in_dim3A_131 = vector.broadcast %broadcast_in_dim3A_130 : bf16 to vector<32xbf16>
        %swap3A_132 = arith.index_cast %scan3A_124 : i32 to index
        %swap3A_133 = arith.constant 32 : index
        %swap3A_134 = tpu.vector_load %arg8[%swap3A_132, %swap3A_133] {strides = array<i32>} : memref<128x256xbf16, #tpu.memory_space<vmem>>, vector<1x32xbf16>,
        %swap3A_135 = vector.shape_cast %swap3A_134 : vector<1x32xbf16> to vector<32xbf16>
        %swap3A_136 = vector.shape_cast %broadcast_in_dim3A_131 : vector<32xbf16> to vector<1x32xbf16>
        tpu.vector_store %arg8[%swap3A_132, %swap3A_133], %swap3A_136 {strides = array<i32>} : memref<128x256xbf16, #tpu.memory_space<vmem>>, vector<1x32xbf16>,
        %broadcast_in_dim3A_137 = arith.constant 0.000000e+00 : bf16
        %broadcast_in_dim3A_138 = vector.broadcast %broadcast_in_dim3A_137 : bf16 to vector<32xbf16>
        %swap3A_139 = arith.index_cast %scan3A_124 : i32 to index
        %swap3A_140 = arith.constant 64 : index
        %swap3A_141 = tpu.vector_load %arg8[%swap3A_139, %swap3A_140] {strides = array<i32>} : memref<128x256xbf16, #tpu.memory_space<vmem>>, vector<1x32xbf16>,
        %swap3A_142 = vector.shape_cast %swap3A_141 : vector<1x32xbf16> to vector<32xbf16>
        %swap3A_143 = vector.shape_cast %broadcast_in_dim3A_138 : vector<32xbf16> to vector<1x32xbf16>
        tpu.vector_store %arg8[%swap3A_139, %swap3A_140], %swap3A_143 {strides = array<i32>} : memref<128x256xbf16, #tpu.memory_space<vmem>>, vector<1x32xbf16>,
        %broadcast_in_dim3A_144 = arith.constant 0.000000e+00 : bf16
        %broadcast_in_dim3A_145 = vector.broadcast %broadcast_in_dim3A_144 : bf16 to vector<32xbf16>
        %swap3A_146 = arith.index_cast %scan3A_124 : i32 to index
        %swap3A_147 = arith.constant 96 : index
        %swap3A_148 = tpu.vector_load %arg8[%swap3A_146, %swap3A_147] {strides = array<i32>} : memref<128x256xbf16, #tpu.memory_space<vmem>>, vector<1x32xbf16>,
        %swap3A_149 = vector.shape_cast %swap3A_148 : vector<1x32xbf16> to vector<32xbf16>
        %swap3A_150 = vector.shape_cast %broadcast_in_dim3A_145 : vector<32xbf16> to vector<1x32xbf16>
        tpu.vector_store %arg8[%swap3A_146, %swap3A_147], %swap3A_150 {strides = array<i32>} : memref<128x256xbf16, #tpu.memory_space<vmem>>, vector<1x32xbf16>,
        %broadcast_in_dim3A_151 = arith.constant 0.000000e+00 : bf16
        %broadcast_in_dim3A_152 = vector.broadcast %broadcast_in_dim3A_151 : bf16 to vector<32xbf16>
        %swap3A_153 = arith.index_cast %scan3A_124 : i32 to index
        %swap3A_154 = arith.constant 128 : index
        %swap3A_155 = tpu.vector_load %arg8[%swap3A_153, %swap3A_154] {strides = array<i32>} : memref<128x256xbf16, #tpu.memory_space<vmem>>, vector<1x32xbf16>,
        %swap3A_156 = vector.shape_cast %swap3A_155 : vector<1x32xbf16> to vector<32xbf16>
        %swap3A_157 = vector.shape_cast %broadcast_in_dim3A_152 : vector<32xbf16> to vector<1x32xbf16>
        tpu.vector_store %arg8[%swap3A_153, %swap3A_154], %swap3A_157 {strides = array<i32>} : memref<128x256xbf16, #tpu.memory_space<vmem>>, vector<1x32xbf16>,
        %broadcast_in_dim3A_158 = arith.constant 0.000000e+00 : bf16
        %broadcast_in_dim3A_159 = vector.broadcast %broadcast_in_dim3A_158 : bf16 to vector<32xbf16>
        %swap3A_160 = arith.index_cast %scan3A_124 : i32 to index
        %swap3A_161 = arith.constant 160 : index
        %swap3A_162 = tpu.vector_load %arg8[%swap3A_160, %swap3A_161] {strides = array<i32>} : memref<128x256xbf16, #tpu.memory_space<vmem>>, vector<1x32xbf16>,
        %swap3A_163 = vector.shape_cast %swap3A_162 : vector<1x32xbf16> to vector<32xbf16>
        %swap3A_164 = vector.shape_cast %broadcast_in_dim3A_159 : vector<32xbf16> to vector<1x32xbf16>
        tpu.vector_store %arg8[%swap3A_160, %swap3A_161], %swap3A_164 {strides = array<i32>} : memref<128x256xbf16, #tpu.memory_space<vmem>>, vector<1x32xbf16>,
        %broadcast_in_dim3A_165 = arith.constant 0.000000e+00 : bf16
        %broadcast_in_dim3A_166 = vector.broadcast %broadcast_in_dim3A_165 : bf16 to vector<32xbf16>
        %swap3A_167 = arith.index_cast %scan3A_124 : i32 to index
        %swap3A_168 = arith.constant 192 : index
        %swap3A_169 = tpu.vector_load %arg8[%swap3A_167, %swap3A_168] {strides = array<i32>} : memref<128x256xbf16, #tpu.memory_space<vmem>>, vector<1x32xbf16>,
        %swap3A_170 = vector.shape_cast %swap3A_169 : vector<1x32xbf16> to vector<32xbf16>
        %swap3A_171 = vector.shape_cast %broadcast_in_dim3A_166 : vector<32xbf16> to vector<1x32xbf16>
        tpu.vector_store %arg8[%swap3A_167, %swap3A_168], %swap3A_171 {strides = array<i32>} : memref<128x256xbf16, #tpu.memory_space<vmem>>, vector<1x32xbf16>,
        %broadcast_in_dim3A_172 = arith.constant 0.000000e+00 : bf16
        %broadcast_in_dim3A_173 = vector.broadcast %broadcast_in_dim3A_172 : bf16 to vector<32xbf16>
        %swap3A_174 = arith.index_cast %scan3A_124 : i32 to index
        %swap3A_175 = arith.constant 224 : index
        %swap3A_176 = tpu.vector_load %arg8[%swap3A_174, %swap3A_175] {strides = array<i32>} : memref<128x256xbf16, #tpu.memory_space<vmem>>, vector<1x32xbf16>,
        %swap3A_177 = vector.shape_cast %swap3A_176 : vector<1x32xbf16> to vector<32xbf16>
        %swap3A_178 = vector.shape_cast %broadcast_in_dim3A_173 : vector<32xbf16> to vector<1x32xbf16>
        tpu.vector_store %arg8[%swap3A_174, %swap3A_175], %swap3A_178 {strides = array<i32>} : memref<128x256xbf16, #tpu.memory_space<vmem>>, vector<1x32xbf16>,
      }
      %scan3A_103 = arith.constant 128 : i32
      %mul3A_104 = arith.constant 640 : i32
      %mul3A_105 = arith.muli %arg1, %mul3A_104 : i32
      %add3A_106 = arith.constant 0 : i32
      %add3A_107 = arith.addi %mul3A_105, %add3A_106 : i32
      "tpu.region"() ({
        %run_scoped3A = tpu.sem_alloc : memref<!tpu.dma_semaphore, #tpu.memory_space<semaphore_mem>>
        %dma_start3A_124 = arith.constant 0 : i32
        %dma_start3A_125 = tpu.memref_slice %arg10[%add3A_107, %dma_start3A_124] : memref<10240x256xbf16, #tpu.memory_space<vmem_shared>> -> memref<128x256xbf16, #tpu.memory_space<vmem_shared>>
        %dma_start3A_126 = arith.constant 0 : i32
        %dma_start3A_127 = tpu.memref_slice %arg10[%add3A_107, %dma_start3A_126] : memref<10240x256xbf16, #tpu.memory_space<vmem_shared>> -> memref<128x256xbf16, #tpu.memory_space<vmem_shared>>
        tpu.enqueue_dma source(%arg8 : memref<128x256xbf16, #tpu.memory_space<vmem>>) target(%dma_start3A_127 : memref<128x256xbf16, #tpu.memory_space<vmem_shared>>) target_semaphore(%run_scoped3A : memref<!tpu.dma_semaphore, #tpu.memory_space<semaphore_mem>>)
        %dma_wait3A_128 = arith.constant 0 : i32
        %dma_wait3A_129 = tpu.memref_slice %arg10[%add3A_107, %dma_wait3A_128] : memref<10240x256xbf16, #tpu.memory_space<vmem_shared>> -> memref<128x256xbf16, #tpu.memory_space<vmem_shared>>
        %dma_wait3A_130 = arith.constant 0 : i32
        %dma_wait3A_131 = tpu.memref_slice %arg10[%add3A_107, %dma_wait3A_130] : memref<10240x256xbf16, #tpu.memory_space<vmem_shared>> -> memref<128x256xbf16, #tpu.memory_space<vmem_shared>>
        tpu.wait_dma2 semaphore(%run_scoped3A : memref<!tpu.dma_semaphore, #tpu.memory_space<semaphore_mem>>) src(%arg8 : memref<128x256xbf16, #tpu.memory_space<vmem>>) dst(%dma_wait3A_131 : memref<128x256xbf16, #tpu.memory_space<vmem_shared>>)
        tpu.yield
      }) : () -> ()
      %mul3A_108 = arith.constant 640 : i32
      %mul3A_109 = arith.muli %arg1, %mul3A_108 : i32
      %add3A_110 = arith.constant 128 : i32
      %add3A_111 = arith.addi %mul3A_109, %add3A_110 : i32
      "tpu.region"() ({
        %run_scoped3A = tpu.sem_alloc : memref<!tpu.dma_semaphore, #tpu.memory_space<semaphore_mem>>
        %dma_start3A_124 = arith.constant 0 : i32
        %dma_start3A_125 = tpu.memref_slice %arg10[%add3A_111, %dma_start3A_124] : memref<10240x256xbf16, #tpu.memory_space<vmem_shared>> -> memref<128x256xbf16, #tpu.memory_space<vmem_shared>>
        %dma_start3A_126 = arith.constant 0 : i32
        %dma_start3A_127 = tpu.memref_slice %arg10[%add3A_111, %dma_start3A_126] : memref<10240x256xbf16, #tpu.memory_space<vmem_shared>> -> memref<128x256xbf16, #tpu.memory_space<vmem_shared>>
        tpu.enqueue_dma source(%arg8 : memref<128x256xbf16, #tpu.memory_space<vmem>>) target(%dma_start3A_127 : memref<128x256xbf16, #tpu.memory_space<vmem_shared>>) target_semaphore(%run_scoped3A : memref<!tpu.dma_semaphore, #tpu.memory_space<semaphore_mem>>)
        %dma_wait3A_128 = arith.constant 0 : i32
        %dma_wait3A_129 = tpu.memref_slice %arg10[%add3A_111, %dma_wait3A_128] : memref<10240x256xbf16, #tpu.memory_space<vmem_shared>> -> memref<128x256xbf16, #tpu.memory_space<vmem_shared>>
        %dma_wait3A_130 = arith.constant 0 : i32
        %dma_wait3A_131 = tpu.memref_slice %arg10[%add3A_111, %dma_wait3A_130] : memref<10240x256xbf16, #tpu.memory_space<vmem_shared>> -> memref<128x256xbf16, #tpu.memory_space<vmem_shared>>
        tpu.wait_dma2 semaphore(%run_scoped3A : memref<!tpu.dma_semaphore, #tpu.memory_space<semaphore_mem>>) src(%arg8 : memref<128x256xbf16, #tpu.memory_space<vmem>>) dst(%dma_wait3A_131 : memref<128x256xbf16, #tpu.memory_space<vmem_shared>>)
        tpu.yield
      }) : () -> ()
      %mul3A_112 = arith.constant 640 : i32
      %mul3A_113 = arith.muli %arg1, %mul3A_112 : i32
      %add3A_114 = arith.constant 256 : i32
      %add3A_115 = arith.addi %mul3A_113, %add3A_114 : i32
      "tpu.region"() ({
        %run_scoped3A = tpu.sem_alloc : memref<!tpu.dma_semaphore, #tpu.memory_space<semaphore_mem>>
        %dma_start3A_124 = arith.constant 0 : i32
        %dma_start3A_125 = tpu.memref_slice %arg10[%add3A_115, %dma_start3A_124] : memref<10240x256xbf16, #tpu.memory_space<vmem_shared>> -> memref<128x256xbf16, #tpu.memory_space<vmem_shared>>
        %dma_start3A_126 = arith.constant 0 : i32
        %dma_start3A_127 = tpu.memref_slice %arg10[%add3A_115, %dma_start3A_126] : memref<10240x256xbf16, #tpu.memory_space<vmem_shared>> -> memref<128x256xbf16, #tpu.memory_space<vmem_shared>>
        tpu.enqueue_dma source(%arg8 : memref<128x256xbf16, #tpu.memory_space<vmem>>) target(%dma_start3A_127 : memref<128x256xbf16, #tpu.memory_space<vmem_shared>>) target_semaphore(%run_scoped3A : memref<!tpu.dma_semaphore, #tpu.memory_space<semaphore_mem>>)
        %dma_wait3A_128 = arith.constant 0 : i32
        %dma_wait3A_129 = tpu.memref_slice %arg10[%add3A_115, %dma_wait3A_128] : memref<10240x256xbf16, #tpu.memory_space<vmem_shared>> -> memref<128x256xbf16, #tpu.memory_space<vmem_shared>>
        %dma_wait3A_130 = arith.constant 0 : i32
        %dma_wait3A_131 = tpu.memref_slice %arg10[%add3A_115, %dma_wait3A_130] : memref<10240x256xbf16, #tpu.memory_space<vmem_shared>> -> memref<128x256xbf16, #tpu.memory_space<vmem_shared>>
        tpu.wait_dma2 semaphore(%run_scoped3A : memref<!tpu.dma_semaphore, #tpu.memory_space<semaphore_mem>>) src(%arg8 : memref<128x256xbf16, #tpu.memory_space<vmem>>) dst(%dma_wait3A_131 : memref<128x256xbf16, #tpu.memory_space<vmem_shared>>)
        tpu.yield
      }) : () -> ()
      %mul3A_116 = arith.constant 640 : i32
      %mul3A_117 = arith.muli %arg1, %mul3A_116 : i32
      %add3A_118 = arith.constant 384 : i32
      %add3A_119 = arith.addi %mul3A_117, %add3A_118 : i32
      "tpu.region"() ({
        %run_scoped3A = tpu.sem_alloc : memref<!tpu.dma_semaphore, #tpu.memory_space<semaphore_mem>>
        %dma_start3A_124 = arith.constant 0 : i32
        %dma_start3A_125 = tpu.memref_slice %arg10[%add3A_119, %dma_start3A_124] : memref<10240x256xbf16, #tpu.memory_space<vmem_shared>> -> memref<128x256xbf16, #tpu.memory_space<vmem_shared>>
        %dma_start3A_126 = arith.constant 0 : i32
        %dma_start3A_127 = tpu.memref_slice %arg10[%add3A_119, %dma_start3A_126] : memref<10240x256xbf16, #tpu.memory_space<vmem_shared>> -> memref<128x256xbf16, #tpu.memory_space<vmem_shared>>
        tpu.enqueue_dma source(%arg8 : memref<128x256xbf16, #tpu.memory_space<vmem>>) target(%dma_start3A_127 : memref<128x256xbf16, #tpu.memory_space<vmem_shared>>) target_semaphore(%run_scoped3A : memref<!tpu.dma_semaphore, #tpu.memory_space<semaphore_mem>>)
        %dma_wait3A_128 = arith.constant 0 : i32
        %dma_wait3A_129 = tpu.memref_slice %arg10[%add3A_119, %dma_wait3A_128] : memref<10240x256xbf16, #tpu.memory_space<vmem_shared>> -> memref<128x256xbf16, #tpu.memory_space<vmem_shared>>
        %dma_wait3A_130 = arith.constant 0 : i32
        %dma_wait3A_131 = tpu.memref_slice %arg10[%add3A_119, %dma_wait3A_130] : memref<10240x256xbf16, #tpu.memory_space<vmem_shared>> -> memref<128x256xbf16, #tpu.memory_space<vmem_shared>>
        tpu.wait_dma2 semaphore(%run_scoped3A : memref<!tpu.dma_semaphore, #tpu.memory_space<semaphore_mem>>) src(%arg8 : memref<128x256xbf16, #tpu.memory_space<vmem>>) dst(%dma_wait3A_131 : memref<128x256xbf16, #tpu.memory_space<vmem_shared>>)
        tpu.yield
      }) : () -> ()
      %mul3A_120 = arith.constant 640 : i32
      %mul3A_121 = arith.muli %arg1, %mul3A_120 : i32
      %add3A_122 = arith.constant 512 : i32
      %add3A_123 = arith.addi %mul3A_121, %add3A_122 : i32
      "tpu.region"() ({
        %run_scoped3A = tpu.sem_alloc : memref<!tpu.dma_semaphore, #tpu.memory_space<semaphore_mem>>
        %dma_start3A_124 = arith.constant 0 : i32
        %dma_start3A_125 = tpu.memref_slice %arg10[%add3A_123, %dma_start3A_124] : memref<10240x256xbf16, #tpu.memory_space<vmem_shared>> -> memref<128x256xbf16, #tpu.memory_space<vmem_shared>>
        %dma_start3A_126 = arith.constant 0 : i32
        %dma_start3A_127 = tpu.memref_slice %arg10[%add3A_123, %dma_start3A_126] : memref<10240x256xbf16, #tpu.memory_space<vmem_shared>> -> memref<128x256xbf16, #tpu.memory_space<vmem_shared>>
        tpu.enqueue_dma source(%arg8 : memref<128x256xbf16, #tpu.memory_space<vmem>>) target(%dma_start3A_127 : memref<128x256xbf16, #tpu.memory_space<vmem_shared>>) target_semaphore(%run_scoped3A : memref<!tpu.dma_semaphore, #tpu.memory_space<semaphore_mem>>)
        %dma_wait3A_128 = arith.constant 0 : i32
        %dma_wait3A_129 = tpu.memref_slice %arg10[%add3A_123, %dma_wait3A_128] : memref<10240x256xbf16, #tpu.memory_space<vmem_shared>> -> memref<128x256xbf16, #tpu.memory_space<vmem_shared>>
        %dma_wait3A_130 = arith.constant 0 : i32
        %dma_wait3A_131 = tpu.memref_slice %arg10[%add3A_123, %dma_wait3A_130] : memref<10240x256xbf16, #tpu.memory_space<vmem_shared>> -> memref<128x256xbf16, #tpu.memory_space<vmem_shared>>
        tpu.wait_dma2 semaphore(%run_scoped3A : memref<!tpu.dma_semaphore, #tpu.memory_space<semaphore_mem>>) src(%arg8 : memref<128x256xbf16, #tpu.memory_space<vmem>>) dst(%dma_wait3A_131 : memref<128x256xbf16, #tpu.memory_space<vmem_shared>>)
        tpu.yield
      }) : () -> ()
    } else {
    }
    %barrier3A = arith.constant 0 : index
    tpu.barrier barrier_id(%barrier3A)
    %dma_start3A = arith.constant 0 : i32
    %dma_start3A_8 = arith.constant 0 : i32
    %dma_start3A_9 = arith.constant 0 : i32
    %dma_start3A_10 = tpu.memref_slice %arg6[%dma_start3A_8, %dma_start3A_9] : memref<4x128xi32, #tpu.memory_space<vmem>> -> memref<1x128xi32, #tpu.memory_space<vmem>>
    %dma_start3A_11 = tpu.memref_squeeze %dma_start3A_10 : memref<1x128xi32, #tpu.memory_space<vmem>> -> memref<128xi32, #tpu.memory_space<vmem>>
    %dma_start3A_12 = arith.constant 0 : i32
    %dma_start3A_13 = tpu.memref_slice %arg3[%add3A, %dma_start3A, %dma_start3A_12] : memref<32x40x128xi32, #tpu.memory_space<hbm>> -> memref<1x1x128xi32, #tpu.memory_space<hbm>>
    %dma_start3A_14 = tpu.memref_squeeze %dma_start3A_13 : memref<1x1x128xi32, #tpu.memory_space<hbm>> -> memref<128xi32, #tpu.memory_space<hbm>>
    %dma_start3A_15 = arith.constant 0 : i32
    %dma_start3A_16 = tpu.memref_slice %arg6[%dma_start3A_8, %dma_start3A_15] : memref<4x128xi32, #tpu.memory_space<vmem>> -> memref<1x128xi32, #tpu.memory_space<vmem>>
    %dma_start3A_17 = tpu.memref_squeeze %dma_start3A_16 : memref<1x128xi32, #tpu.memory_space<vmem>> -> memref<128xi32, #tpu.memory_space<vmem>>
    %dma_start3A_18 = arith.constant 0 : i32
    %dma_start3A_19 = tpu.memref_slice %arg3[%add3A, %dma_start3A, %dma_start3A_18] : memref<32x40x128xi32, #tpu.memory_space<hbm>> -> memref<1x1x128xi32, #tpu.memory_space<hbm>>
    %dma_start3A_20 = tpu.memref_squeeze %dma_start3A_19 : memref<1x1x128xi32, #tpu.memory_space<hbm>> -> memref<128xi32, #tpu.memory_space<hbm>>
    tpu.enqueue_dma source(%dma_start3A_20 : memref<128xi32, #tpu.memory_space<hbm>>) target(%dma_start3A_17 : memref<128xi32, #tpu.memory_space<vmem>>) target_semaphore(%arg11 : memref<!tpu.dma_semaphore, #tpu.memory_space<semaphore_mem>>)
    %dma_start3A_21 = arith.constant 0 : i32
    %dma_start3A_22 = arith.constant 0 : i32
    %dma_start3A_23 = arith.constant 0 : i32
    %dma_start3A_24 = tpu.memref_slice %arg7[%dma_start3A_22, %dma_start3A_23] : memref<4x128xi32, #tpu.memory_space<vmem>> -> memref<1x128xi32, #tpu.memory_space<vmem>>
    %dma_start3A_25 = tpu.memref_squeeze %dma_start3A_24 : memref<1x128xi32, #tpu.memory_space<vmem>> -> memref<128xi32, #tpu.memory_space<vmem>>
    %dma_start3A_26 = arith.constant 0 : i32
    %dma_start3A_27 = tpu.memref_slice %arg4[%add3A, %dma_start3A_21, %dma_start3A_26] : memref<32x40x128xi32, #tpu.memory_space<hbm>> -> memref<1x1x128xi32, #tpu.memory_space<hbm>>
    %dma_start3A_28 = tpu.memref_squeeze %dma_start3A_27 : memref<1x1x128xi32, #tpu.memory_space<hbm>> -> memref<128xi32, #tpu.memory_space<hbm>>
    %dma_start3A_29 = arith.constant 0 : i32
    %dma_start3A_30 = tpu.memref_slice %arg7[%dma_start3A_22, %dma_start3A_29] : memref<4x128xi32, #tpu.memory_space<vmem>> -> memref<1x128xi32, #tpu.memory_space<vmem>>
    %dma_start3A_31 = tpu.memref_squeeze %dma_start3A_30 : memref<1x128xi32, #tpu.memory_space<vmem>> -> memref<128xi32, #tpu.memory_space<vmem>>
    %dma_start3A_32 = arith.constant 0 : i32
    %dma_start3A_33 = tpu.memref_slice %arg4[%add3A, %dma_start3A_21, %dma_start3A_32] : memref<32x40x128xi32, #tpu.memory_space<hbm>> -> memref<1x1x128xi32, #tpu.memory_space<hbm>>
    %dma_start3A_34 = tpu.memref_squeeze %dma_start3A_33 : memref<1x1x128xi32, #tpu.memory_space<hbm>> -> memref<128xi32, #tpu.memory_space<hbm>>
    tpu.enqueue_dma source(%dma_start3A_34 : memref<128xi32, #tpu.memory_space<hbm>>) target(%dma_start3A_31 : memref<128xi32, #tpu.memory_space<vmem>>) target_semaphore(%arg11 : memref<!tpu.dma_semaphore, #tpu.memory_space<semaphore_mem>>)
    %dma_start3A_35 = arith.constant 1 : i32
    %dma_start3A_36 = arith.constant 1 : i32
    %dma_start3A_37 = arith.constant 0 : i32
    %dma_start3A_38 = tpu.memref_slice %arg6[%dma_start3A_36, %dma_start3A_37] : memref<4x128xi32, #tpu.memory_space<vmem>> -> memref<1x128xi32, #tpu.memory_space<vmem>>
    %dma_start3A_39 = tpu.memref_squeeze %dma_start3A_38 : memref<1x128xi32, #tpu.memory_space<vmem>> -> memref<128xi32, #tpu.memory_space<vmem>>
    %dma_start3A_40 = arith.constant 0 : i32
    %dma_start3A_41 = tpu.memref_slice %arg3[%add3A, %dma_start3A_35, %dma_start3A_40] : memref<32x40x128xi32, #tpu.memory_space<hbm>> -> memref<1x1x128xi32, #tpu.memory_space<hbm>>
    %dma_start3A_42 = tpu.memref_squeeze %dma_start3A_41 : memref<1x1x128xi32, #tpu.memory_space<hbm>> -> memref<128xi32, #tpu.memory_space<hbm>>
    %dma_start3A_43 = arith.constant 0 : i32
    %dma_start3A_44 = tpu.memref_slice %arg6[%dma_start3A_36, %dma_start3A_43] : memref<4x128xi32, #tpu.memory_space<vmem>> -> memref<1x128xi32, #tpu.memory_space<vmem>>
    %dma_start3A_45 = tpu.memref_squeeze %dma_start3A_44 : memref<1x128xi32, #tpu.memory_space<vmem>> -> memref<128xi32, #tpu.memory_space<vmem>>
    %dma_start3A_46 = arith.constant 0 : i32
    %dma_start3A_47 = tpu.memref_slice %arg3[%add3A, %dma_start3A_35, %dma_start3A_46] : memref<32x40x128xi32, #tpu.memory_space<hbm>> -> memref<1x1x128xi32, #tpu.memory_space<hbm>>
    %dma_start3A_48 = tpu.memref_squeeze %dma_start3A_47 : memref<1x1x128xi32, #tpu.memory_space<hbm>> -> memref<128xi32, #tpu.memory_space<hbm>>
    tpu.enqueue_dma source(%dma_start3A_48 : memref<128xi32, #tpu.memory_space<hbm>>) target(%dma_start3A_45 : memref<128xi32, #tpu.memory_space<vmem>>) target_semaphore(%arg12 : memref<!tpu.dma_semaphore, #tpu.memory_space<semaphore_mem>>)
    %dma_start3A_49 = arith.constant 1 : i32
    %dma_start3A_50 = arith.constant 1 : i32
    %dma_start3A_51 = arith.constant 0 : i32
    %dma_start3A_52 = tpu.memref_slice %arg7[%dma_start3A_50, %dma_start3A_51] : memref<4x128xi32, #tpu.memory_space<vmem>> -> memref<1x128xi32, #tpu.memory_space<vmem>>
    %dma_start3A_53 = tpu.memref_squeeze %dma_start3A_52 : memref<1x128xi32, #tpu.memory_space<vmem>> -> memref<128xi32, #tpu.memory_space<vmem>>
    %dma_start3A_54 = arith.constant 0 : i32
    %dma_start3A_55 = tpu.memref_slice %arg4[%add3A, %dma_start3A_49, %dma_start3A_54] : memref<32x40x128xi32, #tpu.memory_space<hbm>> -> memref<1x1x128xi32, #tpu.memory_space<hbm>>
    %dma_start3A_56 = tpu.memref_squeeze %dma_start3A_55 : memref<1x1x128xi32, #tpu.memory_space<hbm>> -> memref<128xi32, #tpu.memory_space<hbm>>
    %dma_start3A_57 = arith.constant 0 : i32
    %dma_start3A_58 = tpu.memref_slice %arg7[%dma_start3A_50, %dma_start3A_57] : memref<4x128xi32, #tpu.memory_space<vmem>> -> memref<1x128xi32, #tpu.memory_space<vmem>>
    %dma_start3A_59 = tpu.memref_squeeze %dma_start3A_58 : memref<1x128xi32, #tpu.memory_space<vmem>> -> memref<128xi32, #tpu.memory_space<vmem>>
    %dma_start3A_60 = arith.constant 0 : i32
    %dma_start3A_61 = tpu.memref_slice %arg4[%add3A, %dma_start3A_49, %dma_start3A_60] : memref<32x40x128xi32, #tpu.memory_space<hbm>> -> memref<1x1x128xi32, #tpu.memory_space<hbm>>
    %dma_start3A_62 = tpu.memref_squeeze %dma_start3A_61 : memref<1x1x128xi32, #tpu.memory_space<hbm>> -> memref<128xi32, #tpu.memory_space<hbm>>
    tpu.enqueue_dma source(%dma_start3A_62 : memref<128xi32, #tpu.memory_space<hbm>>) target(%dma_start3A_59 : memref<128xi32, #tpu.memory_space<vmem>>) target_semaphore(%arg12 : memref<!tpu.dma_semaphore, #tpu.memory_space<semaphore_mem>>)
    %scan3A = arith.constant 0 : i32
    %scan3A_63 = arith.constant 0 : i32
    %scan3A_64 = arith.constant 10 : i32
    %scan3A_65 = arith.addi %scan3A_63, %scan3A_64 : i32
    %scan3A_66 = arith.constant 1 : i32
    scf.for %scan3A_98 = %scan3A_63 to %scan3A_65 step %scan3A_66  : i32 {
      %mul3A_99 = arith.constant 4 : i32
      %mul3A_100 = arith.muli %scan3A_98, %mul3A_99 : i32
      %add3A_101 = arith.constant 0 : i32
      %add3A_102 = arith.addi %mul3A_100, %add3A_101 : i32
      %ge3A = arith.constant 2 : i32
      %ge3A_103 = arith.cmpi sge, %add3A_102, %ge3A : i32
      %convert_element_type3A_104 = arith.extui %ge3A_103 : i1 to i32
      %cond3A_105 = arith.constant 0 : i32
      %cond3A_106 = arith.cmpi ne, %convert_element_type3A_104, %cond3A_105 : i32
      scf.if %cond3A_106 {
        %dma_wait3A_345 = arith.constant 0 : i32
        %dma_wait3A_346 = arith.constant 0 : i32
        %dma_wait3A_347 = tpu.memref_slice %arg7[%dma_wait3A_345, %dma_wait3A_346] : memref<4x128xi32, #tpu.memory_space<vmem>> -> memref<1x128xi32, #tpu.memory_space<vmem>>
        %dma_wait3A_348 = tpu.memref_squeeze %dma_wait3A_347 : memref<1x128xi32, #tpu.memory_space<vmem>> -> memref<128xi32, #tpu.memory_space<vmem>>
        %dma_wait3A_349 = arith.constant 0 : i32
        %dma_wait3A_350 = arith.constant 0 : i32
        %dma_wait3A_351 = tpu.memref_slice %arg10[%dma_wait3A_349, %dma_wait3A_350] : memref<10240x256xbf16, #tpu.memory_space<vmem_shared>> -> memref<10240x256xbf16, #tpu.memory_space<vmem_shared>>
        tpu.wait_indirect_dma semaphore(%arg17 : memref<!tpu.dma_semaphore, #tpu.memory_space<semaphore_mem>>) src(%arg8 : memref<128x256xbf16, #tpu.memory_space<vmem>>) dst(%dma_wait3A_351 : memref<10240x256xbf16, #tpu.memory_space<vmem_shared>>)
      } else {
      }
      %add3A_107 = arith.constant 2 : i32
      %add3A_108 = arith.addi %add3A_102, %add3A_107 : i32
      %lt3A = arith.constant 40 : i32
      %lt3A_109 = arith.cmpi slt, %add3A_108, %lt3A : i32
      %convert_element_type3A_110 = arith.extui %lt3A_109 : i1 to i32
      %cond3A_111 = arith.constant 0 : i32
      %cond3A_112 = arith.cmpi ne, %convert_element_type3A_110, %cond3A_111 : i32
      scf.if %cond3A_112 {
        %add3A_345 = arith.constant 2 : i32
        %add3A_346 = arith.addi %add3A_102, %add3A_345 : i32
        %dma_start3A_347 = arith.constant 2 : i32
        %dma_start3A_348 = arith.constant 0 : i32
        %dma_start3A_349 = tpu.memref_slice %arg6[%dma_start3A_347, %dma_start3A_348] : memref<4x128xi32, #tpu.memory_space<vmem>> -> memref<1x128xi32, #tpu.memory_space<vmem>>
        %dma_start3A_350 = tpu.memref_squeeze %dma_start3A_349 : memref<1x128xi32, #tpu.memory_space<vmem>> -> memref<128xi32, #tpu.memory_space<vmem>>
        %dma_start3A_351 = arith.constant 0 : i32
        %dma_start3A_352 = tpu.memref_slice %arg3[%add3A, %add3A_346, %dma_start3A_351] : memref<32x40x128xi32, #tpu.memory_space<hbm>> -> memref<1x1x128xi32, #tpu.memory_space<hbm>>
        %dma_start3A_353 = tpu.memref_squeeze %dma_start3A_352 : memref<1x1x128xi32, #tpu.memory_space<hbm>> -> memref<128xi32, #tpu.memory_space<hbm>>
        %dma_start3A_354 = arith.constant 0 : i32
        %dma_start3A_355 = tpu.memref_slice %arg6[%dma_start3A_347, %dma_start3A_354] : memref<4x128xi32, #tpu.memory_space<vmem>> -> memref<1x128xi32, #tpu.memory_space<vmem>>
        %dma_start3A_356 = tpu.memref_squeeze %dma_start3A_355 : memref<1x128xi32, #tpu.memory_space<vmem>> -> memref<128xi32, #tpu.memory_space<vmem>>
        %dma_start3A_357 = arith.constant 0 : i32
        %dma_start3A_358 = tpu.memref_slice %arg3[%add3A, %add3A_346, %dma_start3A_357] : memref<32x40x128xi32, #tpu.memory_space<hbm>> -> memref<1x1x128xi32, #tpu.memory_space<hbm>>
        %dma_start3A_359 = tpu.memref_squeeze %dma_start3A_358 : memref<1x1x128xi32, #tpu.memory_space<hbm>> -> memref<128xi32, #tpu.memory_space<hbm>>
        tpu.enqueue_dma source(%dma_start3A_359 : memref<128xi32, #tpu.memory_space<hbm>>) target(%dma_start3A_356 : memref<128xi32, #tpu.memory_space<vmem>>) target_semaphore(%arg13 : memref<!tpu.dma_semaphore, #tpu.memory_space<semaphore_mem>>)
        %add3A_360 = arith.constant 2 : i32
        %add3A_361 = arith.addi %add3A_102, %add3A_360 : i32
        %dma_start3A_362 = arith.constant 2 : i32
        %dma_start3A_363 = arith.constant 0 : i32
        %dma_start3A_364 = tpu.memref_slice %arg7[%dma_start3A_362, %dma_start3A_363] : memref<4x128xi32, #tpu.memory_space<vmem>> -> memref<1x128xi32, #tpu.memory_space<vmem>>
        %dma_start3A_365 = tpu.memref_squeeze %dma_start3A_364 : memref<1x128xi32, #tpu.memory_space<vmem>> -> memref<128xi32, #tpu.memory_space<vmem>>
        %dma_start3A_366 = arith.constant 0 : i32
        %dma_start3A_367 = tpu.memref_slice %arg4[%add3A, %add3A_361, %dma_start3A_366] : memref<32x40x128xi32, #tpu.memory_space<hbm>> -> memref<1x1x128xi32, #tpu.memory_space<hbm>>
        %dma_start3A_368 = tpu.memref_squeeze %dma_start3A_367 : memref<1x1x128xi32, #tpu.memory_space<hbm>> -> memref<128xi32, #tpu.memory_space<hbm>>
        %dma_start3A_369 = arith.constant 0 : i32
        %dma_start3A_370 = tpu.memref_slice %arg7[%dma_start3A_362, %dma_start3A_369] : memref<4x128xi32, #tpu.memory_space<vmem>> -> memref<1x128xi32, #tpu.memory_space<vmem>>
        %dma_start3A_371 = tpu.memref_squeeze %dma_start3A_370 : memref<1x128xi32, #tpu.memory_space<vmem>> -> memref<128xi32, #tpu.memory_space<vmem>>
        %dma_start3A_372 = arith.constant 0 : i32
        %dma_start3A_373 = tpu.memref_slice %arg4[%add3A, %add3A_361, %dma_start3A_372] : memref<32x40x128xi32, #tpu.memory_space<hbm>> -> memref<1x1x128xi32, #tpu.memory_space<hbm>>
        %dma_start3A_374 = tpu.memref_squeeze %dma_start3A_373 : memref<1x1x128xi32, #tpu.memory_space<hbm>> -> memref<128xi32, #tpu.memory_space<hbm>>
        tpu.enqueue_dma source(%dma_start3A_374 : memref<128xi32, #tpu.memory_space<hbm>>) target(%dma_start3A_371 : memref<128xi32, #tpu.memory_space<vmem>>) target_semaphore(%arg13 : memref<!tpu.dma_semaphore, #tpu.memory_space<semaphore_mem>>)
      } else {
      }
      %dma_wait3A_113 = arith.constant 0 : i32
      %dma_wait3A_114 = arith.constant 0 : i32
      %dma_wait3A_115 = tpu.memref_slice %arg6[%dma_wait3A_113, %dma_wait3A_114] : memref<4x128xi32, #tpu.memory_space<vmem>> -> memref<1x128xi32, #tpu.memory_space<vmem>>
      %dma_wait3A_116 = tpu.memref_squeeze %dma_wait3A_115 : memref<1x128xi32, #tpu.memory_space<vmem>> -> memref<128xi32, #tpu.memory_space<vmem>>
      %dma_wait3A_117 = arith.constant 0 : i32
      %dma_wait3A_118 = tpu.memref_slice %arg3[%add3A, %add3A_102, %dma_wait3A_117] : memref<32x40x128xi32, #tpu.memory_space<hbm>> -> memref<1x1x128xi32, #tpu.memory_space<hbm>>
      %dma_wait3A_119 = tpu.memref_squeeze %dma_wait3A_118 : memref<1x1x128xi32, #tpu.memory_space<hbm>> -> memref<128xi32, #tpu.memory_space<hbm>>
      %dma_wait3A_120 = arith.constant 0 : i32
      %dma_wait3A_121 = tpu.memref_slice %arg6[%dma_wait3A_113, %dma_wait3A_120] : memref<4x128xi32, #tpu.memory_space<vmem>> -> memref<1x128xi32, #tpu.memory_space<vmem>>
      %dma_wait3A_122 = tpu.memref_squeeze %dma_wait3A_121 : memref<1x128xi32, #tpu.memory_space<vmem>> -> memref<128xi32, #tpu.memory_space<vmem>>
      %dma_wait3A_123 = arith.constant 0 : i32
      %dma_wait3A_124 = tpu.memref_slice %arg3[%add3A, %add3A_102, %dma_wait3A_123] : memref<32x40x128xi32, #tpu.memory_space<hbm>> -> memref<1x1x128xi32, #tpu.memory_space<hbm>>
      %dma_wait3A_125 = tpu.memref_squeeze %dma_wait3A_124 : memref<1x1x128xi32, #tpu.memory_space<hbm>> -> memref<128xi32, #tpu.memory_space<hbm>>
      tpu.wait_dma2 semaphore(%arg11 : memref<!tpu.dma_semaphore, #tpu.memory_space<semaphore_mem>>) src(%dma_wait3A_125 : memref<128xi32, #tpu.memory_space<hbm>>) dst(%dma_wait3A_122 : memref<128xi32, #tpu.memory_space<vmem>>)
      %dma_wait3A_126 = arith.constant 0 : i32
      %dma_wait3A_127 = arith.constant 0 : i32
      %dma_wait3A_128 = tpu.memref_slice %arg7[%dma_wait3A_126, %dma_wait3A_127] : memref<4x128xi32, #tpu.memory_space<vmem>> -> memref<1x128xi32, #tpu.memory_space<vmem>>
      %dma_wait3A_129 = tpu.memref_squeeze %dma_wait3A_128 : memref<1x128xi32, #tpu.memory_space<vmem>> -> memref<128xi32, #tpu.memory_space<vmem>>
      %dma_wait3A_130 = arith.constant 0 : i32
      %dma_wait3A_131 = tpu.memref_slice %arg4[%add3A, %add3A_102, %dma_wait3A_130] : memref<32x40x128xi32, #tpu.memory_space<hbm>> -> memref<1x1x128xi32, #tpu.memory_space<hbm>>
      %dma_wait3A_132 = tpu.memref_squeeze %dma_wait3A_131 : memref<1x1x128xi32, #tpu.memory_space<hbm>> -> memref<128xi32, #tpu.memory_space<hbm>>
      %dma_wait3A_133 = arith.constant 0 : i32
      %dma_wait3A_134 = tpu.memref_slice %arg7[%dma_wait3A_126, %dma_wait3A_133] : memref<4x128xi32, #tpu.memory_space<vmem>> -> memref<1x128xi32, #tpu.memory_space<vmem>>
      %dma_wait3A_135 = tpu.memref_squeeze %dma_wait3A_134 : memref<1x128xi32, #tpu.memory_space<vmem>> -> memref<128xi32, #tpu.memory_space<vmem>>
      %dma_wait3A_136 = arith.constant 0 : i32
      %dma_wait3A_137 = tpu.memref_slice %arg4[%add3A, %add3A_102, %dma_wait3A_136] : memref<32x40x128xi32, #tpu.memory_space<hbm>> -> memref<1x1x128xi32, #tpu.memory_space<hbm>>
      %dma_wait3A_138 = tpu.memref_squeeze %dma_wait3A_137 : memref<1x1x128xi32, #tpu.memory_space<hbm>> -> memref<128xi32, #tpu.memory_space<hbm>>
      tpu.wait_dma2 semaphore(%arg11 : memref<!tpu.dma_semaphore, #tpu.memory_space<semaphore_mem>>) src(%dma_wait3A_138 : memref<128xi32, #tpu.memory_space<hbm>>) dst(%dma_wait3A_135 : memref<128xi32, #tpu.memory_space<vmem>>)
      %dma_start3A_139 = arith.constant 0 : i32
      %dma_start3A_140 = arith.constant 0 : i32
      %dma_start3A_141 = tpu.memref_slice %arg6[%dma_start3A_139, %dma_start3A_140] : memref<4x128xi32, #tpu.memory_space<vmem>> -> memref<1x128xi32, #tpu.memory_space<vmem>>
      %dma_start3A_142 = tpu.memref_squeeze %dma_start3A_141 : memref<1x128xi32, #tpu.memory_space<vmem>> -> memref<128xi32, #tpu.memory_space<vmem>>
      %dma_start3A_143 = arith.constant 0 : i32
      %dma_start3A_144 = arith.constant 0 : i32
      %dma_start3A_145 = tpu.memref_slice %arg2[%dma_start3A_143, %dma_start3A_144] : memref<10240x256xbf16, #tpu.memory_space<hbm>> -> memref<10240x256xbf16, #tpu.memory_space<hbm>>
      tpu.enqueue_indirect_dma source(%dma_start3A_145 : memref<10240x256xbf16, #tpu.memory_space<hbm>>) target(%arg8 : memref<128x256xbf16, #tpu.memory_space<vmem>>) offsets(%dma_start3A_142 : memref<128xi32, #tpu.memory_space<vmem>>) semaphore(%arg15 : memref<!tpu.dma_semaphore, #tpu.memory_space<semaphore_mem>>)
      %ge3A_146 = arith.constant 1 : i32
      %ge3A_147 = arith.cmpi sge, %add3A_102, %ge3A_146 : i32
      %convert_element_type3A_148 = arith.extui %ge3A_147 : i1 to i32
      %cond3A_149 = arith.constant 0 : i32
      %cond3A_150 = arith.cmpi ne, %convert_element_type3A_148, %cond3A_149 : i32
      scf.if %cond3A_150 {
        %sub3A_345 = arith.constant 1 : i32
        %sub3A_346 = arith.subi %add3A_102, %sub3A_345 : i32
        %dma_wait3A_347 = arith.constant 3 : i32
        %dma_wait3A_348 = arith.constant 0 : i32
        %dma_wait3A_349 = tpu.memref_slice %arg6[%dma_wait3A_347, %dma_wait3A_348] : memref<4x128xi32, #tpu.memory_space<vmem>> -> memref<1x128xi32, #tpu.memory_space<vmem>>
        %dma_wait3A_350 = tpu.memref_squeeze %dma_wait3A_349 : memref<1x128xi32, #tpu.memory_space<vmem>> -> memref<128xi32, #tpu.memory_space<vmem>>
        %dma_wait3A_351 = arith.constant 0 : i32
        %dma_wait3A_352 = arith.constant 0 : i32
        %dma_wait3A_353 = tpu.memref_slice %arg2[%dma_wait3A_351, %dma_wait3A_352] : memref<10240x256xbf16, #tpu.memory_space<hbm>> -> memref<10240x256xbf16, #tpu.memory_space<hbm>>
        tpu.wait_indirect_dma semaphore(%arg16 : memref<!tpu.dma_semaphore, #tpu.memory_space<semaphore_mem>>) src(%dma_wait3A_353 : memref<10240x256xbf16, #tpu.memory_space<hbm>>) dst(%arg9 : memref<128x256xbf16, #tpu.memory_space<vmem>>)
        %dma_start3A_354 = arith.constant 3 : i32
        %dma_start3A_355 = arith.constant 0 : i32
        %dma_start3A_356 = tpu.memref_slice %arg7[%dma_start3A_354, %dma_start3A_355] : memref<4x128xi32, #tpu.memory_space<vmem>> -> memref<1x128xi32, #tpu.memory_space<vmem>>
        %dma_start3A_357 = tpu.memref_squeeze %dma_start3A_356 : memref<1x128xi32, #tpu.memory_space<vmem>> -> memref<128xi32, #tpu.memory_space<vmem>>
        %dma_start3A_358 = arith.constant 0 : i32
        %dma_start3A_359 = arith.constant 0 : i32
        %dma_start3A_360 = tpu.memref_slice %arg10[%dma_start3A_358, %dma_start3A_359] : memref<10240x256xbf16, #tpu.memory_space<vmem_shared>> -> memref<10240x256xbf16, #tpu.memory_space<vmem_shared>>
        tpu.enqueue_indirect_dma source(%arg9 : memref<128x256xbf16, #tpu.memory_space<vmem>>) target(%dma_start3A_360 : memref<10240x256xbf16, #tpu.memory_space<vmem_shared>>) offsets(%dma_start3A_357 : memref<128xi32, #tpu.memory_space<vmem>>) semaphore(%arg18 : memref<!tpu.dma_semaphore, #tpu.memory_space<semaphore_mem>>) {add = true}
      } else {
      }
      %mul3A_151 = arith.constant 4 : i32
      %mul3A_152 = arith.muli %scan3A_98, %mul3A_151 : i32
      %add3A_153 = arith.constant 1 : i32
      %add3A_154 = arith.addi %mul3A_152, %add3A_153 : i32
      %ge3A_155 = arith.constant 2 : i32
      %ge3A_156 = arith.cmpi sge, %add3A_154, %ge3A_155 : i32
      %convert_element_type3A_157 = arith.extui %ge3A_156 : i1 to i32
      %cond3A_158 = arith.constant 0 : i32
      %cond3A_159 = arith.cmpi ne, %convert_element_type3A_157, %cond3A_158 : i32
      scf.if %cond3A_159 {
        %dma_wait3A_345 = arith.constant 1 : i32
        %dma_wait3A_346 = arith.constant 0 : i32
        %dma_wait3A_347 = tpu.memref_slice %arg7[%dma_wait3A_345, %dma_wait3A_346] : memref<4x128xi32, #tpu.memory_space<vmem>> -> memref<1x128xi32, #tpu.memory_space<vmem>>
        %dma_wait3A_348 = tpu.memref_squeeze %dma_wait3A_347 : memref<1x128xi32, #tpu.memory_space<vmem>> -> memref<128xi32, #tpu.memory_space<vmem>>
        %dma_wait3A_349 = arith.constant 0 : i32
        %dma_wait3A_350 = arith.constant 0 : i32
        %dma_wait3A_351 = tpu.memref_slice %arg10[%dma_wait3A_349, %dma_wait3A_350] : memref<10240x256xbf16, #tpu.memory_space<vmem_shared>> -> memref<10240x256xbf16, #tpu.memory_space<vmem_shared>>
        tpu.wait_indirect_dma semaphore(%arg18 : memref<!tpu.dma_semaphore, #tpu.memory_space<semaphore_mem>>) src(%arg9 : memref<128x256xbf16, #tpu.memory_space<vmem>>) dst(%dma_wait3A_351 : memref<10240x256xbf16, #tpu.memory_space<vmem_shared>>)
      } else {
      }
      %add3A_160 = arith.constant 2 : i32
      %add3A_161 = arith.addi %add3A_154, %add3A_160 : i32
      %lt3A_162 = arith.constant 40 : i32
      %lt3A_163 = arith.cmpi slt, %add3A_161, %lt3A_162 : i32
      %convert_element_type3A_164 = arith.extui %lt3A_163 : i1 to i32
      %cond3A_165 = arith.constant 0 : i32
      %cond3A_166 = arith.cmpi ne, %convert_element_type3A_164, %cond3A_165 : i32
      scf.if %cond3A_166 {
        %add3A_345 = arith.constant 2 : i32
        %add3A_346 = arith.addi %add3A_154, %add3A_345 : i32
        %dma_start3A_347 = arith.constant 3 : i32
        %dma_start3A_348 = arith.constant 0 : i32
        %dma_start3A_349 = tpu.memref_slice %arg6[%dma_start3A_347, %dma_start3A_348] : memref<4x128xi32, #tpu.memory_space<vmem>> -> memref<1x128xi32, #tpu.memory_space<vmem>>
        %dma_start3A_350 = tpu.memref_squeeze %dma_start3A_349 : memref<1x128xi32, #tpu.memory_space<vmem>> -> memref<128xi32, #tpu.memory_space<vmem>>
        %dma_start3A_351 = arith.constant 0 : i32
        %dma_start3A_352 = tpu.memref_slice %arg3[%add3A, %add3A_346, %dma_start3A_351] : memref<32x40x128xi32, #tpu.memory_space<hbm>> -> memref<1x1x128xi32, #tpu.memory_space<hbm>>
        %dma_start3A_353 = tpu.memref_squeeze %dma_start3A_352 : memref<1x1x128xi32, #tpu.memory_space<hbm>> -> memref<128xi32, #tpu.memory_space<hbm>>
        %dma_start3A_354 = arith.constant 0 : i32
        %dma_start3A_355 = tpu.memref_slice %arg6[%dma_start3A_347, %dma_start3A_354] : memref<4x128xi32, #tpu.memory_space<vmem>> -> memref<1x128xi32, #tpu.memory_space<vmem>>
        %dma_start3A_356 = tpu.memref_squeeze %dma_start3A_355 : memref<1x128xi32, #tpu.memory_space<vmem>> -> memref<128xi32, #tpu.memory_space<vmem>>
        %dma_start3A_357 = arith.constant 0 : i32
        %dma_start3A_358 = tpu.memref_slice %arg3[%add3A, %add3A_346, %dma_start3A_357] : memref<32x40x128xi32, #tpu.memory_space<hbm>> -> memref<1x1x128xi32, #tpu.memory_space<hbm>>
        %dma_start3A_359 = tpu.memref_squeeze %dma_start3A_358 : memref<1x1x128xi32, #tpu.memory_space<hbm>> -> memref<128xi32, #tpu.memory_space<hbm>>
        tpu.enqueue_dma source(%dma_start3A_359 : memref<128xi32, #tpu.memory_space<hbm>>) target(%dma_start3A_356 : memref<128xi32, #tpu.memory_space<vmem>>) target_semaphore(%arg14 : memref<!tpu.dma_semaphore, #tpu.memory_space<semaphore_mem>>)
        %add3A_360 = arith.constant 2 : i32
        %add3A_361 = arith.addi %add3A_154, %add3A_360 : i32
        %dma_start3A_362 = arith.constant 3 : i32
        %dma_start3A_363 = arith.constant 0 : i32
        %dma_start3A_364 = tpu.memref_slice %arg7[%dma_start3A_362, %dma_start3A_363] : memref<4x128xi32, #tpu.memory_space<vmem>> -> memref<1x128xi32, #tpu.memory_space<vmem>>
        %dma_start3A_365 = tpu.memref_squeeze %dma_start3A_364 : memref<1x128xi32, #tpu.memory_space<vmem>> -> memref<128xi32, #tpu.memory_space<vmem>>
        %dma_start3A_366 = arith.constant 0 : i32
        %dma_start3A_367 = tpu.memref_slice %arg4[%add3A, %add3A_361, %dma_start3A_366] : memref<32x40x128xi32, #tpu.memory_space<hbm>> -> memref<1x1x128xi32, #tpu.memory_space<hbm>>
        %dma_start3A_368 = tpu.memref_squeeze %dma_start3A_367 : memref<1x1x128xi32, #tpu.memory_space<hbm>> -> memref<128xi32, #tpu.memory_space<hbm>>
        %dma_start3A_369 = arith.constant 0 : i32
        %dma_start3A_370 = tpu.memref_slice %arg7[%dma_start3A_362, %dma_start3A_369] : memref<4x128xi32, #tpu.memory_space<vmem>> -> memref<1x128xi32, #tpu.memory_space<vmem>>
        %dma_start3A_371 = tpu.memref_squeeze %dma_start3A_370 : memref<1x128xi32, #tpu.memory_space<vmem>> -> memref<128xi32, #tpu.memory_space<vmem>>
        %dma_start3A_372 = arith.constant 0 : i32
        %dma_start3A_373 = tpu.memref_slice %arg4[%add3A, %add3A_361, %dma_start3A_372] : memref<32x40x128xi32, #tpu.memory_space<hbm>> -> memref<1x1x128xi32, #tpu.memory_space<hbm>>
        %dma_start3A_374 = tpu.memref_squeeze %dma_start3A_373 : memref<1x1x128xi32, #tpu.memory_space<hbm>> -> memref<128xi32, #tpu.memory_space<hbm>>
        tpu.enqueue_dma source(%dma_start3A_374 : memref<128xi32, #tpu.memory_space<hbm>>) target(%dma_start3A_371 : memref<128xi32, #tpu.memory_space<vmem>>) target_semaphore(%arg14 : memref<!tpu.dma_semaphore, #tpu.memory_space<semaphore_mem>>)
      } else {
      }
      %dma_wait3A_167 = arith.constant 1 : i32
      %dma_wait3A_168 = arith.constant 0 : i32
      %dma_wait3A_169 = tpu.memref_slice %arg6[%dma_wait3A_167, %dma_wait3A_168] : memref<4x128xi32, #tpu.memory_space<vmem>> -> memref<1x128xi32, #tpu.memory_space<vmem>>
      %dma_wait3A_170 = tpu.memref_squeeze %dma_wait3A_169 : memref<1x128xi32, #tpu.memory_space<vmem>> -> memref<128xi32, #tpu.memory_space<vmem>>
      %dma_wait3A_171 = arith.constant 0 : i32
      %dma_wait3A_172 = tpu.memref_slice %arg3[%add3A, %add3A_154, %dma_wait3A_171] : memref<32x40x128xi32, #tpu.memory_space<hbm>> -> memref<1x1x128xi32, #tpu.memory_space<hbm>>
      %dma_wait3A_173 = tpu.memref_squeeze %dma_wait3A_172 : memref<1x1x128xi32, #tpu.memory_space<hbm>> -> memref<128xi32, #tpu.memory_space<hbm>>
      %dma_wait3A_174 = arith.constant 0 : i32
      %dma_wait3A_175 = tpu.memref_slice %arg6[%dma_wait3A_167, %dma_wait3A_174] : memref<4x128xi32, #tpu.memory_space<vmem>> -> memref<1x128xi32, #tpu.memory_space<vmem>>
      %dma_wait3A_176 = tpu.memref_squeeze %dma_wait3A_175 : memref<1x128xi32, #tpu.memory_space<vmem>> -> memref<128xi32, #tpu.memory_space<vmem>>
      %dma_wait3A_177 = arith.constant 0 : i32
      %dma_wait3A_178 = tpu.memref_slice %arg3[%add3A, %add3A_154, %dma_wait3A_177] : memref<32x40x128xi32, #tpu.memory_space<hbm>> -> memref<1x1x128xi32, #tpu.memory_space<hbm>>
      %dma_wait3A_179 = tpu.memref_squeeze %dma_wait3A_178 : memref<1x1x128xi32, #tpu.memory_space<hbm>> -> memref<128xi32, #tpu.memory_space<hbm>>
      tpu.wait_dma2 semaphore(%arg12 : memref<!tpu.dma_semaphore, #tpu.memory_space<semaphore_mem>>) src(%dma_wait3A_179 : memref<128xi32, #tpu.memory_space<hbm>>) dst(%dma_wait3A_176 : memref<128xi32, #tpu.memory_space<vmem>>)
      %dma_wait3A_180 = arith.constant 1 : i32
      %dma_wait3A_181 = arith.constant 0 : i32
      %dma_wait3A_182 = tpu.memref_slice %arg7[%dma_wait3A_180, %dma_wait3A_181] : memref<4x128xi32, #tpu.memory_space<vmem>> -> memref<1x128xi32, #tpu.memory_space<vmem>>
      %dma_wait3A_183 = tpu.memref_squeeze %dma_wait3A_182 : memref<1x128xi32, #tpu.memory_space<vmem>> -> memref<128xi32, #tpu.memory_space<vmem>>
      %dma_wait3A_184 = arith.constant 0 : i32
      %dma_wait3A_185 = tpu.memref_slice %arg4[%add3A, %add3A_154, %dma_wait3A_184] : memref<32x40x128xi32, #tpu.memory_space<hbm>> -> memref<1x1x128xi32, #tpu.memory_space<hbm>>
      %dma_wait3A_186 = tpu.memref_squeeze %dma_wait3A_185 : memref<1x1x128xi32, #tpu.memory_space<hbm>> -> memref<128xi32, #tpu.memory_space<hbm>>
      %dma_wait3A_187 = arith.constant 0 : i32
      %dma_wait3A_188 = tpu.memref_slice %arg7[%dma_wait3A_180, %dma_wait3A_187] : memref<4x128xi32, #tpu.memory_space<vmem>> -> memref<1x128xi32, #tpu.memory_space<vmem>>
      %dma_wait3A_189 = tpu.memref_squeeze %dma_wait3A_188 : memref<1x128xi32, #tpu.memory_space<vmem>> -> memref<128xi32, #tpu.memory_space<vmem>>
      %dma_wait3A_190 = arith.constant 0 : i32
      %dma_wait3A_191 = tpu.memref_slice %arg4[%add3A, %add3A_154, %dma_wait3A_190] : memref<32x40x128xi32, #tpu.memory_space<hbm>> -> memref<1x1x128xi32, #tpu.memory_space<hbm>>
      %dma_wait3A_192 = tpu.memref_squeeze %dma_wait3A_191 : memref<1x1x128xi32, #tpu.memory_space<hbm>> -> memref<128xi32, #tpu.memory_space<hbm>>
      tpu.wait_dma2 semaphore(%arg12 : memref<!tpu.dma_semaphore, #tpu.memory_space<semaphore_mem>>) src(%dma_wait3A_192 : memref<128xi32, #tpu.memory_space<hbm>>) dst(%dma_wait3A_189 : memref<128xi32, #tpu.memory_space<vmem>>)
      %dma_start3A_193 = arith.constant 1 : i32
      %dma_start3A_194 = arith.constant 0 : i32
      %dma_start3A_195 = tpu.memref_slice %arg6[%dma_start3A_193, %dma_start3A_194] : memref<4x128xi32, #tpu.memory_space<vmem>> -> memref<1x128xi32, #tpu.memory_space<vmem>>
      %dma_start3A_196 = tpu.memref_squeeze %dma_start3A_195 : memref<1x128xi32, #tpu.memory_space<vmem>> -> memref<128xi32, #tpu.memory_space<vmem>>
      %dma_start3A_197 = arith.constant 0 : i32
      %dma_start3A_198 = arith.constant 0 : i32
      %dma_start3A_199 = tpu.memref_slice %arg2[%dma_start3A_197, %dma_start3A_198] : memref<10240x256xbf16, #tpu.memory_space<hbm>> -> memref<10240x256xbf16, #tpu.memory_space<hbm>>
      tpu.enqueue_indirect_dma source(%dma_start3A_199 : memref<10240x256xbf16, #tpu.memory_space<hbm>>) target(%arg9 : memref<128x256xbf16, #tpu.memory_space<vmem>>) offsets(%dma_start3A_196 : memref<128xi32, #tpu.memory_space<vmem>>) semaphore(%arg16 : memref<!tpu.dma_semaphore, #tpu.memory_space<semaphore_mem>>)
      %sub3A = arith.constant 1 : i32
      %sub3A_200 = arith.subi %add3A_154, %sub3A : i32
      %dma_wait3A_201 = arith.constant 0 : i32
      %dma_wait3A_202 = arith.constant 0 : i32
      %dma_wait3A_203 = tpu.memref_slice %arg6[%dma_wait3A_201, %dma_wait3A_202] : memref<4x128xi32, #tpu.memory_space<vmem>> -> memref<1x128xi32, #tpu.memory_space<vmem>>
      %dma_wait3A_204 = tpu.memref_squeeze %dma_wait3A_203 : memref<1x128xi32, #tpu.memory_space<vmem>> -> memref<128xi32, #tpu.memory_space<vmem>>
      %dma_wait3A_205 = arith.constant 0 : i32
      %dma_wait3A_206 = arith.constant 0 : i32
      %dma_wait3A_207 = tpu.memref_slice %arg2[%dma_wait3A_205, %dma_wait3A_206] : memref<10240x256xbf16, #tpu.memory_space<hbm>> -> memref<10240x256xbf16, #tpu.memory_space<hbm>>
      tpu.wait_indirect_dma semaphore(%arg15 : memref<!tpu.dma_semaphore, #tpu.memory_space<semaphore_mem>>) src(%dma_wait3A_207 : memref<10240x256xbf16, #tpu.memory_space<hbm>>) dst(%arg8 : memref<128x256xbf16, #tpu.memory_space<vmem>>)
      %dma_start3A_208 = arith.constant 0 : i32
      %dma_start3A_209 = arith.constant 0 : i32
      %dma_start3A_210 = tpu.memref_slice %arg7[%dma_start3A_208, %dma_start3A_209] : memref<4x128xi32, #tpu.memory_space<vmem>> -> memref<1x128xi32, #tpu.memory_space<vmem>>
      %dma_start3A_211 = tpu.memref_squeeze %dma_start3A_210 : memref<1x128xi32, #tpu.memory_space<vmem>> -> memref<128xi32, #tpu.memory_space<vmem>>
      %dma_start3A_212 = arith.constant 0 : i32
      %dma_start3A_213 = arith.constant 0 : i32
      %dma_start3A_214 = tpu.memref_slice %arg10[%dma_start3A_212, %dma_start3A_213] : memref<10240x256xbf16, #tpu.memory_space<vmem_shared>> -> memref<10240x256xbf16, #tpu.memory_space<vmem_shared>>
      tpu.enqueue_indirect_dma source(%arg8 : memref<128x256xbf16, #tpu.memory_space<vmem>>) target(%dma_start3A_214 : memref<10240x256xbf16, #tpu.memory_space<vmem_shared>>) offsets(%dma_start3A_211 : memref<128xi32, #tpu.memory_space<vmem>>) semaphore(%arg17 : memref<!tpu.dma_semaphore, #tpu.memory_space<semaphore_mem>>) {add = true}
      %mul3A_215 = arith.constant 4 : i32
      %mul3A_216 = arith.muli %scan3A_98, %mul3A_215 : i32
      %add3A_217 = arith.constant 2 : i32
      %add3A_218 = arith.addi %mul3A_216, %add3A_217 : i32
      %ge3A_219 = arith.constant 2 : i32
      %ge3A_220 = arith.cmpi sge, %add3A_218, %ge3A_219 : i32
      %convert_element_type3A_221 = arith.extui %ge3A_220 : i1 to i32
      %cond3A_222 = arith.constant 0 : i32
      %cond3A_223 = arith.cmpi ne, %convert_element_type3A_221, %cond3A_222 : i32
      scf.if %cond3A_223 {
        %dma_wait3A_345 = arith.constant 2 : i32
        %dma_wait3A_346 = arith.constant 0 : i32
        %dma_wait3A_347 = tpu.memref_slice %arg7[%dma_wait3A_345, %dma_wait3A_346] : memref<4x128xi32, #tpu.memory_space<vmem>> -> memref<1x128xi32, #tpu.memory_space<vmem>>
        %dma_wait3A_348 = tpu.memref_squeeze %dma_wait3A_347 : memref<1x128xi32, #tpu.memory_space<vmem>> -> memref<128xi32, #tpu.memory_space<vmem>>
        %dma_wait3A_349 = arith.constant 0 : i32
        %dma_wait3A_350 = arith.constant 0 : i32
        %dma_wait3A_351 = tpu.memref_slice %arg10[%dma_wait3A_349, %dma_wait3A_350] : memref<10240x256xbf16, #tpu.memory_space<vmem_shared>> -> memref<10240x256xbf16, #tpu.memory_space<vmem_shared>>
        tpu.wait_indirect_dma semaphore(%arg17 : memref<!tpu.dma_semaphore, #tpu.memory_space<semaphore_mem>>) src(%arg8 : memref<128x256xbf16, #tpu.memory_space<vmem>>) dst(%dma_wait3A_351 : memref<10240x256xbf16, #tpu.memory_space<vmem_shared>>)
      } else {
      }
      %add3A_224 = arith.constant 2 : i32
      %add3A_225 = arith.addi %add3A_218, %add3A_224 : i32
      %lt3A_226 = arith.constant 40 : i32
      %lt3A_227 = arith.cmpi slt, %add3A_225, %lt3A_226 : i32
      %convert_element_type3A_228 = arith.extui %lt3A_227 : i1 to i32
      %cond3A_229 = arith.constant 0 : i32
      %cond3A_230 = arith.cmpi ne, %convert_element_type3A_228, %cond3A_229 : i32
      scf.if %cond3A_230 {
        %add3A_345 = arith.constant 2 : i32
        %add3A_346 = arith.addi %add3A_218, %add3A_345 : i32
        %dma_start3A_347 = arith.constant 0 : i32
        %dma_start3A_348 = arith.constant 0 : i32
        %dma_start3A_349 = tpu.memref_slice %arg6[%dma_start3A_347, %dma_start3A_348] : memref<4x128xi32, #tpu.memory_space<vmem>> -> memref<1x128xi32, #tpu.memory_space<vmem>>
        %dma_start3A_350 = tpu.memref_squeeze %dma_start3A_349 : memref<1x128xi32, #tpu.memory_space<vmem>> -> memref<128xi32, #tpu.memory_space<vmem>>
        %dma_start3A_351 = arith.constant 0 : i32
        %dma_start3A_352 = tpu.memref_slice %arg3[%add3A, %add3A_346, %dma_start3A_351] : memref<32x40x128xi32, #tpu.memory_space<hbm>> -> memref<1x1x128xi32, #tpu.memory_space<hbm>>
        %dma_start3A_353 = tpu.memref_squeeze %dma_start3A_352 : memref<1x1x128xi32, #tpu.memory_space<hbm>> -> memref<128xi32, #tpu.memory_space<hbm>>
        %dma_start3A_354 = arith.constant 0 : i32
        %dma_start3A_355 = tpu.memref_slice %arg6[%dma_start3A_347, %dma_start3A_354] : memref<4x128xi32, #tpu.memory_space<vmem>> -> memref<1x128xi32, #tpu.memory_space<vmem>>
        %dma_start3A_356 = tpu.memref_squeeze %dma_start3A_355 : memref<1x128xi32, #tpu.memory_space<vmem>> -> memref<128xi32, #tpu.memory_space<vmem>>
        %dma_start3A_357 = arith.constant 0 : i32
        %dma_start3A_358 = tpu.memref_slice %arg3[%add3A, %add3A_346, %dma_start3A_357] : memref<32x40x128xi32, #tpu.memory_space<hbm>> -> memref<1x1x128xi32, #tpu.memory_space<hbm>>
        %dma_start3A_359 = tpu.memref_squeeze %dma_start3A_358 : memref<1x1x128xi32, #tpu.memory_space<hbm>> -> memref<128xi32, #tpu.memory_space<hbm>>
        tpu.enqueue_dma source(%dma_start3A_359 : memref<128xi32, #tpu.memory_space<hbm>>) target(%dma_start3A_356 : memref<128xi32, #tpu.memory_space<vmem>>) target_semaphore(%arg11 : memref<!tpu.dma_semaphore, #tpu.memory_space<semaphore_mem>>)
        %add3A_360 = arith.constant 2 : i32
        %add3A_361 = arith.addi %add3A_218, %add3A_360 : i32
        %dma_start3A_362 = arith.constant 0 : i32
        %dma_start3A_363 = arith.constant 0 : i32
        %dma_start3A_364 = tpu.memref_slice %arg7[%dma_start3A_362, %dma_start3A_363] : memref<4x128xi32, #tpu.memory_space<vmem>> -> memref<1x128xi32, #tpu.memory_space<vmem>>
        %dma_start3A_365 = tpu.memref_squeeze %dma_start3A_364 : memref<1x128xi32, #tpu.memory_space<vmem>> -> memref<128xi32, #tpu.memory_space<vmem>>
        %dma_start3A_366 = arith.constant 0 : i32
        %dma_start3A_367 = tpu.memref_slice %arg4[%add3A, %add3A_361, %dma_start3A_366] : memref<32x40x128xi32, #tpu.memory_space<hbm>> -> memref<1x1x128xi32, #tpu.memory_space<hbm>>
        %dma_start3A_368 = tpu.memref_squeeze %dma_start3A_367 : memref<1x1x128xi32, #tpu.memory_space<hbm>> -> memref<128xi32, #tpu.memory_space<hbm>>
        %dma_start3A_369 = arith.constant 0 : i32
        %dma_start3A_370 = tpu.memref_slice %arg7[%dma_start3A_362, %dma_start3A_369] : memref<4x128xi32, #tpu.memory_space<vmem>> -> memref<1x128xi32, #tpu.memory_space<vmem>>
        %dma_start3A_371 = tpu.memref_squeeze %dma_start3A_370 : memref<1x128xi32, #tpu.memory_space<vmem>> -> memref<128xi32, #tpu.memory_space<vmem>>
        %dma_start3A_372 = arith.constant 0 : i32
        %dma_start3A_373 = tpu.memref_slice %arg4[%add3A, %add3A_361, %dma_start3A_372] : memref<32x40x128xi32, #tpu.memory_space<hbm>> -> memref<1x1x128xi32, #tpu.memory_space<hbm>>
        %dma_start3A_374 = tpu.memref_squeeze %dma_start3A_373 : memref<1x1x128xi32, #tpu.memory_space<hbm>> -> memref<128xi32, #tpu.memory_space<hbm>>
        tpu.enqueue_dma source(%dma_start3A_374 : memref<128xi32, #tpu.memory_space<hbm>>) target(%dma_start3A_371 : memref<128xi32, #tpu.memory_space<vmem>>) target_semaphore(%arg11 : memref<!tpu.dma_semaphore, #tpu.memory_space<semaphore_mem>>)
      } else {
      }
      %dma_wait3A_231 = arith.constant 2 : i32
      %dma_wait3A_232 = arith.constant 0 : i32
      %dma_wait3A_233 = tpu.memref_slice %arg6[%dma_wait3A_231, %dma_wait3A_232] : memref<4x128xi32, #tpu.memory_space<vmem>> -> memref<1x128xi32, #tpu.memory_space<vmem>>
      %dma_wait3A_234 = tpu.memref_squeeze %dma_wait3A_233 : memref<1x128xi32, #tpu.memory_space<vmem>> -> memref<128xi32, #tpu.memory_space<vmem>>
      %dma_wait3A_235 = arith.constant 0 : i32
      %dma_wait3A_236 = tpu.memref_slice %arg3[%add3A, %add3A_218, %dma_wait3A_235] : memref<32x40x128xi32, #tpu.memory_space<hbm>> -> memref<1x1x128xi32, #tpu.memory_space<hbm>>
      %dma_wait3A_237 = tpu.memref_squeeze %dma_wait3A_236 : memref<1x1x128xi32, #tpu.memory_space<hbm>> -> memref<128xi32, #tpu.memory_space<hbm>>
      %dma_wait3A_238 = arith.constant 0 : i32
      %dma_wait3A_239 = tpu.memref_slice %arg6[%dma_wait3A_231, %dma_wait3A_238] : memref<4x128xi32, #tpu.memory_space<vmem>> -> memref<1x128xi32, #tpu.memory_space<vmem>>
      %dma_wait3A_240 = tpu.memref_squeeze %dma_wait3A_239 : memref<1x128xi32, #tpu.memory_space<vmem>> -> memref<128xi32, #tpu.memory_space<vmem>>
      %dma_wait3A_241 = arith.constant 0 : i32
      %dma_wait3A_242 = tpu.memref_slice %arg3[%add3A, %add3A_218, %dma_wait3A_241] : memref<32x40x128xi32, #tpu.memory_space<hbm>> -> memref<1x1x128xi32, #tpu.memory_space<hbm>>
      %dma_wait3A_243 = tpu.memref_squeeze %dma_wait3A_242 : memref<1x1x128xi32, #tpu.memory_space<hbm>> -> memref<128xi32, #tpu.memory_space<hbm>>
      tpu.wait_dma2 semaphore(%arg13 : memref<!tpu.dma_semaphore, #tpu.memory_space<semaphore_mem>>) src(%dma_wait3A_243 : memref<128xi32, #tpu.memory_space<hbm>>) dst(%dma_wait3A_240 : memref<128xi32, #tpu.memory_space<vmem>>)
      %dma_wait3A_244 = arith.constant 2 : i32
      %dma_wait3A_245 = arith.constant 0 : i32
      %dma_wait3A_246 = tpu.memref_slice %arg7[%dma_wait3A_244, %dma_wait3A_245] : memref<4x128xi32, #tpu.memory_space<vmem>> -> memref<1x128xi32, #tpu.memory_space<vmem>>
      %dma_wait3A_247 = tpu.memref_squeeze %dma_wait3A_246 : memref<1x128xi32, #tpu.memory_space<vmem>> -> memref<128xi32, #tpu.memory_space<vmem>>
      %dma_wait3A_248 = arith.constant 0 : i32
      %dma_wait3A_249 = tpu.memref_slice %arg4[%add3A, %add3A_218, %dma_wait3A_248] : memref<32x40x128xi32, #tpu.memory_space<hbm>> -> memref<1x1x128xi32, #tpu.memory_space<hbm>>
      %dma_wait3A_250 = tpu.memref_squeeze %dma_wait3A_249 : memref<1x1x128xi32, #tpu.memory_space<hbm>> -> memref<128xi32, #tpu.memory_space<hbm>>
      %dma_wait3A_251 = arith.constant 0 : i32
      %dma_wait3A_252 = tpu.memref_slice %arg7[%dma_wait3A_244, %dma_wait3A_251] : memref<4x128xi32, #tpu.memory_space<vmem>> -> memref<1x128xi32, #tpu.memory_space<vmem>>
      %dma_wait3A_253 = tpu.memref_squeeze %dma_wait3A_252 : memref<1x128xi32, #tpu.memory_space<vmem>> -> memref<128xi32, #tpu.memory_space<vmem>>
      %dma_wait3A_254 = arith.constant 0 : i32
      %dma_wait3A_255 = tpu.memref_slice %arg4[%add3A, %add3A_218, %dma_wait3A_254] : memref<32x40x128xi32, #tpu.memory_space<hbm>> -> memref<1x1x128xi32, #tpu.memory_space<hbm>>
      %dma_wait3A_256 = tpu.memref_squeeze %dma_wait3A_255 : memref<1x1x128xi32, #tpu.memory_space<hbm>> -> memref<128xi32, #tpu.memory_space<hbm>>
      tpu.wait_dma2 semaphore(%arg13 : memref<!tpu.dma_semaphore, #tpu.memory_space<semaphore_mem>>) src(%dma_wait3A_256 : memref<128xi32, #tpu.memory_space<hbm>>) dst(%dma_wait3A_253 : memref<128xi32, #tpu.memory_space<vmem>>)
      %dma_start3A_257 = arith.constant 2 : i32
      %dma_start3A_258 = arith.constant 0 : i32
      %dma_start3A_259 = tpu.memref_slice %arg6[%dma_start3A_257, %dma_start3A_258] : memref<4x128xi32, #tpu.memory_space<vmem>> -> memref<1x128xi32, #tpu.memory_space<vmem>>
      %dma_start3A_260 = tpu.memref_squeeze %dma_start3A_259 : memref<1x128xi32, #tpu.memory_space<vmem>> -> memref<128xi32, #tpu.memory_space<vmem>>
      %dma_start3A_261 = arith.constant 0 : i32
      %dma_start3A_262 = arith.constant 0 : i32
      %dma_start3A_263 = tpu.memref_slice %arg2[%dma_start3A_261, %dma_start3A_262] : memref<10240x256xbf16, #tpu.memory_space<hbm>> -> memref<10240x256xbf16, #tpu.memory_space<hbm>>
      tpu.enqueue_indirect_dma source(%dma_start3A_263 : memref<10240x256xbf16, #tpu.memory_space<hbm>>) target(%arg8 : memref<128x256xbf16, #tpu.memory_space<vmem>>) offsets(%dma_start3A_260 : memref<128xi32, #tpu.memory_space<vmem>>) semaphore(%arg15 : memref<!tpu.dma_semaphore, #tpu.memory_space<semaphore_mem>>)
      %sub3A_264 = arith.constant 1 : i32
      %sub3A_265 = arith.subi %add3A_218, %sub3A_264 : i32
      %dma_wait3A_266 = arith.constant 1 : i32
      %dma_wait3A_267 = arith.constant 0 : i32
      %dma_wait3A_268 = tpu.memref_slice %arg6[%dma_wait3A_266, %dma_wait3A_267] : memref<4x128xi32, #tpu.memory_space<vmem>> -> memref<1x128xi32, #tpu.memory_space<vmem>>
      %dma_wait3A_269 = tpu.memref_squeeze %dma_wait3A_268 : memref<1x128xi32, #tpu.memory_space<vmem>> -> memref<128xi32, #tpu.memory_space<vmem>>
      %dma_wait3A_270 = arith.constant 0 : i32
      %dma_wait3A_271 = arith.constant 0 : i32
      %dma_wait3A_272 = tpu.memref_slice %arg2[%dma_wait3A_270, %dma_wait3A_271] : memref<10240x256xbf16, #tpu.memory_space<hbm>> -> memref<10240x256xbf16, #tpu.memory_space<hbm>>
      tpu.wait_indirect_dma semaphore(%arg16 : memref<!tpu.dma_semaphore, #tpu.memory_space<semaphore_mem>>) src(%dma_wait3A_272 : memref<10240x256xbf16, #tpu.memory_space<hbm>>) dst(%arg9 : memref<128x256xbf16, #tpu.memory_space<vmem>>)
      %dma_start3A_273 = arith.constant 1 : i32
      %dma_start3A_274 = arith.constant 0 : i32
      %dma_start3A_275 = tpu.memref_slice %arg7[%dma_start3A_273, %dma_start3A_274] : memref<4x128xi32, #tpu.memory_space<vmem>> -> memref<1x128xi32, #tpu.memory_space<vmem>>
      %dma_start3A_276 = tpu.memref_squeeze %dma_start3A_275 : memref<1x128xi32, #tpu.memory_space<vmem>> -> memref<128xi32, #tpu.memory_space<vmem>>
      %dma_start3A_277 = arith.constant 0 : i32
      %dma_start3A_278 = arith.constant 0 : i32
      %dma_start3A_279 = tpu.memref_slice %arg10[%dma_start3A_277, %dma_start3A_278] : memref<10240x256xbf16, #tpu.memory_space<vmem_shared>> -> memref<10240x256xbf16, #tpu.memory_space<vmem_shared>>
      tpu.enqueue_indirect_dma source(%arg9 : memref<128x256xbf16, #tpu.memory_space<vmem>>) target(%dma_start3A_279 : memref<10240x256xbf16, #tpu.memory_space<vmem_shared>>) offsets(%dma_start3A_276 : memref<128xi32, #tpu.memory_space<vmem>>) semaphore(%arg18 : memref<!tpu.dma_semaphore, #tpu.memory_space<semaphore_mem>>) {add = true}
      %mul3A_280 = arith.constant 4 : i32
      %mul3A_281 = arith.muli %scan3A_98, %mul3A_280 : i32
      %add3A_282 = arith.constant 3 : i32
      %add3A_283 = arith.addi %mul3A_281, %add3A_282 : i32
      %ge3A_284 = arith.constant 2 : i32
      %ge3A_285 = arith.cmpi sge, %add3A_283, %ge3A_284 : i32
      %convert_element_type3A_286 = arith.extui %ge3A_285 : i1 to i32
      %cond3A_287 = arith.constant 0 : i32
      %cond3A_288 = arith.cmpi ne, %convert_element_type3A_286, %cond3A_287 : i32
      scf.if %cond3A_288 {
        %dma_wait3A_345 = arith.constant 3 : i32
        %dma_wait3A_346 = arith.constant 0 : i32
        %dma_wait3A_347 = tpu.memref_slice %arg7[%dma_wait3A_345, %dma_wait3A_346] : memref<4x128xi32, #tpu.memory_space<vmem>> -> memref<1x128xi32, #tpu.memory_space<vmem>>
        %dma_wait3A_348 = tpu.memref_squeeze %dma_wait3A_347 : memref<1x128xi32, #tpu.memory_space<vmem>> -> memref<128xi32, #tpu.memory_space<vmem>>
        %dma_wait3A_349 = arith.constant 0 : i32
        %dma_wait3A_350 = arith.constant 0 : i32
        %dma_wait3A_351 = tpu.memref_slice %arg10[%dma_wait3A_349, %dma_wait3A_350] : memref<10240x256xbf16, #tpu.memory_space<vmem_shared>> -> memref<10240x256xbf16, #tpu.memory_space<vmem_shared>>
        tpu.wait_indirect_dma semaphore(%arg18 : memref<!tpu.dma_semaphore, #tpu.memory_space<semaphore_mem>>) src(%arg9 : memref<128x256xbf16, #tpu.memory_space<vmem>>) dst(%dma_wait3A_351 : memref<10240x256xbf16, #tpu.memory_space<vmem_shared>>)
      } else {
      }
      %add3A_289 = arith.constant 2 : i32
      %add3A_290 = arith.addi %add3A_283, %add3A_289 : i32
      %lt3A_291 = arith.constant 40 : i32
      %lt3A_292 = arith.cmpi slt, %add3A_290, %lt3A_291 : i32
      %convert_element_type3A_293 = arith.extui %lt3A_292 : i1 to i32
      %cond3A_294 = arith.constant 0 : i32
      %cond3A_295 = arith.cmpi ne, %convert_element_type3A_293, %cond3A_294 : i32
      scf.if %cond3A_295 {
        %add3A_345 = arith.constant 2 : i32
        %add3A_346 = arith.addi %add3A_283, %add3A_345 : i32
        %dma_start3A_347 = arith.constant 1 : i32
        %dma_start3A_348 = arith.constant 0 : i32
        %dma_start3A_349 = tpu.memref_slice %arg6[%dma_start3A_347, %dma_start3A_348] : memref<4x128xi32, #tpu.memory_space<vmem>> -> memref<1x128xi32, #tpu.memory_space<vmem>>
        %dma_start3A_350 = tpu.memref_squeeze %dma_start3A_349 : memref<1x128xi32, #tpu.memory_space<vmem>> -> memref<128xi32, #tpu.memory_space<vmem>>
        %dma_start3A_351 = arith.constant 0 : i32
        %dma_start3A_352 = tpu.memref_slice %arg3[%add3A, %add3A_346, %dma_start3A_351] : memref<32x40x128xi32, #tpu.memory_space<hbm>> -> memref<1x1x128xi32, #tpu.memory_space<hbm>>
        %dma_start3A_353 = tpu.memref_squeeze %dma_start3A_352 : memref<1x1x128xi32, #tpu.memory_space<hbm>> -> memref<128xi32, #tpu.memory_space<hbm>>
        %dma_start3A_354 = arith.constant 0 : i32
        %dma_start3A_355 = tpu.memref_slice %arg6[%dma_start3A_347, %dma_start3A_354] : memref<4x128xi32, #tpu.memory_space<vmem>> -> memref<1x128xi32, #tpu.memory_space<vmem>>
        %dma_start3A_356 = tpu.memref_squeeze %dma_start3A_355 : memref<1x128xi32, #tpu.memory_space<vmem>> -> memref<128xi32, #tpu.memory_space<vmem>>
        %dma_start3A_357 = arith.constant 0 : i32
        %dma_start3A_358 = tpu.memref_slice %arg3[%add3A, %add3A_346, %dma_start3A_357] : memref<32x40x128xi32, #tpu.memory_space<hbm>> -> memref<1x1x128xi32, #tpu.memory_space<hbm>>
        %dma_start3A_359 = tpu.memref_squeeze %dma_start3A_358 : memref<1x1x128xi32, #tpu.memory_space<hbm>> -> memref<128xi32, #tpu.memory_space<hbm>>
        tpu.enqueue_dma source(%dma_start3A_359 : memref<128xi32, #tpu.memory_space<hbm>>) target(%dma_start3A_356 : memref<128xi32, #tpu.memory_space<vmem>>) target_semaphore(%arg12 : memref<!tpu.dma_semaphore, #tpu.memory_space<semaphore_mem>>)
        %add3A_360 = arith.constant 2 : i32
        %add3A_361 = arith.addi %add3A_283, %add3A_360 : i32
        %dma_start3A_362 = arith.constant 1 : i32
        %dma_start3A_363 = arith.constant 0 : i32
        %dma_start3A_364 = tpu.memref_slice %arg7[%dma_start3A_362, %dma_start3A_363] : memref<4x128xi32, #tpu.memory_space<vmem>> -> memref<1x128xi32, #tpu.memory_space<vmem>>
        %dma_start3A_365 = tpu.memref_squeeze %dma_start3A_364 : memref<1x128xi32, #tpu.memory_space<vmem>> -> memref<128xi32, #tpu.memory_space<vmem>>
        %dma_start3A_366 = arith.constant 0 : i32
        %dma_start3A_367 = tpu.memref_slice %arg4[%add3A, %add3A_361, %dma_start3A_366] : memref<32x40x128xi32, #tpu.memory_space<hbm>> -> memref<1x1x128xi32, #tpu.memory_space<hbm>>
        %dma_start3A_368 = tpu.memref_squeeze %dma_start3A_367 : memref<1x1x128xi32, #tpu.memory_space<hbm>> -> memref<128xi32, #tpu.memory_space<hbm>>
        %dma_start3A_369 = arith.constant 0 : i32
        %dma_start3A_370 = tpu.memref_slice %arg7[%dma_start3A_362, %dma_start3A_369] : memref<4x128xi32, #tpu.memory_space<vmem>> -> memref<1x128xi32, #tpu.memory_space<vmem>>
        %dma_start3A_371 = tpu.memref_squeeze %dma_start3A_370 : memref<1x128xi32, #tpu.memory_space<vmem>> -> memref<128xi32, #tpu.memory_space<vmem>>
        %dma_start3A_372 = arith.constant 0 : i32
        %dma_start3A_373 = tpu.memref_slice %arg4[%add3A, %add3A_361, %dma_start3A_372] : memref<32x40x128xi32, #tpu.memory_space<hbm>> -> memref<1x1x128xi32, #tpu.memory_space<hbm>>
        %dma_start3A_374 = tpu.memref_squeeze %dma_start3A_373 : memref<1x1x128xi32, #tpu.memory_space<hbm>> -> memref<128xi32, #tpu.memory_space<hbm>>
        tpu.enqueue_dma source(%dma_start3A_374 : memref<128xi32, #tpu.memory_space<hbm>>) target(%dma_start3A_371 : memref<128xi32, #tpu.memory_space<vmem>>) target_semaphore(%arg12 : memref<!tpu.dma_semaphore, #tpu.memory_space<semaphore_mem>>)
      } else {
      }
      %dma_wait3A_296 = arith.constant 3 : i32
      %dma_wait3A_297 = arith.constant 0 : i32
      %dma_wait3A_298 = tpu.memref_slice %arg6[%dma_wait3A_296, %dma_wait3A_297] : memref<4x128xi32, #tpu.memory_space<vmem>> -> memref<1x128xi32, #tpu.memory_space<vmem>>
      %dma_wait3A_299 = tpu.memref_squeeze %dma_wait3A_298 : memref<1x128xi32, #tpu.memory_space<vmem>> -> memref<128xi32, #tpu.memory_space<vmem>>
      %dma_wait3A_300 = arith.constant 0 : i32
      %dma_wait3A_301 = tpu.memref_slice %arg3[%add3A, %add3A_283, %dma_wait3A_300] : memref<32x40x128xi32, #tpu.memory_space<hbm>> -> memref<1x1x128xi32, #tpu.memory_space<hbm>>
      %dma_wait3A_302 = tpu.memref_squeeze %dma_wait3A_301 : memref<1x1x128xi32, #tpu.memory_space<hbm>> -> memref<128xi32, #tpu.memory_space<hbm>>
      %dma_wait3A_303 = arith.constant 0 : i32
      %dma_wait3A_304 = tpu.memref_slice %arg6[%dma_wait3A_296, %dma_wait3A_303] : memref<4x128xi32, #tpu.memory_space<vmem>> -> memref<1x128xi32, #tpu.memory_space<vmem>>
      %dma_wait3A_305 = tpu.memref_squeeze %dma_wait3A_304 : memref<1x128xi32, #tpu.memory_space<vmem>> -> memref<128xi32, #tpu.memory_space<vmem>>
      %dma_wait3A_306 = arith.constant 0 : i32
      %dma_wait3A_307 = tpu.memref_slice %arg3[%add3A, %add3A_283, %dma_wait3A_306] : memref<32x40x128xi32, #tpu.memory_space<hbm>> -> memref<1x1x128xi32, #tpu.memory_space<hbm>>
      %dma_wait3A_308 = tpu.memref_squeeze %dma_wait3A_307 : memref<1x1x128xi32, #tpu.memory_space<hbm>> -> memref<128xi32, #tpu.memory_space<hbm>>
      tpu.wait_dma2 semaphore(%arg14 : memref<!tpu.dma_semaphore, #tpu.memory_space<semaphore_mem>>) src(%dma_wait3A_308 : memref<128xi32, #tpu.memory_space<hbm>>) dst(%dma_wait3A_305 : memref<128xi32, #tpu.memory_space<vmem>>)
      %dma_wait3A_309 = arith.constant 3 : i32
      %dma_wait3A_310 = arith.constant 0 : i32
      %dma_wait3A_311 = tpu.memref_slice %arg7[%dma_wait3A_309, %dma_wait3A_310] : memref<4x128xi32, #tpu.memory_space<vmem>> -> memref<1x128xi32, #tpu.memory_space<vmem>>
      %dma_wait3A_312 = tpu.memref_squeeze %dma_wait3A_311 : memref<1x128xi32, #tpu.memory_space<vmem>> -> memref<128xi32, #tpu.memory_space<vmem>>
      %dma_wait3A_313 = arith.constant 0 : i32
      %dma_wait3A_314 = tpu.memref_slice %arg4[%add3A, %add3A_283, %dma_wait3A_313] : memref<32x40x128xi32, #tpu.memory_space<hbm>> -> memref<1x1x128xi32, #tpu.memory_space<hbm>>
      %dma_wait3A_315 = tpu.memref_squeeze %dma_wait3A_314 : memref<1x1x128xi32, #tpu.memory_space<hbm>> -> memref<128xi32, #tpu.memory_space<hbm>>
      %dma_wait3A_316 = arith.constant 0 : i32
      %dma_wait3A_317 = tpu.memref_slice %arg7[%dma_wait3A_309, %dma_wait3A_316] : memref<4x128xi32, #tpu.memory_space<vmem>> -> memref<1x128xi32, #tpu.memory_space<vmem>>
      %dma_wait3A_318 = tpu.memref_squeeze %dma_wait3A_317 : memref<1x128xi32, #tpu.memory_space<vmem>> -> memref<128xi32, #tpu.memory_space<vmem>>
      %dma_wait3A_319 = arith.constant 0 : i32
      %dma_wait3A_320 = tpu.memref_slice %arg4[%add3A, %add3A_283, %dma_wait3A_319] : memref<32x40x128xi32, #tpu.memory_space<hbm>> -> memref<1x1x128xi32, #tpu.memory_space<hbm>>
      %dma_wait3A_321 = tpu.memref_squeeze %dma_wait3A_320 : memref<1x1x128xi32, #tpu.memory_space<hbm>> -> memref<128xi32, #tpu.memory_space<hbm>>
      tpu.wait_dma2 semaphore(%arg14 : memref<!tpu.dma_semaphore, #tpu.memory_space<semaphore_mem>>) src(%dma_wait3A_321 : memref<128xi32, #tpu.memory_space<hbm>>) dst(%dma_wait3A_318 : memref<128xi32, #tpu.memory_space<vmem>>)
      %dma_start3A_322 = arith.constant 3 : i32
      %dma_start3A_323 = arith.constant 0 : i32
      %dma_start3A_324 = tpu.memref_slice %arg6[%dma_start3A_322, %dma_start3A_323] : memref<4x128xi32, #tpu.memory_space<vmem>> -> memref<1x128xi32, #tpu.memory_space<vmem>>
      %dma_start3A_325 = tpu.memref_squeeze %dma_start3A_324 : memref<1x128xi32, #tpu.memory_space<vmem>> -> memref<128xi32, #tpu.memory_space<vmem>>
      %dma_start3A_326 = arith.constant 0 : i32
      %dma_start3A_327 = arith.constant 0 : i32
      %dma_start3A_328 = tpu.memref_slice %arg2[%dma_start3A_326, %dma_start3A_327] : memref<10240x256xbf16, #tpu.memory_space<hbm>> -> memref<10240x256xbf16, #tpu.memory_space<hbm>>
      tpu.enqueue_indirect_dma source(%dma_start3A_328 : memref<10240x256xbf16, #tpu.memory_space<hbm>>) target(%arg9 : memref<128x256xbf16, #tpu.memory_space<vmem>>) offsets(%dma_start3A_325 : memref<128xi32, #tpu.memory_space<vmem>>) semaphore(%arg16 : memref<!tpu.dma_semaphore, #tpu.memory_space<semaphore_mem>>)
      %sub3A_329 = arith.constant 1 : i32
      %sub3A_330 = arith.subi %add3A_283, %sub3A_329 : i32
      %dma_wait3A_331 = arith.constant 2 : i32
      %dma_wait3A_332 = arith.constant 0 : i32
      %dma_wait3A_333 = tpu.memref_slice %arg6[%dma_wait3A_331, %dma_wait3A_332] : memref<4x128xi32, #tpu.memory_space<vmem>> -> memref<1x128xi32, #tpu.memory_space<vmem>>
      %dma_wait3A_334 = tpu.memref_squeeze %dma_wait3A_333 : memref<1x128xi32, #tpu.memory_space<vmem>> -> memref<128xi32, #tpu.memory_space<vmem>>
      %dma_wait3A_335 = arith.constant 0 : i32
      %dma_wait3A_336 = arith.constant 0 : i32
      %dma_wait3A_337 = tpu.memref_slice %arg2[%dma_wait3A_335, %dma_wait3A_336] : memref<10240x256xbf16, #tpu.memory_space<hbm>> -> memref<10240x256xbf16, #tpu.memory_space<hbm>>
      tpu.wait_indirect_dma semaphore(%arg15 : memref<!tpu.dma_semaphore, #tpu.memory_space<semaphore_mem>>) src(%dma_wait3A_337 : memref<10240x256xbf16, #tpu.memory_space<hbm>>) dst(%arg8 : memref<128x256xbf16, #tpu.memory_space<vmem>>)
      %dma_start3A_338 = arith.constant 2 : i32
      %dma_start3A_339 = arith.constant 0 : i32
      %dma_start3A_340 = tpu.memref_slice %arg7[%dma_start3A_338, %dma_start3A_339] : memref<4x128xi32, #tpu.memory_space<vmem>> -> memref<1x128xi32, #tpu.memory_space<vmem>>
      %dma_start3A_341 = tpu.memref_squeeze %dma_start3A_340 : memref<1x128xi32, #tpu.memory_space<vmem>> -> memref<128xi32, #tpu.memory_space<vmem>>
      %dma_start3A_342 = arith.constant 0 : i32
      %dma_start3A_343 = arith.constant 0 : i32
      %dma_start3A_344 = tpu.memref_slice %arg10[%dma_start3A_342, %dma_start3A_343] : memref<10240x256xbf16, #tpu.memory_space<vmem_shared>> -> memref<10240x256xbf16, #tpu.memory_space<vmem_shared>>
      tpu.enqueue_indirect_dma source(%arg8 : memref<128x256xbf16, #tpu.memory_space<vmem>>) target(%dma_start3A_344 : memref<10240x256xbf16, #tpu.memory_space<vmem_shared>>) offsets(%dma_start3A_341 : memref<128xi32, #tpu.memory_space<vmem>>) semaphore(%arg17 : memref<!tpu.dma_semaphore, #tpu.memory_space<semaphore_mem>>) {add = true}
    }
    %scan3A_67 = arith.constant 10 : i32
    %dma_wait3A = arith.constant 3 : i32
    %dma_wait3A_68 = arith.constant 0 : i32
    %dma_wait3A_69 = tpu.memref_slice %arg6[%dma_wait3A, %dma_wait3A_68] : memref<4x128xi32, #tpu.memory_space<vmem>> -> memref<1x128xi32, #tpu.memory_space<vmem>>
    %dma_wait3A_70 = tpu.memref_squeeze %dma_wait3A_69 : memref<1x128xi32, #tpu.memory_space<vmem>> -> memref<128xi32, #tpu.memory_space<vmem>>
    %dma_wait3A_71 = arith.constant 0 : i32
    %dma_wait3A_72 = arith.constant 0 : i32
    %dma_wait3A_73 = tpu.memref_slice %arg2[%dma_wait3A_71, %dma_wait3A_72] : memref<10240x256xbf16, #tpu.memory_space<hbm>> -> memref<10240x256xbf16, #tpu.memory_space<hbm>>
    tpu.wait_indirect_dma semaphore(%arg16 : memref<!tpu.dma_semaphore, #tpu.memory_space<semaphore_mem>>) src(%dma_wait3A_73 : memref<10240x256xbf16, #tpu.memory_space<hbm>>) dst(%arg9 : memref<128x256xbf16, #tpu.memory_space<vmem>>)
    %dma_start3A_74 = arith.constant 3 : i32
    %dma_start3A_75 = arith.constant 0 : i32
    %dma_start3A_76 = tpu.memref_slice %arg7[%dma_start3A_74, %dma_start3A_75] : memref<4x128xi32, #tpu.memory_space<vmem>> -> memref<1x128xi32, #tpu.memory_space<vmem>>
    %dma_start3A_77 = tpu.memref_squeeze %dma_start3A_76 : memref<1x128xi32, #tpu.memory_space<vmem>> -> memref<128xi32, #tpu.memory_space<vmem>>
    %dma_start3A_78 = arith.constant 0 : i32
    %dma_start3A_79 = arith.constant 0 : i32
    %dma_start3A_80 = tpu.memref_slice %arg10[%dma_start3A_78, %dma_start3A_79] : memref<10240x256xbf16, #tpu.memory_space<vmem_shared>> -> memref<10240x256xbf16, #tpu.memory_space<vmem_shared>>
    tpu.enqueue_indirect_dma source(%arg9 : memref<128x256xbf16, #tpu.memory_space<vmem>>) target(%dma_start3A_80 : memref<10240x256xbf16, #tpu.memory_space<vmem_shared>>) offsets(%dma_start3A_77 : memref<128xi32, #tpu.memory_space<vmem>>) semaphore(%arg18 : memref<!tpu.dma_semaphore, #tpu.memory_space<semaphore_mem>>) {add = true}
    %dma_wait3A_81 = arith.constant 0 : i32
    %dma_wait3A_82 = arith.constant 0 : i32
    %dma_wait3A_83 = tpu.memref_slice %arg10[%dma_wait3A_81, %dma_wait3A_82] : memref<10240x256xbf16, #tpu.memory_space<vmem_shared>> -> memref<128x256xbf16, #tpu.memory_space<vmem_shared>>
    %dma_wait3A_84 = arith.constant 0 : i32
    %dma_wait3A_85 = arith.constant 0 : i32
    %dma_wait3A_86 = tpu.memref_slice %arg10[%dma_wait3A_84, %dma_wait3A_85] : memref<10240x256xbf16, #tpu.memory_space<vmem_shared>> -> memref<128x256xbf16, #tpu.memory_space<vmem_shared>>
    tpu.wait_dma2 semaphore(%arg17 : memref<!tpu.dma_semaphore, #tpu.memory_space<semaphore_mem>>) src(%arg8 : memref<128x256xbf16, #tpu.memory_space<vmem>>) dst(%dma_wait3A_86 : memref<128x256xbf16, #tpu.memory_space<vmem_shared>>)
    %dma_wait3A_87 = arith.constant 0 : i32
    %dma_wait3A_88 = arith.constant 0 : i32
    %dma_wait3A_89 = tpu.memref_slice %arg10[%dma_wait3A_87, %dma_wait3A_88] : memref<10240x256xbf16, #tpu.memory_space<vmem_shared>> -> memref<128x256xbf16, #tpu.memory_space<vmem_shared>>
    %dma_wait3A_90 = arith.constant 0 : i32
    %dma_wait3A_91 = arith.constant 0 : i32
    %dma_wait3A_92 = tpu.memref_slice %arg10[%dma_wait3A_90, %dma_wait3A_91] : memref<10240x256xbf16, #tpu.memory_space<vmem_shared>> -> memref<128x256xbf16, #tpu.memory_space<vmem_shared>>
    tpu.wait_dma2 semaphore(%arg18 : memref<!tpu.dma_semaphore, #tpu.memory_space<semaphore_mem>>) src(%arg9 : memref<128x256xbf16, #tpu.memory_space<vmem>>) dst(%dma_wait3A_92 : memref<128x256xbf16, #tpu.memory_space<vmem_shared>>)
    %barrier3A_93 = arith.constant 0 : index
    tpu.barrier barrier_id(%barrier3A_93)
    %mul3A_94 = arith.constant 640 : i32
    %mul3A_95 = arith.muli %arg1, %mul3A_94 : i32
    %mul3A_96 = arith.constant 640 : i32
    %mul3A_97 = arith.muli %arg1, %mul3A_96 : i32
    "tpu.region"() ({
      %run_scoped3A = tpu.sem_alloc : memref<!tpu.dma_semaphore, #tpu.memory_space<semaphore_mem>>
      %dma_start3A_98 = arith.constant 0 : i32
      %dma_start3A_99 = tpu.memref_slice %arg5[%arg0, %mul3A_97, %dma_start3A_98] : memref<2x10240x256xbf16, #tpu.memory_space<hbm>> -> memref<1x640x256xbf16, #tpu.memory_space<hbm>>
      %dma_start3A_100 = tpu.memref_squeeze %dma_start3A_99 : memref<1x640x256xbf16, #tpu.memory_space<hbm>> -> memref<640x256xbf16, #tpu.memory_space<hbm>>
      %dma_start3A_101 = arith.constant 0 : i32
      %dma_start3A_102 = tpu.memref_slice %arg10[%mul3A_95, %dma_start3A_101] : memref<10240x256xbf16, #tpu.memory_space<vmem_shared>> -> memref<640x256xbf16, #tpu.memory_space<vmem_shared>>
      tpu.enqueue_dma source(%dma_start3A_102 : memref<640x256xbf16, #tpu.memory_space<vmem_shared>>) target(%dma_start3A_100 : memref<640x256xbf16, #tpu.memory_space<hbm>>) target_semaphore(%run_scoped3A : memref<!tpu.dma_semaphore, #tpu.memory_space<semaphore_mem>>)
      %dma_wait3A_103 = arith.constant 0 : i32
      %dma_wait3A_104 = tpu.memref_slice %arg5[%arg0, %mul3A_97, %dma_wait3A_103] : memref<2x10240x256xbf16, #tpu.memory_space<hbm>> -> memref<1x640x256xbf16, #tpu.memory_space<hbm>>
      %dma_wait3A_105 = tpu.memref_squeeze %dma_wait3A_104 : memref<1x640x256xbf16, #tpu.memory_space<hbm>> -> memref<640x256xbf16, #tpu.memory_space<hbm>>
      %dma_wait3A_106 = arith.constant 0 : i32
      %dma_wait3A_107 = tpu.memref_slice %arg10[%mul3A_95, %dma_wait3A_106] : memref<10240x256xbf16, #tpu.memory_space<vmem_shared>> -> memref<640x256xbf16, #tpu.memory_space<vmem_shared>>
      tpu.wait_dma2 semaphore(%run_scoped3A : memref<!tpu.dma_semaphore, #tpu.memory_space<semaphore_mem>>) src(%dma_wait3A_107 : memref<640x256xbf16, #tpu.memory_space<vmem_shared>>) dst(%dma_wait3A_105 : memref<640x256xbf16, #tpu.memory_space<hbm>>)
      tpu.yield
    }) : () -> ()
    return
  }
}

#map = affine_map<(d0, d1) -> (0, 0)>
#map1 = affine_map<(d0, d1) -> (0, 0, 0)>
module attributes {stable_mosaic.version = 14 : i64} {
  func.func @_prop2_kernel(%arg0: i32, %arg1: i32, %arg2: memref<10240x64xbf16, #tpu.memory_space<hbm>>, %arg3: memref<32x40x128xi32, #tpu.memory_space<hbm>>, %arg4: memref<32x40x128xi32, #tpu.memory_space<hbm>>, %arg5: memref<2x10240x64xbf16, #tpu.memory_space<hbm>>, %arg6: memref<4x128xi32, #tpu.memory_space<vmem>>, %arg7: memref<4x128xi32, #tpu.memory_space<vmem>>, %arg8: memref<128x64xbf16, #tpu.memory_space<vmem>>, %arg9: memref<128x64xbf16, #tpu.memory_space<vmem>>, %arg10: memref<10240x64xbf16, #tpu.memory_space<vmem_shared>>, %arg11: memref<!tpu.dma_semaphore, #tpu.memory_space<semaphore_mem>>, %arg12: memref<!tpu.dma_semaphore, #tpu.memory_space<semaphore_mem>>, %arg13: memref<!tpu.dma_semaphore, #tpu.memory_space<semaphore_mem>>, %arg14: memref<!tpu.dma_semaphore, #tpu.memory_space<semaphore_mem>>, %arg15: memref<!tpu.dma_semaphore, #tpu.memory_space<semaphore_mem>>, %arg16: memref<!tpu.dma_semaphore, #tpu.memory_space<semaphore_mem>>, %arg17: memref<!tpu.dma_semaphore, #tpu.memory_space<semaphore_mem>>, %arg18: memref<!tpu.dma_semaphore, #tpu.memory_space<semaphore_mem>>) attributes {dimension_semantics = [#tpu.dimension_semantics<core_parallel>, #tpu.dimension_semantics<subcore_parallel>], iteration_bounds = array<i64: 2, 16>, scalar_prefetch = 0 : i64, scratch_operands = 13 : i64, tpu.core_type = #tpu.core_type<sc_vector_subcore>, window_params = [{transform_indices = #map}, {transform_indices = #map1}, {transform_indices = #map1}, {transform_indices = #map1}]} {
    %mul3A = arith.constant 16 : i32
    %mul3A_0 = arith.muli %arg0, %mul3A : i32
    %add3A = arith.addi %mul3A_0, %arg1 : i32
    %eq3A = arith.constant 0 : i32
    %eq3A_1 = arith.cmpi eq, %arg0, %eq3A : i32
    %convert_element_type3A = arith.extui %eq3A_1 : i1 to i32
    %cond3A = arith.constant 0 : i32
    %cond3A_2 = arith.cmpi ne, %convert_element_type3A, %cond3A : i32
    scf.if %cond3A_2 {
      %mul3A_98 = arith.constant 640 : i32
      %mul3A_99 = arith.muli %arg1, %mul3A_98 : i32
      %mul3A_100 = arith.constant 640 : i32
      %mul3A_101 = arith.muli %arg1, %mul3A_100 : i32
      "tpu.region"() ({
        %run_scoped3A = tpu.sem_alloc : memref<!tpu.dma_semaphore, #tpu.memory_space<semaphore_mem>>
        %dma_start3A_102 = arith.constant 0 : i32
        %dma_start3A_103 = tpu.memref_slice %arg10[%mul3A_101, %dma_start3A_102] : memref<10240x64xbf16, #tpu.memory_space<vmem_shared>> -> memref<640x64xbf16, #tpu.memory_space<vmem_shared>>
        %dma_start3A_104 = arith.constant 0 : i32
        %dma_start3A_105 = tpu.memref_slice %arg2[%mul3A_99, %dma_start3A_104] : memref<10240x64xbf16, #tpu.memory_space<hbm>> -> memref<640x64xbf16, #tpu.memory_space<hbm>>
        tpu.enqueue_dma source(%dma_start3A_105 : memref<640x64xbf16, #tpu.memory_space<hbm>>) target(%dma_start3A_103 : memref<640x64xbf16, #tpu.memory_space<vmem_shared>>) target_semaphore(%run_scoped3A : memref<!tpu.dma_semaphore, #tpu.memory_space<semaphore_mem>>)
        %dma_wait3A_106 = arith.constant 0 : i32
        %dma_wait3A_107 = tpu.memref_slice %arg10[%mul3A_101, %dma_wait3A_106] : memref<10240x64xbf16, #tpu.memory_space<vmem_shared>> -> memref<640x64xbf16, #tpu.memory_space<vmem_shared>>
        %dma_wait3A_108 = arith.constant 0 : i32
        %dma_wait3A_109 = tpu.memref_slice %arg2[%mul3A_99, %dma_wait3A_108] : memref<10240x64xbf16, #tpu.memory_space<hbm>> -> memref<640x64xbf16, #tpu.memory_space<hbm>>
        tpu.wait_dma2 semaphore(%run_scoped3A : memref<!tpu.dma_semaphore, #tpu.memory_space<semaphore_mem>>) src(%dma_wait3A_109 : memref<640x64xbf16, #tpu.memory_space<hbm>>) dst(%dma_wait3A_107 : memref<640x64xbf16, #tpu.memory_space<vmem_shared>>)
        tpu.yield
      }) : () -> ()
    } else {
    }
    %eq3A_3 = arith.constant 1 : i32
    %eq3A_4 = arith.cmpi eq, %arg0, %eq3A_3 : i32
    %convert_element_type3A_5 = arith.extui %eq3A_4 : i1 to i32
    %cond3A_6 = arith.constant 0 : i32
    %cond3A_7 = arith.cmpi ne, %convert_element_type3A_5, %cond3A_6 : i32
    scf.if %cond3A_7 {
      %scan3A_98 = arith.constant 0 : i32
      %scan3A_99 = arith.constant 0 : i32
      %scan3A_100 = arith.constant 128 : i32
      %scan3A_101 = arith.addi %scan3A_99, %scan3A_100 : i32
      %scan3A_102 = arith.constant 1 : i32
      scf.for %scan3A_124 = %scan3A_99 to %scan3A_101 step %scan3A_102  : i32 {
        %broadcast_in_dim3A = arith.constant 0.000000e+00 : bf16
        %broadcast_in_dim3A_125 = vector.broadcast %broadcast_in_dim3A : bf16 to vector<32xbf16>
        %swap3A = arith.index_cast %scan3A_124 : i32 to index
        %swap3A_126 = arith.constant 0 : index
        %swap3A_127 = tpu.vector_load %arg8[%swap3A, %swap3A_126] {strides = array<i32>} : memref<128x64xbf16, #tpu.memory_space<vmem>>, vector<1x32xbf16>,
        %swap3A_128 = vector.shape_cast %swap3A_127 : vector<1x32xbf16> to vector<32xbf16>
        %swap3A_129 = vector.shape_cast %broadcast_in_dim3A_125 : vector<32xbf16> to vector<1x32xbf16>
        tpu.vector_store %arg8[%swap3A, %swap3A_126], %swap3A_129 {strides = array<i32>} : memref<128x64xbf16, #tpu.memory_space<vmem>>, vector<1x32xbf16>,
        %broadcast_in_dim3A_130 = arith.constant 0.000000e+00 : bf16
        %broadcast_in_dim3A_131 = vector.broadcast %broadcast_in_dim3A_130 : bf16 to vector<32xbf16>
        %swap3A_132 = arith.index_cast %scan3A_124 : i32 to index
        %swap3A_133 = arith.constant 32 : index
        %swap3A_134 = tpu.vector_load %arg8[%swap3A_132, %swap3A_133] {strides = array<i32>} : memref<128x64xbf16, #tpu.memory_space<vmem>>, vector<1x32xbf16>,
        %swap3A_135 = vector.shape_cast %swap3A_134 : vector<1x32xbf16> to vector<32xbf16>
        %swap3A_136 = vector.shape_cast %broadcast_in_dim3A_131 : vector<32xbf16> to vector<1x32xbf16>
        tpu.vector_store %arg8[%swap3A_132, %swap3A_133], %swap3A_136 {strides = array<i32>} : memref<128x64xbf16, #tpu.memory_space<vmem>>, vector<1x32xbf16>,
      }
      %scan3A_103 = arith.constant 128 : i32
      %mul3A_104 = arith.constant 640 : i32
      %mul3A_105 = arith.muli %arg1, %mul3A_104 : i32
      %add3A_106 = arith.constant 0 : i32
      %add3A_107 = arith.addi %mul3A_105, %add3A_106 : i32
      "tpu.region"() ({
        %run_scoped3A = tpu.sem_alloc : memref<!tpu.dma_semaphore, #tpu.memory_space<semaphore_mem>>
        %dma_start3A_124 = arith.constant 0 : i32
        %dma_start3A_125 = tpu.memref_slice %arg10[%add3A_107, %dma_start3A_124] : memref<10240x64xbf16, #tpu.memory_space<vmem_shared>> -> memref<128x64xbf16, #tpu.memory_space<vmem_shared>>
        %dma_start3A_126 = arith.constant 0 : i32
        %dma_start3A_127 = tpu.memref_slice %arg10[%add3A_107, %dma_start3A_126] : memref<10240x64xbf16, #tpu.memory_space<vmem_shared>> -> memref<128x64xbf16, #tpu.memory_space<vmem_shared>>
        tpu.enqueue_dma source(%arg8 : memref<128x64xbf16, #tpu.memory_space<vmem>>) target(%dma_start3A_127 : memref<128x64xbf16, #tpu.memory_space<vmem_shared>>) target_semaphore(%run_scoped3A : memref<!tpu.dma_semaphore, #tpu.memory_space<semaphore_mem>>)
        %dma_wait3A_128 = arith.constant 0 : i32
        %dma_wait3A_129 = tpu.memref_slice %arg10[%add3A_107, %dma_wait3A_128] : memref<10240x64xbf16, #tpu.memory_space<vmem_shared>> -> memref<128x64xbf16, #tpu.memory_space<vmem_shared>>
        %dma_wait3A_130 = arith.constant 0 : i32
        %dma_wait3A_131 = tpu.memref_slice %arg10[%add3A_107, %dma_wait3A_130] : memref<10240x64xbf16, #tpu.memory_space<vmem_shared>> -> memref<128x64xbf16, #tpu.memory_space<vmem_shared>>
        tpu.wait_dma2 semaphore(%run_scoped3A : memref<!tpu.dma_semaphore, #tpu.memory_space<semaphore_mem>>) src(%arg8 : memref<128x64xbf16, #tpu.memory_space<vmem>>) dst(%dma_wait3A_131 : memref<128x64xbf16, #tpu.memory_space<vmem_shared>>)
        tpu.yield
      }) : () -> ()
      %mul3A_108 = arith.constant 640 : i32
      %mul3A_109 = arith.muli %arg1, %mul3A_108 : i32
      %add3A_110 = arith.constant 128 : i32
      %add3A_111 = arith.addi %mul3A_109, %add3A_110 : i32
      "tpu.region"() ({
        %run_scoped3A = tpu.sem_alloc : memref<!tpu.dma_semaphore, #tpu.memory_space<semaphore_mem>>
        %dma_start3A_124 = arith.constant 0 : i32
        %dma_start3A_125 = tpu.memref_slice %arg10[%add3A_111, %dma_start3A_124] : memref<10240x64xbf16, #tpu.memory_space<vmem_shared>> -> memref<128x64xbf16, #tpu.memory_space<vmem_shared>>
        %dma_start3A_126 = arith.constant 0 : i32
        %dma_start3A_127 = tpu.memref_slice %arg10[%add3A_111, %dma_start3A_126] : memref<10240x64xbf16, #tpu.memory_space<vmem_shared>> -> memref<128x64xbf16, #tpu.memory_space<vmem_shared>>
        tpu.enqueue_dma source(%arg8 : memref<128x64xbf16, #tpu.memory_space<vmem>>) target(%dma_start3A_127 : memref<128x64xbf16, #tpu.memory_space<vmem_shared>>) target_semaphore(%run_scoped3A : memref<!tpu.dma_semaphore, #tpu.memory_space<semaphore_mem>>)
        %dma_wait3A_128 = arith.constant 0 : i32
        %dma_wait3A_129 = tpu.memref_slice %arg10[%add3A_111, %dma_wait3A_128] : memref<10240x64xbf16, #tpu.memory_space<vmem_shared>> -> memref<128x64xbf16, #tpu.memory_space<vmem_shared>>
        %dma_wait3A_130 = arith.constant 0 : i32
        %dma_wait3A_131 = tpu.memref_slice %arg10[%add3A_111, %dma_wait3A_130] : memref<10240x64xbf16, #tpu.memory_space<vmem_shared>> -> memref<128x64xbf16, #tpu.memory_space<vmem_shared>>
        tpu.wait_dma2 semaphore(%run_scoped3A : memref<!tpu.dma_semaphore, #tpu.memory_space<semaphore_mem>>) src(%arg8 : memref<128x64xbf16, #tpu.memory_space<vmem>>) dst(%dma_wait3A_131 : memref<128x64xbf16, #tpu.memory_space<vmem_shared>>)
        tpu.yield
      }) : () -> ()
      %mul3A_112 = arith.constant 640 : i32
      %mul3A_113 = arith.muli %arg1, %mul3A_112 : i32
      %add3A_114 = arith.constant 256 : i32
      %add3A_115 = arith.addi %mul3A_113, %add3A_114 : i32
      "tpu.region"() ({
        %run_scoped3A = tpu.sem_alloc : memref<!tpu.dma_semaphore, #tpu.memory_space<semaphore_mem>>
        %dma_start3A_124 = arith.constant 0 : i32
        %dma_start3A_125 = tpu.memref_slice %arg10[%add3A_115, %dma_start3A_124] : memref<10240x64xbf16, #tpu.memory_space<vmem_shared>> -> memref<128x64xbf16, #tpu.memory_space<vmem_shared>>
        %dma_start3A_126 = arith.constant 0 : i32
        %dma_start3A_127 = tpu.memref_slice %arg10[%add3A_115, %dma_start3A_126] : memref<10240x64xbf16, #tpu.memory_space<vmem_shared>> -> memref<128x64xbf16, #tpu.memory_space<vmem_shared>>
        tpu.enqueue_dma source(%arg8 : memref<128x64xbf16, #tpu.memory_space<vmem>>) target(%dma_start3A_127 : memref<128x64xbf16, #tpu.memory_space<vmem_shared>>) target_semaphore(%run_scoped3A : memref<!tpu.dma_semaphore, #tpu.memory_space<semaphore_mem>>)
        %dma_wait3A_128 = arith.constant 0 : i32
        %dma_wait3A_129 = tpu.memref_slice %arg10[%add3A_115, %dma_wait3A_128] : memref<10240x64xbf16, #tpu.memory_space<vmem_shared>> -> memref<128x64xbf16, #tpu.memory_space<vmem_shared>>
        %dma_wait3A_130 = arith.constant 0 : i32
        %dma_wait3A_131 = tpu.memref_slice %arg10[%add3A_115, %dma_wait3A_130] : memref<10240x64xbf16, #tpu.memory_space<vmem_shared>> -> memref<128x64xbf16, #tpu.memory_space<vmem_shared>>
        tpu.wait_dma2 semaphore(%run_scoped3A : memref<!tpu.dma_semaphore, #tpu.memory_space<semaphore_mem>>) src(%arg8 : memref<128x64xbf16, #tpu.memory_space<vmem>>) dst(%dma_wait3A_131 : memref<128x64xbf16, #tpu.memory_space<vmem_shared>>)
        tpu.yield
      }) : () -> ()
      %mul3A_116 = arith.constant 640 : i32
      %mul3A_117 = arith.muli %arg1, %mul3A_116 : i32
      %add3A_118 = arith.constant 384 : i32
      %add3A_119 = arith.addi %mul3A_117, %add3A_118 : i32
      "tpu.region"() ({
        %run_scoped3A = tpu.sem_alloc : memref<!tpu.dma_semaphore, #tpu.memory_space<semaphore_mem>>
        %dma_start3A_124 = arith.constant 0 : i32
        %dma_start3A_125 = tpu.memref_slice %arg10[%add3A_119, %dma_start3A_124] : memref<10240x64xbf16, #tpu.memory_space<vmem_shared>> -> memref<128x64xbf16, #tpu.memory_space<vmem_shared>>
        %dma_start3A_126 = arith.constant 0 : i32
        %dma_start3A_127 = tpu.memref_slice %arg10[%add3A_119, %dma_start3A_126] : memref<10240x64xbf16, #tpu.memory_space<vmem_shared>> -> memref<128x64xbf16, #tpu.memory_space<vmem_shared>>
        tpu.enqueue_dma source(%arg8 : memref<128x64xbf16, #tpu.memory_space<vmem>>) target(%dma_start3A_127 : memref<128x64xbf16, #tpu.memory_space<vmem_shared>>) target_semaphore(%run_scoped3A : memref<!tpu.dma_semaphore, #tpu.memory_space<semaphore_mem>>)
        %dma_wait3A_128 = arith.constant 0 : i32
        %dma_wait3A_129 = tpu.memref_slice %arg10[%add3A_119, %dma_wait3A_128] : memref<10240x64xbf16, #tpu.memory_space<vmem_shared>> -> memref<128x64xbf16, #tpu.memory_space<vmem_shared>>
        %dma_wait3A_130 = arith.constant 0 : i32
        %dma_wait3A_131 = tpu.memref_slice %arg10[%add3A_119, %dma_wait3A_130] : memref<10240x64xbf16, #tpu.memory_space<vmem_shared>> -> memref<128x64xbf16, #tpu.memory_space<vmem_shared>>
        tpu.wait_dma2 semaphore(%run_scoped3A : memref<!tpu.dma_semaphore, #tpu.memory_space<semaphore_mem>>) src(%arg8 : memref<128x64xbf16, #tpu.memory_space<vmem>>) dst(%dma_wait3A_131 : memref<128x64xbf16, #tpu.memory_space<vmem_shared>>)
        tpu.yield
      }) : () -> ()
      %mul3A_120 = arith.constant 640 : i32
      %mul3A_121 = arith.muli %arg1, %mul3A_120 : i32
      %add3A_122 = arith.constant 512 : i32
      %add3A_123 = arith.addi %mul3A_121, %add3A_122 : i32
      "tpu.region"() ({
        %run_scoped3A = tpu.sem_alloc : memref<!tpu.dma_semaphore, #tpu.memory_space<semaphore_mem>>
        %dma_start3A_124 = arith.constant 0 : i32
        %dma_start3A_125 = tpu.memref_slice %arg10[%add3A_123, %dma_start3A_124] : memref<10240x64xbf16, #tpu.memory_space<vmem_shared>> -> memref<128x64xbf16, #tpu.memory_space<vmem_shared>>
        %dma_start3A_126 = arith.constant 0 : i32
        %dma_start3A_127 = tpu.memref_slice %arg10[%add3A_123, %dma_start3A_126] : memref<10240x64xbf16, #tpu.memory_space<vmem_shared>> -> memref<128x64xbf16, #tpu.memory_space<vmem_shared>>
        tpu.enqueue_dma source(%arg8 : memref<128x64xbf16, #tpu.memory_space<vmem>>) target(%dma_start3A_127 : memref<128x64xbf16, #tpu.memory_space<vmem_shared>>) target_semaphore(%run_scoped3A : memref<!tpu.dma_semaphore, #tpu.memory_space<semaphore_mem>>)
        %dma_wait3A_128 = arith.constant 0 : i32
        %dma_wait3A_129 = tpu.memref_slice %arg10[%add3A_123, %dma_wait3A_128] : memref<10240x64xbf16, #tpu.memory_space<vmem_shared>> -> memref<128x64xbf16, #tpu.memory_space<vmem_shared>>
        %dma_wait3A_130 = arith.constant 0 : i32
        %dma_wait3A_131 = tpu.memref_slice %arg10[%add3A_123, %dma_wait3A_130] : memref<10240x64xbf16, #tpu.memory_space<vmem_shared>> -> memref<128x64xbf16, #tpu.memory_space<vmem_shared>>
        tpu.wait_dma2 semaphore(%run_scoped3A : memref<!tpu.dma_semaphore, #tpu.memory_space<semaphore_mem>>) src(%arg8 : memref<128x64xbf16, #tpu.memory_space<vmem>>) dst(%dma_wait3A_131 : memref<128x64xbf16, #tpu.memory_space<vmem_shared>>)
        tpu.yield
      }) : () -> ()
    } else {
    }
    %barrier3A = arith.constant 0 : index
    tpu.barrier barrier_id(%barrier3A)
    %dma_start3A = arith.constant 0 : i32
    %dma_start3A_8 = arith.constant 0 : i32
    %dma_start3A_9 = arith.constant 0 : i32
    %dma_start3A_10 = tpu.memref_slice %arg6[%dma_start3A_8, %dma_start3A_9] : memref<4x128xi32, #tpu.memory_space<vmem>> -> memref<1x128xi32, #tpu.memory_space<vmem>>
    %dma_start3A_11 = tpu.memref_squeeze %dma_start3A_10 : memref<1x128xi32, #tpu.memory_space<vmem>> -> memref<128xi32, #tpu.memory_space<vmem>>
    %dma_start3A_12 = arith.constant 0 : i32
    %dma_start3A_13 = tpu.memref_slice %arg3[%add3A, %dma_start3A, %dma_start3A_12] : memref<32x40x128xi32, #tpu.memory_space<hbm>> -> memref<1x1x128xi32, #tpu.memory_space<hbm>>
    %dma_start3A_14 = tpu.memref_squeeze %dma_start3A_13 : memref<1x1x128xi32, #tpu.memory_space<hbm>> -> memref<128xi32, #tpu.memory_space<hbm>>
    %dma_start3A_15 = arith.constant 0 : i32
    %dma_start3A_16 = tpu.memref_slice %arg6[%dma_start3A_8, %dma_start3A_15] : memref<4x128xi32, #tpu.memory_space<vmem>> -> memref<1x128xi32, #tpu.memory_space<vmem>>
    %dma_start3A_17 = tpu.memref_squeeze %dma_start3A_16 : memref<1x128xi32, #tpu.memory_space<vmem>> -> memref<128xi32, #tpu.memory_space<vmem>>
    %dma_start3A_18 = arith.constant 0 : i32
    %dma_start3A_19 = tpu.memref_slice %arg3[%add3A, %dma_start3A, %dma_start3A_18] : memref<32x40x128xi32, #tpu.memory_space<hbm>> -> memref<1x1x128xi32, #tpu.memory_space<hbm>>
    %dma_start3A_20 = tpu.memref_squeeze %dma_start3A_19 : memref<1x1x128xi32, #tpu.memory_space<hbm>> -> memref<128xi32, #tpu.memory_space<hbm>>
    tpu.enqueue_dma source(%dma_start3A_20 : memref<128xi32, #tpu.memory_space<hbm>>) target(%dma_start3A_17 : memref<128xi32, #tpu.memory_space<vmem>>) target_semaphore(%arg11 : memref<!tpu.dma_semaphore, #tpu.memory_space<semaphore_mem>>)
    %dma_start3A_21 = arith.constant 0 : i32
    %dma_start3A_22 = arith.constant 0 : i32
    %dma_start3A_23 = arith.constant 0 : i32
    %dma_start3A_24 = tpu.memref_slice %arg7[%dma_start3A_22, %dma_start3A_23] : memref<4x128xi32, #tpu.memory_space<vmem>> -> memref<1x128xi32, #tpu.memory_space<vmem>>
    %dma_start3A_25 = tpu.memref_squeeze %dma_start3A_24 : memref<1x128xi32, #tpu.memory_space<vmem>> -> memref<128xi32, #tpu.memory_space<vmem>>
    %dma_start3A_26 = arith.constant 0 : i32
    %dma_start3A_27 = tpu.memref_slice %arg4[%add3A, %dma_start3A_21, %dma_start3A_26] : memref<32x40x128xi32, #tpu.memory_space<hbm>> -> memref<1x1x128xi32, #tpu.memory_space<hbm>>
    %dma_start3A_28 = tpu.memref_squeeze %dma_start3A_27 : memref<1x1x128xi32, #tpu.memory_space<hbm>> -> memref<128xi32, #tpu.memory_space<hbm>>
    %dma_start3A_29 = arith.constant 0 : i32
    %dma_start3A_30 = tpu.memref_slice %arg7[%dma_start3A_22, %dma_start3A_29] : memref<4x128xi32, #tpu.memory_space<vmem>> -> memref<1x128xi32, #tpu.memory_space<vmem>>
    %dma_start3A_31 = tpu.memref_squeeze %dma_start3A_30 : memref<1x128xi32, #tpu.memory_space<vmem>> -> memref<128xi32, #tpu.memory_space<vmem>>
    %dma_start3A_32 = arith.constant 0 : i32
    %dma_start3A_33 = tpu.memref_slice %arg4[%add3A, %dma_start3A_21, %dma_start3A_32] : memref<32x40x128xi32, #tpu.memory_space<hbm>> -> memref<1x1x128xi32, #tpu.memory_space<hbm>>
    %dma_start3A_34 = tpu.memref_squeeze %dma_start3A_33 : memref<1x1x128xi32, #tpu.memory_space<hbm>> -> memref<128xi32, #tpu.memory_space<hbm>>
    tpu.enqueue_dma source(%dma_start3A_34 : memref<128xi32, #tpu.memory_space<hbm>>) target(%dma_start3A_31 : memref<128xi32, #tpu.memory_space<vmem>>) target_semaphore(%arg11 : memref<!tpu.dma_semaphore, #tpu.memory_space<semaphore_mem>>)
    %dma_start3A_35 = arith.constant 1 : i32
    %dma_start3A_36 = arith.constant 1 : i32
    %dma_start3A_37 = arith.constant 0 : i32
    %dma_start3A_38 = tpu.memref_slice %arg6[%dma_start3A_36, %dma_start3A_37] : memref<4x128xi32, #tpu.memory_space<vmem>> -> memref<1x128xi32, #tpu.memory_space<vmem>>
    %dma_start3A_39 = tpu.memref_squeeze %dma_start3A_38 : memref<1x128xi32, #tpu.memory_space<vmem>> -> memref<128xi32, #tpu.memory_space<vmem>>
    %dma_start3A_40 = arith.constant 0 : i32
    %dma_start3A_41 = tpu.memref_slice %arg3[%add3A, %dma_start3A_35, %dma_start3A_40] : memref<32x40x128xi32, #tpu.memory_space<hbm>> -> memref<1x1x128xi32, #tpu.memory_space<hbm>>
    %dma_start3A_42 = tpu.memref_squeeze %dma_start3A_41 : memref<1x1x128xi32, #tpu.memory_space<hbm>> -> memref<128xi32, #tpu.memory_space<hbm>>
    %dma_start3A_43 = arith.constant 0 : i32
    %dma_start3A_44 = tpu.memref_slice %arg6[%dma_start3A_36, %dma_start3A_43] : memref<4x128xi32, #tpu.memory_space<vmem>> -> memref<1x128xi32, #tpu.memory_space<vmem>>
    %dma_start3A_45 = tpu.memref_squeeze %dma_start3A_44 : memref<1x128xi32, #tpu.memory_space<vmem>> -> memref<128xi32, #tpu.memory_space<vmem>>
    %dma_start3A_46 = arith.constant 0 : i32
    %dma_start3A_47 = tpu.memref_slice %arg3[%add3A, %dma_start3A_35, %dma_start3A_46] : memref<32x40x128xi32, #tpu.memory_space<hbm>> -> memref<1x1x128xi32, #tpu.memory_space<hbm>>
    %dma_start3A_48 = tpu.memref_squeeze %dma_start3A_47 : memref<1x1x128xi32, #tpu.memory_space<hbm>> -> memref<128xi32, #tpu.memory_space<hbm>>
    tpu.enqueue_dma source(%dma_start3A_48 : memref<128xi32, #tpu.memory_space<hbm>>) target(%dma_start3A_45 : memref<128xi32, #tpu.memory_space<vmem>>) target_semaphore(%arg12 : memref<!tpu.dma_semaphore, #tpu.memory_space<semaphore_mem>>)
    %dma_start3A_49 = arith.constant 1 : i32
    %dma_start3A_50 = arith.constant 1 : i32
    %dma_start3A_51 = arith.constant 0 : i32
    %dma_start3A_52 = tpu.memref_slice %arg7[%dma_start3A_50, %dma_start3A_51] : memref<4x128xi32, #tpu.memory_space<vmem>> -> memref<1x128xi32, #tpu.memory_space<vmem>>
    %dma_start3A_53 = tpu.memref_squeeze %dma_start3A_52 : memref<1x128xi32, #tpu.memory_space<vmem>> -> memref<128xi32, #tpu.memory_space<vmem>>
    %dma_start3A_54 = arith.constant 0 : i32
    %dma_start3A_55 = tpu.memref_slice %arg4[%add3A, %dma_start3A_49, %dma_start3A_54] : memref<32x40x128xi32, #tpu.memory_space<hbm>> -> memref<1x1x128xi32, #tpu.memory_space<hbm>>
    %dma_start3A_56 = tpu.memref_squeeze %dma_start3A_55 : memref<1x1x128xi32, #tpu.memory_space<hbm>> -> memref<128xi32, #tpu.memory_space<hbm>>
    %dma_start3A_57 = arith.constant 0 : i32
    %dma_start3A_58 = tpu.memref_slice %arg7[%dma_start3A_50, %dma_start3A_57] : memref<4x128xi32, #tpu.memory_space<vmem>> -> memref<1x128xi32, #tpu.memory_space<vmem>>
    %dma_start3A_59 = tpu.memref_squeeze %dma_start3A_58 : memref<1x128xi32, #tpu.memory_space<vmem>> -> memref<128xi32, #tpu.memory_space<vmem>>
    %dma_start3A_60 = arith.constant 0 : i32
    %dma_start3A_61 = tpu.memref_slice %arg4[%add3A, %dma_start3A_49, %dma_start3A_60] : memref<32x40x128xi32, #tpu.memory_space<hbm>> -> memref<1x1x128xi32, #tpu.memory_space<hbm>>
    %dma_start3A_62 = tpu.memref_squeeze %dma_start3A_61 : memref<1x1x128xi32, #tpu.memory_space<hbm>> -> memref<128xi32, #tpu.memory_space<hbm>>
    tpu.enqueue_dma source(%dma_start3A_62 : memref<128xi32, #tpu.memory_space<hbm>>) target(%dma_start3A_59 : memref<128xi32, #tpu.memory_space<vmem>>) target_semaphore(%arg12 : memref<!tpu.dma_semaphore, #tpu.memory_space<semaphore_mem>>)
    %scan3A = arith.constant 0 : i32
    %scan3A_63 = arith.constant 0 : i32
    %scan3A_64 = arith.constant 10 : i32
    %scan3A_65 = arith.addi %scan3A_63, %scan3A_64 : i32
    %scan3A_66 = arith.constant 1 : i32
    scf.for %scan3A_98 = %scan3A_63 to %scan3A_65 step %scan3A_66  : i32 {
      %mul3A_99 = arith.constant 4 : i32
      %mul3A_100 = arith.muli %scan3A_98, %mul3A_99 : i32
      %add3A_101 = arith.constant 0 : i32
      %add3A_102 = arith.addi %mul3A_100, %add3A_101 : i32
      %ge3A = arith.constant 2 : i32
      %ge3A_103 = arith.cmpi sge, %add3A_102, %ge3A : i32
      %convert_element_type3A_104 = arith.extui %ge3A_103 : i1 to i32
      %cond3A_105 = arith.constant 0 : i32
      %cond3A_106 = arith.cmpi ne, %convert_element_type3A_104, %cond3A_105 : i32
      scf.if %cond3A_106 {
        %dma_wait3A_345 = arith.constant 0 : i32
        %dma_wait3A_346 = arith.constant 0 : i32
        %dma_wait3A_347 = tpu.memref_slice %arg7[%dma_wait3A_345, %dma_wait3A_346] : memref<4x128xi32, #tpu.memory_space<vmem>> -> memref<1x128xi32, #tpu.memory_space<vmem>>
        %dma_wait3A_348 = tpu.memref_squeeze %dma_wait3A_347 : memref<1x128xi32, #tpu.memory_space<vmem>> -> memref<128xi32, #tpu.memory_space<vmem>>
        %dma_wait3A_349 = arith.constant 0 : i32
        %dma_wait3A_350 = arith.constant 0 : i32
        %dma_wait3A_351 = tpu.memref_slice %arg10[%dma_wait3A_349, %dma_wait3A_350] : memref<10240x64xbf16, #tpu.memory_space<vmem_shared>> -> memref<10240x64xbf16, #tpu.memory_space<vmem_shared>>
        tpu.wait_indirect_dma semaphore(%arg17 : memref<!tpu.dma_semaphore, #tpu.memory_space<semaphore_mem>>) src(%arg8 : memref<128x64xbf16, #tpu.memory_space<vmem>>) dst(%dma_wait3A_351 : memref<10240x64xbf16, #tpu.memory_space<vmem_shared>>)
      } else {
      }
      %add3A_107 = arith.constant 2 : i32
      %add3A_108 = arith.addi %add3A_102, %add3A_107 : i32
      %lt3A = arith.constant 40 : i32
      %lt3A_109 = arith.cmpi slt, %add3A_108, %lt3A : i32
      %convert_element_type3A_110 = arith.extui %lt3A_109 : i1 to i32
      %cond3A_111 = arith.constant 0 : i32
      %cond3A_112 = arith.cmpi ne, %convert_element_type3A_110, %cond3A_111 : i32
      scf.if %cond3A_112 {
        %add3A_345 = arith.constant 2 : i32
        %add3A_346 = arith.addi %add3A_102, %add3A_345 : i32
        %dma_start3A_347 = arith.constant 2 : i32
        %dma_start3A_348 = arith.constant 0 : i32
        %dma_start3A_349 = tpu.memref_slice %arg6[%dma_start3A_347, %dma_start3A_348] : memref<4x128xi32, #tpu.memory_space<vmem>> -> memref<1x128xi32, #tpu.memory_space<vmem>>
        %dma_start3A_350 = tpu.memref_squeeze %dma_start3A_349 : memref<1x128xi32, #tpu.memory_space<vmem>> -> memref<128xi32, #tpu.memory_space<vmem>>
        %dma_start3A_351 = arith.constant 0 : i32
        %dma_start3A_352 = tpu.memref_slice %arg3[%add3A, %add3A_346, %dma_start3A_351] : memref<32x40x128xi32, #tpu.memory_space<hbm>> -> memref<1x1x128xi32, #tpu.memory_space<hbm>>
        %dma_start3A_353 = tpu.memref_squeeze %dma_start3A_352 : memref<1x1x128xi32, #tpu.memory_space<hbm>> -> memref<128xi32, #tpu.memory_space<hbm>>
        %dma_start3A_354 = arith.constant 0 : i32
        %dma_start3A_355 = tpu.memref_slice %arg6[%dma_start3A_347, %dma_start3A_354] : memref<4x128xi32, #tpu.memory_space<vmem>> -> memref<1x128xi32, #tpu.memory_space<vmem>>
        %dma_start3A_356 = tpu.memref_squeeze %dma_start3A_355 : memref<1x128xi32, #tpu.memory_space<vmem>> -> memref<128xi32, #tpu.memory_space<vmem>>
        %dma_start3A_357 = arith.constant 0 : i32
        %dma_start3A_358 = tpu.memref_slice %arg3[%add3A, %add3A_346, %dma_start3A_357] : memref<32x40x128xi32, #tpu.memory_space<hbm>> -> memref<1x1x128xi32, #tpu.memory_space<hbm>>
        %dma_start3A_359 = tpu.memref_squeeze %dma_start3A_358 : memref<1x1x128xi32, #tpu.memory_space<hbm>> -> memref<128xi32, #tpu.memory_space<hbm>>
        tpu.enqueue_dma source(%dma_start3A_359 : memref<128xi32, #tpu.memory_space<hbm>>) target(%dma_start3A_356 : memref<128xi32, #tpu.memory_space<vmem>>) target_semaphore(%arg13 : memref<!tpu.dma_semaphore, #tpu.memory_space<semaphore_mem>>)
        %add3A_360 = arith.constant 2 : i32
        %add3A_361 = arith.addi %add3A_102, %add3A_360 : i32
        %dma_start3A_362 = arith.constant 2 : i32
        %dma_start3A_363 = arith.constant 0 : i32
        %dma_start3A_364 = tpu.memref_slice %arg7[%dma_start3A_362, %dma_start3A_363] : memref<4x128xi32, #tpu.memory_space<vmem>> -> memref<1x128xi32, #tpu.memory_space<vmem>>
        %dma_start3A_365 = tpu.memref_squeeze %dma_start3A_364 : memref<1x128xi32, #tpu.memory_space<vmem>> -> memref<128xi32, #tpu.memory_space<vmem>>
        %dma_start3A_366 = arith.constant 0 : i32
        %dma_start3A_367 = tpu.memref_slice %arg4[%add3A, %add3A_361, %dma_start3A_366] : memref<32x40x128xi32, #tpu.memory_space<hbm>> -> memref<1x1x128xi32, #tpu.memory_space<hbm>>
        %dma_start3A_368 = tpu.memref_squeeze %dma_start3A_367 : memref<1x1x128xi32, #tpu.memory_space<hbm>> -> memref<128xi32, #tpu.memory_space<hbm>>
        %dma_start3A_369 = arith.constant 0 : i32
        %dma_start3A_370 = tpu.memref_slice %arg7[%dma_start3A_362, %dma_start3A_369] : memref<4x128xi32, #tpu.memory_space<vmem>> -> memref<1x128xi32, #tpu.memory_space<vmem>>
        %dma_start3A_371 = tpu.memref_squeeze %dma_start3A_370 : memref<1x128xi32, #tpu.memory_space<vmem>> -> memref<128xi32, #tpu.memory_space<vmem>>
        %dma_start3A_372 = arith.constant 0 : i32
        %dma_start3A_373 = tpu.memref_slice %arg4[%add3A, %add3A_361, %dma_start3A_372] : memref<32x40x128xi32, #tpu.memory_space<hbm>> -> memref<1x1x128xi32, #tpu.memory_space<hbm>>
        %dma_start3A_374 = tpu.memref_squeeze %dma_start3A_373 : memref<1x1x128xi32, #tpu.memory_space<hbm>> -> memref<128xi32, #tpu.memory_space<hbm>>
        tpu.enqueue_dma source(%dma_start3A_374 : memref<128xi32, #tpu.memory_space<hbm>>) target(%dma_start3A_371 : memref<128xi32, #tpu.memory_space<vmem>>) target_semaphore(%arg13 : memref<!tpu.dma_semaphore, #tpu.memory_space<semaphore_mem>>)
      } else {
      }
      %dma_wait3A_113 = arith.constant 0 : i32
      %dma_wait3A_114 = arith.constant 0 : i32
      %dma_wait3A_115 = tpu.memref_slice %arg6[%dma_wait3A_113, %dma_wait3A_114] : memref<4x128xi32, #tpu.memory_space<vmem>> -> memref<1x128xi32, #tpu.memory_space<vmem>>
      %dma_wait3A_116 = tpu.memref_squeeze %dma_wait3A_115 : memref<1x128xi32, #tpu.memory_space<vmem>> -> memref<128xi32, #tpu.memory_space<vmem>>
      %dma_wait3A_117 = arith.constant 0 : i32
      %dma_wait3A_118 = tpu.memref_slice %arg3[%add3A, %add3A_102, %dma_wait3A_117] : memref<32x40x128xi32, #tpu.memory_space<hbm>> -> memref<1x1x128xi32, #tpu.memory_space<hbm>>
      %dma_wait3A_119 = tpu.memref_squeeze %dma_wait3A_118 : memref<1x1x128xi32, #tpu.memory_space<hbm>> -> memref<128xi32, #tpu.memory_space<hbm>>
      %dma_wait3A_120 = arith.constant 0 : i32
      %dma_wait3A_121 = tpu.memref_slice %arg6[%dma_wait3A_113, %dma_wait3A_120] : memref<4x128xi32, #tpu.memory_space<vmem>> -> memref<1x128xi32, #tpu.memory_space<vmem>>
      %dma_wait3A_122 = tpu.memref_squeeze %dma_wait3A_121 : memref<1x128xi32, #tpu.memory_space<vmem>> -> memref<128xi32, #tpu.memory_space<vmem>>
      %dma_wait3A_123 = arith.constant 0 : i32
      %dma_wait3A_124 = tpu.memref_slice %arg3[%add3A, %add3A_102, %dma_wait3A_123] : memref<32x40x128xi32, #tpu.memory_space<hbm>> -> memref<1x1x128xi32, #tpu.memory_space<hbm>>
      %dma_wait3A_125 = tpu.memref_squeeze %dma_wait3A_124 : memref<1x1x128xi32, #tpu.memory_space<hbm>> -> memref<128xi32, #tpu.memory_space<hbm>>
      tpu.wait_dma2 semaphore(%arg11 : memref<!tpu.dma_semaphore, #tpu.memory_space<semaphore_mem>>) src(%dma_wait3A_125 : memref<128xi32, #tpu.memory_space<hbm>>) dst(%dma_wait3A_122 : memref<128xi32, #tpu.memory_space<vmem>>)
      %dma_wait3A_126 = arith.constant 0 : i32
      %dma_wait3A_127 = arith.constant 0 : i32
      %dma_wait3A_128 = tpu.memref_slice %arg7[%dma_wait3A_126, %dma_wait3A_127] : memref<4x128xi32, #tpu.memory_space<vmem>> -> memref<1x128xi32, #tpu.memory_space<vmem>>
      %dma_wait3A_129 = tpu.memref_squeeze %dma_wait3A_128 : memref<1x128xi32, #tpu.memory_space<vmem>> -> memref<128xi32, #tpu.memory_space<vmem>>
      %dma_wait3A_130 = arith.constant 0 : i32
      %dma_wait3A_131 = tpu.memref_slice %arg4[%add3A, %add3A_102, %dma_wait3A_130] : memref<32x40x128xi32, #tpu.memory_space<hbm>> -> memref<1x1x128xi32, #tpu.memory_space<hbm>>
      %dma_wait3A_132 = tpu.memref_squeeze %dma_wait3A_131 : memref<1x1x128xi32, #tpu.memory_space<hbm>> -> memref<128xi32, #tpu.memory_space<hbm>>
      %dma_wait3A_133 = arith.constant 0 : i32
      %dma_wait3A_134 = tpu.memref_slice %arg7[%dma_wait3A_126, %dma_wait3A_133] : memref<4x128xi32, #tpu.memory_space<vmem>> -> memref<1x128xi32, #tpu.memory_space<vmem>>
      %dma_wait3A_135 = tpu.memref_squeeze %dma_wait3A_134 : memref<1x128xi32, #tpu.memory_space<vmem>> -> memref<128xi32, #tpu.memory_space<vmem>>
      %dma_wait3A_136 = arith.constant 0 : i32
      %dma_wait3A_137 = tpu.memref_slice %arg4[%add3A, %add3A_102, %dma_wait3A_136] : memref<32x40x128xi32, #tpu.memory_space<hbm>> -> memref<1x1x128xi32, #tpu.memory_space<hbm>>
      %dma_wait3A_138 = tpu.memref_squeeze %dma_wait3A_137 : memref<1x1x128xi32, #tpu.memory_space<hbm>> -> memref<128xi32, #tpu.memory_space<hbm>>
      tpu.wait_dma2 semaphore(%arg11 : memref<!tpu.dma_semaphore, #tpu.memory_space<semaphore_mem>>) src(%dma_wait3A_138 : memref<128xi32, #tpu.memory_space<hbm>>) dst(%dma_wait3A_135 : memref<128xi32, #tpu.memory_space<vmem>>)
      %dma_start3A_139 = arith.constant 0 : i32
      %dma_start3A_140 = arith.constant 0 : i32
      %dma_start3A_141 = tpu.memref_slice %arg6[%dma_start3A_139, %dma_start3A_140] : memref<4x128xi32, #tpu.memory_space<vmem>> -> memref<1x128xi32, #tpu.memory_space<vmem>>
      %dma_start3A_142 = tpu.memref_squeeze %dma_start3A_141 : memref<1x128xi32, #tpu.memory_space<vmem>> -> memref<128xi32, #tpu.memory_space<vmem>>
      %dma_start3A_143 = arith.constant 0 : i32
      %dma_start3A_144 = arith.constant 0 : i32
      %dma_start3A_145 = tpu.memref_slice %arg2[%dma_start3A_143, %dma_start3A_144] : memref<10240x64xbf16, #tpu.memory_space<hbm>> -> memref<10240x64xbf16, #tpu.memory_space<hbm>>
      tpu.enqueue_indirect_dma source(%dma_start3A_145 : memref<10240x64xbf16, #tpu.memory_space<hbm>>) target(%arg8 : memref<128x64xbf16, #tpu.memory_space<vmem>>) offsets(%dma_start3A_142 : memref<128xi32, #tpu.memory_space<vmem>>) semaphore(%arg15 : memref<!tpu.dma_semaphore, #tpu.memory_space<semaphore_mem>>)
      %ge3A_146 = arith.constant 1 : i32
      %ge3A_147 = arith.cmpi sge, %add3A_102, %ge3A_146 : i32
      %convert_element_type3A_148 = arith.extui %ge3A_147 : i1 to i32
      %cond3A_149 = arith.constant 0 : i32
      %cond3A_150 = arith.cmpi ne, %convert_element_type3A_148, %cond3A_149 : i32
      scf.if %cond3A_150 {
        %sub3A_345 = arith.constant 1 : i32
        %sub3A_346 = arith.subi %add3A_102, %sub3A_345 : i32
        %dma_wait3A_347 = arith.constant 3 : i32
        %dma_wait3A_348 = arith.constant 0 : i32
        %dma_wait3A_349 = tpu.memref_slice %arg6[%dma_wait3A_347, %dma_wait3A_348] : memref<4x128xi32, #tpu.memory_space<vmem>> -> memref<1x128xi32, #tpu.memory_space<vmem>>
        %dma_wait3A_350 = tpu.memref_squeeze %dma_wait3A_349 : memref<1x128xi32, #tpu.memory_space<vmem>> -> memref<128xi32, #tpu.memory_space<vmem>>
        %dma_wait3A_351 = arith.constant 0 : i32
        %dma_wait3A_352 = arith.constant 0 : i32
        %dma_wait3A_353 = tpu.memref_slice %arg2[%dma_wait3A_351, %dma_wait3A_352] : memref<10240x64xbf16, #tpu.memory_space<hbm>> -> memref<10240x64xbf16, #tpu.memory_space<hbm>>
        tpu.wait_indirect_dma semaphore(%arg16 : memref<!tpu.dma_semaphore, #tpu.memory_space<semaphore_mem>>) src(%dma_wait3A_353 : memref<10240x64xbf16, #tpu.memory_space<hbm>>) dst(%arg9 : memref<128x64xbf16, #tpu.memory_space<vmem>>)
        %dma_start3A_354 = arith.constant 3 : i32
        %dma_start3A_355 = arith.constant 0 : i32
        %dma_start3A_356 = tpu.memref_slice %arg7[%dma_start3A_354, %dma_start3A_355] : memref<4x128xi32, #tpu.memory_space<vmem>> -> memref<1x128xi32, #tpu.memory_space<vmem>>
        %dma_start3A_357 = tpu.memref_squeeze %dma_start3A_356 : memref<1x128xi32, #tpu.memory_space<vmem>> -> memref<128xi32, #tpu.memory_space<vmem>>
        %dma_start3A_358 = arith.constant 0 : i32
        %dma_start3A_359 = arith.constant 0 : i32
        %dma_start3A_360 = tpu.memref_slice %arg10[%dma_start3A_358, %dma_start3A_359] : memref<10240x64xbf16, #tpu.memory_space<vmem_shared>> -> memref<10240x64xbf16, #tpu.memory_space<vmem_shared>>
        tpu.enqueue_indirect_dma source(%arg9 : memref<128x64xbf16, #tpu.memory_space<vmem>>) target(%dma_start3A_360 : memref<10240x64xbf16, #tpu.memory_space<vmem_shared>>) offsets(%dma_start3A_357 : memref<128xi32, #tpu.memory_space<vmem>>) semaphore(%arg18 : memref<!tpu.dma_semaphore, #tpu.memory_space<semaphore_mem>>) {add = true}
      } else {
      }
      %mul3A_151 = arith.constant 4 : i32
      %mul3A_152 = arith.muli %scan3A_98, %mul3A_151 : i32
      %add3A_153 = arith.constant 1 : i32
      %add3A_154 = arith.addi %mul3A_152, %add3A_153 : i32
      %ge3A_155 = arith.constant 2 : i32
      %ge3A_156 = arith.cmpi sge, %add3A_154, %ge3A_155 : i32
      %convert_element_type3A_157 = arith.extui %ge3A_156 : i1 to i32
      %cond3A_158 = arith.constant 0 : i32
      %cond3A_159 = arith.cmpi ne, %convert_element_type3A_157, %cond3A_158 : i32
      scf.if %cond3A_159 {
        %dma_wait3A_345 = arith.constant 1 : i32
        %dma_wait3A_346 = arith.constant 0 : i32
        %dma_wait3A_347 = tpu.memref_slice %arg7[%dma_wait3A_345, %dma_wait3A_346] : memref<4x128xi32, #tpu.memory_space<vmem>> -> memref<1x128xi32, #tpu.memory_space<vmem>>
        %dma_wait3A_348 = tpu.memref_squeeze %dma_wait3A_347 : memref<1x128xi32, #tpu.memory_space<vmem>> -> memref<128xi32, #tpu.memory_space<vmem>>
        %dma_wait3A_349 = arith.constant 0 : i32
        %dma_wait3A_350 = arith.constant 0 : i32
        %dma_wait3A_351 = tpu.memref_slice %arg10[%dma_wait3A_349, %dma_wait3A_350] : memref<10240x64xbf16, #tpu.memory_space<vmem_shared>> -> memref<10240x64xbf16, #tpu.memory_space<vmem_shared>>
        tpu.wait_indirect_dma semaphore(%arg18 : memref<!tpu.dma_semaphore, #tpu.memory_space<semaphore_mem>>) src(%arg9 : memref<128x64xbf16, #tpu.memory_space<vmem>>) dst(%dma_wait3A_351 : memref<10240x64xbf16, #tpu.memory_space<vmem_shared>>)
      } else {
      }
      %add3A_160 = arith.constant 2 : i32
      %add3A_161 = arith.addi %add3A_154, %add3A_160 : i32
      %lt3A_162 = arith.constant 40 : i32
      %lt3A_163 = arith.cmpi slt, %add3A_161, %lt3A_162 : i32
      %convert_element_type3A_164 = arith.extui %lt3A_163 : i1 to i32
      %cond3A_165 = arith.constant 0 : i32
      %cond3A_166 = arith.cmpi ne, %convert_element_type3A_164, %cond3A_165 : i32
      scf.if %cond3A_166 {
        %add3A_345 = arith.constant 2 : i32
        %add3A_346 = arith.addi %add3A_154, %add3A_345 : i32
        %dma_start3A_347 = arith.constant 3 : i32
        %dma_start3A_348 = arith.constant 0 : i32
        %dma_start3A_349 = tpu.memref_slice %arg6[%dma_start3A_347, %dma_start3A_348] : memref<4x128xi32, #tpu.memory_space<vmem>> -> memref<1x128xi32, #tpu.memory_space<vmem>>
        %dma_start3A_350 = tpu.memref_squeeze %dma_start3A_349 : memref<1x128xi32, #tpu.memory_space<vmem>> -> memref<128xi32, #tpu.memory_space<vmem>>
        %dma_start3A_351 = arith.constant 0 : i32
        %dma_start3A_352 = tpu.memref_slice %arg3[%add3A, %add3A_346, %dma_start3A_351] : memref<32x40x128xi32, #tpu.memory_space<hbm>> -> memref<1x1x128xi32, #tpu.memory_space<hbm>>
        %dma_start3A_353 = tpu.memref_squeeze %dma_start3A_352 : memref<1x1x128xi32, #tpu.memory_space<hbm>> -> memref<128xi32, #tpu.memory_space<hbm>>
        %dma_start3A_354 = arith.constant 0 : i32
        %dma_start3A_355 = tpu.memref_slice %arg6[%dma_start3A_347, %dma_start3A_354] : memref<4x128xi32, #tpu.memory_space<vmem>> -> memref<1x128xi32, #tpu.memory_space<vmem>>
        %dma_start3A_356 = tpu.memref_squeeze %dma_start3A_355 : memref<1x128xi32, #tpu.memory_space<vmem>> -> memref<128xi32, #tpu.memory_space<vmem>>
        %dma_start3A_357 = arith.constant 0 : i32
        %dma_start3A_358 = tpu.memref_slice %arg3[%add3A, %add3A_346, %dma_start3A_357] : memref<32x40x128xi32, #tpu.memory_space<hbm>> -> memref<1x1x128xi32, #tpu.memory_space<hbm>>
        %dma_start3A_359 = tpu.memref_squeeze %dma_start3A_358 : memref<1x1x128xi32, #tpu.memory_space<hbm>> -> memref<128xi32, #tpu.memory_space<hbm>>
        tpu.enqueue_dma source(%dma_start3A_359 : memref<128xi32, #tpu.memory_space<hbm>>) target(%dma_start3A_356 : memref<128xi32, #tpu.memory_space<vmem>>) target_semaphore(%arg14 : memref<!tpu.dma_semaphore, #tpu.memory_space<semaphore_mem>>)
        %add3A_360 = arith.constant 2 : i32
        %add3A_361 = arith.addi %add3A_154, %add3A_360 : i32
        %dma_start3A_362 = arith.constant 3 : i32
        %dma_start3A_363 = arith.constant 0 : i32
        %dma_start3A_364 = tpu.memref_slice %arg7[%dma_start3A_362, %dma_start3A_363] : memref<4x128xi32, #tpu.memory_space<vmem>> -> memref<1x128xi32, #tpu.memory_space<vmem>>
        %dma_start3A_365 = tpu.memref_squeeze %dma_start3A_364 : memref<1x128xi32, #tpu.memory_space<vmem>> -> memref<128xi32, #tpu.memory_space<vmem>>
        %dma_start3A_366 = arith.constant 0 : i32
        %dma_start3A_367 = tpu.memref_slice %arg4[%add3A, %add3A_361, %dma_start3A_366] : memref<32x40x128xi32, #tpu.memory_space<hbm>> -> memref<1x1x128xi32, #tpu.memory_space<hbm>>
        %dma_start3A_368 = tpu.memref_squeeze %dma_start3A_367 : memref<1x1x128xi32, #tpu.memory_space<hbm>> -> memref<128xi32, #tpu.memory_space<hbm>>
        %dma_start3A_369 = arith.constant 0 : i32
        %dma_start3A_370 = tpu.memref_slice %arg7[%dma_start3A_362, %dma_start3A_369] : memref<4x128xi32, #tpu.memory_space<vmem>> -> memref<1x128xi32, #tpu.memory_space<vmem>>
        %dma_start3A_371 = tpu.memref_squeeze %dma_start3A_370 : memref<1x128xi32, #tpu.memory_space<vmem>> -> memref<128xi32, #tpu.memory_space<vmem>>
        %dma_start3A_372 = arith.constant 0 : i32
        %dma_start3A_373 = tpu.memref_slice %arg4[%add3A, %add3A_361, %dma_start3A_372] : memref<32x40x128xi32, #tpu.memory_space<hbm>> -> memref<1x1x128xi32, #tpu.memory_space<hbm>>
        %dma_start3A_374 = tpu.memref_squeeze %dma_start3A_373 : memref<1x1x128xi32, #tpu.memory_space<hbm>> -> memref<128xi32, #tpu.memory_space<hbm>>
        tpu.enqueue_dma source(%dma_start3A_374 : memref<128xi32, #tpu.memory_space<hbm>>) target(%dma_start3A_371 : memref<128xi32, #tpu.memory_space<vmem>>) target_semaphore(%arg14 : memref<!tpu.dma_semaphore, #tpu.memory_space<semaphore_mem>>)
      } else {
      }
      %dma_wait3A_167 = arith.constant 1 : i32
      %dma_wait3A_168 = arith.constant 0 : i32
      %dma_wait3A_169 = tpu.memref_slice %arg6[%dma_wait3A_167, %dma_wait3A_168] : memref<4x128xi32, #tpu.memory_space<vmem>> -> memref<1x128xi32, #tpu.memory_space<vmem>>
      %dma_wait3A_170 = tpu.memref_squeeze %dma_wait3A_169 : memref<1x128xi32, #tpu.memory_space<vmem>> -> memref<128xi32, #tpu.memory_space<vmem>>
      %dma_wait3A_171 = arith.constant 0 : i32
      %dma_wait3A_172 = tpu.memref_slice %arg3[%add3A, %add3A_154, %dma_wait3A_171] : memref<32x40x128xi32, #tpu.memory_space<hbm>> -> memref<1x1x128xi32, #tpu.memory_space<hbm>>
      %dma_wait3A_173 = tpu.memref_squeeze %dma_wait3A_172 : memref<1x1x128xi32, #tpu.memory_space<hbm>> -> memref<128xi32, #tpu.memory_space<hbm>>
      %dma_wait3A_174 = arith.constant 0 : i32
      %dma_wait3A_175 = tpu.memref_slice %arg6[%dma_wait3A_167, %dma_wait3A_174] : memref<4x128xi32, #tpu.memory_space<vmem>> -> memref<1x128xi32, #tpu.memory_space<vmem>>
      %dma_wait3A_176 = tpu.memref_squeeze %dma_wait3A_175 : memref<1x128xi32, #tpu.memory_space<vmem>> -> memref<128xi32, #tpu.memory_space<vmem>>
      %dma_wait3A_177 = arith.constant 0 : i32
      %dma_wait3A_178 = tpu.memref_slice %arg3[%add3A, %add3A_154, %dma_wait3A_177] : memref<32x40x128xi32, #tpu.memory_space<hbm>> -> memref<1x1x128xi32, #tpu.memory_space<hbm>>
      %dma_wait3A_179 = tpu.memref_squeeze %dma_wait3A_178 : memref<1x1x128xi32, #tpu.memory_space<hbm>> -> memref<128xi32, #tpu.memory_space<hbm>>
      tpu.wait_dma2 semaphore(%arg12 : memref<!tpu.dma_semaphore, #tpu.memory_space<semaphore_mem>>) src(%dma_wait3A_179 : memref<128xi32, #tpu.memory_space<hbm>>) dst(%dma_wait3A_176 : memref<128xi32, #tpu.memory_space<vmem>>)
      %dma_wait3A_180 = arith.constant 1 : i32
      %dma_wait3A_181 = arith.constant 0 : i32
      %dma_wait3A_182 = tpu.memref_slice %arg7[%dma_wait3A_180, %dma_wait3A_181] : memref<4x128xi32, #tpu.memory_space<vmem>> -> memref<1x128xi32, #tpu.memory_space<vmem>>
      %dma_wait3A_183 = tpu.memref_squeeze %dma_wait3A_182 : memref<1x128xi32, #tpu.memory_space<vmem>> -> memref<128xi32, #tpu.memory_space<vmem>>
      %dma_wait3A_184 = arith.constant 0 : i32
      %dma_wait3A_185 = tpu.memref_slice %arg4[%add3A, %add3A_154, %dma_wait3A_184] : memref<32x40x128xi32, #tpu.memory_space<hbm>> -> memref<1x1x128xi32, #tpu.memory_space<hbm>>
      %dma_wait3A_186 = tpu.memref_squeeze %dma_wait3A_185 : memref<1x1x128xi32, #tpu.memory_space<hbm>> -> memref<128xi32, #tpu.memory_space<hbm>>
      %dma_wait3A_187 = arith.constant 0 : i32
      %dma_wait3A_188 = tpu.memref_slice %arg7[%dma_wait3A_180, %dma_wait3A_187] : memref<4x128xi32, #tpu.memory_space<vmem>> -> memref<1x128xi32, #tpu.memory_space<vmem>>
      %dma_wait3A_189 = tpu.memref_squeeze %dma_wait3A_188 : memref<1x128xi32, #tpu.memory_space<vmem>> -> memref<128xi32, #tpu.memory_space<vmem>>
      %dma_wait3A_190 = arith.constant 0 : i32
      %dma_wait3A_191 = tpu.memref_slice %arg4[%add3A, %add3A_154, %dma_wait3A_190] : memref<32x40x128xi32, #tpu.memory_space<hbm>> -> memref<1x1x128xi32, #tpu.memory_space<hbm>>
      %dma_wait3A_192 = tpu.memref_squeeze %dma_wait3A_191 : memref<1x1x128xi32, #tpu.memory_space<hbm>> -> memref<128xi32, #tpu.memory_space<hbm>>
      tpu.wait_dma2 semaphore(%arg12 : memref<!tpu.dma_semaphore, #tpu.memory_space<semaphore_mem>>) src(%dma_wait3A_192 : memref<128xi32, #tpu.memory_space<hbm>>) dst(%dma_wait3A_189 : memref<128xi32, #tpu.memory_space<vmem>>)
      %dma_start3A_193 = arith.constant 1 : i32
      %dma_start3A_194 = arith.constant 0 : i32
      %dma_start3A_195 = tpu.memref_slice %arg6[%dma_start3A_193, %dma_start3A_194] : memref<4x128xi32, #tpu.memory_space<vmem>> -> memref<1x128xi32, #tpu.memory_space<vmem>>
      %dma_start3A_196 = tpu.memref_squeeze %dma_start3A_195 : memref<1x128xi32, #tpu.memory_space<vmem>> -> memref<128xi32, #tpu.memory_space<vmem>>
      %dma_start3A_197 = arith.constant 0 : i32
      %dma_start3A_198 = arith.constant 0 : i32
      %dma_start3A_199 = tpu.memref_slice %arg2[%dma_start3A_197, %dma_start3A_198] : memref<10240x64xbf16, #tpu.memory_space<hbm>> -> memref<10240x64xbf16, #tpu.memory_space<hbm>>
      tpu.enqueue_indirect_dma source(%dma_start3A_199 : memref<10240x64xbf16, #tpu.memory_space<hbm>>) target(%arg9 : memref<128x64xbf16, #tpu.memory_space<vmem>>) offsets(%dma_start3A_196 : memref<128xi32, #tpu.memory_space<vmem>>) semaphore(%arg16 : memref<!tpu.dma_semaphore, #tpu.memory_space<semaphore_mem>>)
      %sub3A = arith.constant 1 : i32
      %sub3A_200 = arith.subi %add3A_154, %sub3A : i32
      %dma_wait3A_201 = arith.constant 0 : i32
      %dma_wait3A_202 = arith.constant 0 : i32
      %dma_wait3A_203 = tpu.memref_slice %arg6[%dma_wait3A_201, %dma_wait3A_202] : memref<4x128xi32, #tpu.memory_space<vmem>> -> memref<1x128xi32, #tpu.memory_space<vmem>>
      %dma_wait3A_204 = tpu.memref_squeeze %dma_wait3A_203 : memref<1x128xi32, #tpu.memory_space<vmem>> -> memref<128xi32, #tpu.memory_space<vmem>>
      %dma_wait3A_205 = arith.constant 0 : i32
      %dma_wait3A_206 = arith.constant 0 : i32
      %dma_wait3A_207 = tpu.memref_slice %arg2[%dma_wait3A_205, %dma_wait3A_206] : memref<10240x64xbf16, #tpu.memory_space<hbm>> -> memref<10240x64xbf16, #tpu.memory_space<hbm>>
      tpu.wait_indirect_dma semaphore(%arg15 : memref<!tpu.dma_semaphore, #tpu.memory_space<semaphore_mem>>) src(%dma_wait3A_207 : memref<10240x64xbf16, #tpu.memory_space<hbm>>) dst(%arg8 : memref<128x64xbf16, #tpu.memory_space<vmem>>)
      %dma_start3A_208 = arith.constant 0 : i32
      %dma_start3A_209 = arith.constant 0 : i32
      %dma_start3A_210 = tpu.memref_slice %arg7[%dma_start3A_208, %dma_start3A_209] : memref<4x128xi32, #tpu.memory_space<vmem>> -> memref<1x128xi32, #tpu.memory_space<vmem>>
      %dma_start3A_211 = tpu.memref_squeeze %dma_start3A_210 : memref<1x128xi32, #tpu.memory_space<vmem>> -> memref<128xi32, #tpu.memory_space<vmem>>
      %dma_start3A_212 = arith.constant 0 : i32
      %dma_start3A_213 = arith.constant 0 : i32
      %dma_start3A_214 = tpu.memref_slice %arg10[%dma_start3A_212, %dma_start3A_213] : memref<10240x64xbf16, #tpu.memory_space<vmem_shared>> -> memref<10240x64xbf16, #tpu.memory_space<vmem_shared>>
      tpu.enqueue_indirect_dma source(%arg8 : memref<128x64xbf16, #tpu.memory_space<vmem>>) target(%dma_start3A_214 : memref<10240x64xbf16, #tpu.memory_space<vmem_shared>>) offsets(%dma_start3A_211 : memref<128xi32, #tpu.memory_space<vmem>>) semaphore(%arg17 : memref<!tpu.dma_semaphore, #tpu.memory_space<semaphore_mem>>) {add = true}
      %mul3A_215 = arith.constant 4 : i32
      %mul3A_216 = arith.muli %scan3A_98, %mul3A_215 : i32
      %add3A_217 = arith.constant 2 : i32
      %add3A_218 = arith.addi %mul3A_216, %add3A_217 : i32
      %ge3A_219 = arith.constant 2 : i32
      %ge3A_220 = arith.cmpi sge, %add3A_218, %ge3A_219 : i32
      %convert_element_type3A_221 = arith.extui %ge3A_220 : i1 to i32
      %cond3A_222 = arith.constant 0 : i32
      %cond3A_223 = arith.cmpi ne, %convert_element_type3A_221, %cond3A_222 : i32
      scf.if %cond3A_223 {
        %dma_wait3A_345 = arith.constant 2 : i32
        %dma_wait3A_346 = arith.constant 0 : i32
        %dma_wait3A_347 = tpu.memref_slice %arg7[%dma_wait3A_345, %dma_wait3A_346] : memref<4x128xi32, #tpu.memory_space<vmem>> -> memref<1x128xi32, #tpu.memory_space<vmem>>
        %dma_wait3A_348 = tpu.memref_squeeze %dma_wait3A_347 : memref<1x128xi32, #tpu.memory_space<vmem>> -> memref<128xi32, #tpu.memory_space<vmem>>
        %dma_wait3A_349 = arith.constant 0 : i32
        %dma_wait3A_350 = arith.constant 0 : i32
        %dma_wait3A_351 = tpu.memref_slice %arg10[%dma_wait3A_349, %dma_wait3A_350] : memref<10240x64xbf16, #tpu.memory_space<vmem_shared>> -> memref<10240x64xbf16, #tpu.memory_space<vmem_shared>>
        tpu.wait_indirect_dma semaphore(%arg17 : memref<!tpu.dma_semaphore, #tpu.memory_space<semaphore_mem>>) src(%arg8 : memref<128x64xbf16, #tpu.memory_space<vmem>>) dst(%dma_wait3A_351 : memref<10240x64xbf16, #tpu.memory_space<vmem_shared>>)
      } else {
      }
      %add3A_224 = arith.constant 2 : i32
      %add3A_225 = arith.addi %add3A_218, %add3A_224 : i32
      %lt3A_226 = arith.constant 40 : i32
      %lt3A_227 = arith.cmpi slt, %add3A_225, %lt3A_226 : i32
      %convert_element_type3A_228 = arith.extui %lt3A_227 : i1 to i32
      %cond3A_229 = arith.constant 0 : i32
      %cond3A_230 = arith.cmpi ne, %convert_element_type3A_228, %cond3A_229 : i32
      scf.if %cond3A_230 {
        %add3A_345 = arith.constant 2 : i32
        %add3A_346 = arith.addi %add3A_218, %add3A_345 : i32
        %dma_start3A_347 = arith.constant 0 : i32
        %dma_start3A_348 = arith.constant 0 : i32
        %dma_start3A_349 = tpu.memref_slice %arg6[%dma_start3A_347, %dma_start3A_348] : memref<4x128xi32, #tpu.memory_space<vmem>> -> memref<1x128xi32, #tpu.memory_space<vmem>>
        %dma_start3A_350 = tpu.memref_squeeze %dma_start3A_349 : memref<1x128xi32, #tpu.memory_space<vmem>> -> memref<128xi32, #tpu.memory_space<vmem>>
        %dma_start3A_351 = arith.constant 0 : i32
        %dma_start3A_352 = tpu.memref_slice %arg3[%add3A, %add3A_346, %dma_start3A_351] : memref<32x40x128xi32, #tpu.memory_space<hbm>> -> memref<1x1x128xi32, #tpu.memory_space<hbm>>
        %dma_start3A_353 = tpu.memref_squeeze %dma_start3A_352 : memref<1x1x128xi32, #tpu.memory_space<hbm>> -> memref<128xi32, #tpu.memory_space<hbm>>
        %dma_start3A_354 = arith.constant 0 : i32
        %dma_start3A_355 = tpu.memref_slice %arg6[%dma_start3A_347, %dma_start3A_354] : memref<4x128xi32, #tpu.memory_space<vmem>> -> memref<1x128xi32, #tpu.memory_space<vmem>>
        %dma_start3A_356 = tpu.memref_squeeze %dma_start3A_355 : memref<1x128xi32, #tpu.memory_space<vmem>> -> memref<128xi32, #tpu.memory_space<vmem>>
        %dma_start3A_357 = arith.constant 0 : i32
        %dma_start3A_358 = tpu.memref_slice %arg3[%add3A, %add3A_346, %dma_start3A_357] : memref<32x40x128xi32, #tpu.memory_space<hbm>> -> memref<1x1x128xi32, #tpu.memory_space<hbm>>
        %dma_start3A_359 = tpu.memref_squeeze %dma_start3A_358 : memref<1x1x128xi32, #tpu.memory_space<hbm>> -> memref<128xi32, #tpu.memory_space<hbm>>
        tpu.enqueue_dma source(%dma_start3A_359 : memref<128xi32, #tpu.memory_space<hbm>>) target(%dma_start3A_356 : memref<128xi32, #tpu.memory_space<vmem>>) target_semaphore(%arg11 : memref<!tpu.dma_semaphore, #tpu.memory_space<semaphore_mem>>)
        %add3A_360 = arith.constant 2 : i32
        %add3A_361 = arith.addi %add3A_218, %add3A_360 : i32
        %dma_start3A_362 = arith.constant 0 : i32
        %dma_start3A_363 = arith.constant 0 : i32
        %dma_start3A_364 = tpu.memref_slice %arg7[%dma_start3A_362, %dma_start3A_363] : memref<4x128xi32, #tpu.memory_space<vmem>> -> memref<1x128xi32, #tpu.memory_space<vmem>>
        %dma_start3A_365 = tpu.memref_squeeze %dma_start3A_364 : memref<1x128xi32, #tpu.memory_space<vmem>> -> memref<128xi32, #tpu.memory_space<vmem>>
        %dma_start3A_366 = arith.constant 0 : i32
        %dma_start3A_367 = tpu.memref_slice %arg4[%add3A, %add3A_361, %dma_start3A_366] : memref<32x40x128xi32, #tpu.memory_space<hbm>> -> memref<1x1x128xi32, #tpu.memory_space<hbm>>
        %dma_start3A_368 = tpu.memref_squeeze %dma_start3A_367 : memref<1x1x128xi32, #tpu.memory_space<hbm>> -> memref<128xi32, #tpu.memory_space<hbm>>
        %dma_start3A_369 = arith.constant 0 : i32
        %dma_start3A_370 = tpu.memref_slice %arg7[%dma_start3A_362, %dma_start3A_369] : memref<4x128xi32, #tpu.memory_space<vmem>> -> memref<1x128xi32, #tpu.memory_space<vmem>>
        %dma_start3A_371 = tpu.memref_squeeze %dma_start3A_370 : memref<1x128xi32, #tpu.memory_space<vmem>> -> memref<128xi32, #tpu.memory_space<vmem>>
        %dma_start3A_372 = arith.constant 0 : i32
        %dma_start3A_373 = tpu.memref_slice %arg4[%add3A, %add3A_361, %dma_start3A_372] : memref<32x40x128xi32, #tpu.memory_space<hbm>> -> memref<1x1x128xi32, #tpu.memory_space<hbm>>
        %dma_start3A_374 = tpu.memref_squeeze %dma_start3A_373 : memref<1x1x128xi32, #tpu.memory_space<hbm>> -> memref<128xi32, #tpu.memory_space<hbm>>
        tpu.enqueue_dma source(%dma_start3A_374 : memref<128xi32, #tpu.memory_space<hbm>>) target(%dma_start3A_371 : memref<128xi32, #tpu.memory_space<vmem>>) target_semaphore(%arg11 : memref<!tpu.dma_semaphore, #tpu.memory_space<semaphore_mem>>)
      } else {
      }
      %dma_wait3A_231 = arith.constant 2 : i32
      %dma_wait3A_232 = arith.constant 0 : i32
      %dma_wait3A_233 = tpu.memref_slice %arg6[%dma_wait3A_231, %dma_wait3A_232] : memref<4x128xi32, #tpu.memory_space<vmem>> -> memref<1x128xi32, #tpu.memory_space<vmem>>
      %dma_wait3A_234 = tpu.memref_squeeze %dma_wait3A_233 : memref<1x128xi32, #tpu.memory_space<vmem>> -> memref<128xi32, #tpu.memory_space<vmem>>
      %dma_wait3A_235 = arith.constant 0 : i32
      %dma_wait3A_236 = tpu.memref_slice %arg3[%add3A, %add3A_218, %dma_wait3A_235] : memref<32x40x128xi32, #tpu.memory_space<hbm>> -> memref<1x1x128xi32, #tpu.memory_space<hbm>>
      %dma_wait3A_237 = tpu.memref_squeeze %dma_wait3A_236 : memref<1x1x128xi32, #tpu.memory_space<hbm>> -> memref<128xi32, #tpu.memory_space<hbm>>
      %dma_wait3A_238 = arith.constant 0 : i32
      %dma_wait3A_239 = tpu.memref_slice %arg6[%dma_wait3A_231, %dma_wait3A_238] : memref<4x128xi32, #tpu.memory_space<vmem>> -> memref<1x128xi32, #tpu.memory_space<vmem>>
      %dma_wait3A_240 = tpu.memref_squeeze %dma_wait3A_239 : memref<1x128xi32, #tpu.memory_space<vmem>> -> memref<128xi32, #tpu.memory_space<vmem>>
      %dma_wait3A_241 = arith.constant 0 : i32
      %dma_wait3A_242 = tpu.memref_slice %arg3[%add3A, %add3A_218, %dma_wait3A_241] : memref<32x40x128xi32, #tpu.memory_space<hbm>> -> memref<1x1x128xi32, #tpu.memory_space<hbm>>
      %dma_wait3A_243 = tpu.memref_squeeze %dma_wait3A_242 : memref<1x1x128xi32, #tpu.memory_space<hbm>> -> memref<128xi32, #tpu.memory_space<hbm>>
      tpu.wait_dma2 semaphore(%arg13 : memref<!tpu.dma_semaphore, #tpu.memory_space<semaphore_mem>>) src(%dma_wait3A_243 : memref<128xi32, #tpu.memory_space<hbm>>) dst(%dma_wait3A_240 : memref<128xi32, #tpu.memory_space<vmem>>)
      %dma_wait3A_244 = arith.constant 2 : i32
      %dma_wait3A_245 = arith.constant 0 : i32
      %dma_wait3A_246 = tpu.memref_slice %arg7[%dma_wait3A_244, %dma_wait3A_245] : memref<4x128xi32, #tpu.memory_space<vmem>> -> memref<1x128xi32, #tpu.memory_space<vmem>>
      %dma_wait3A_247 = tpu.memref_squeeze %dma_wait3A_246 : memref<1x128xi32, #tpu.memory_space<vmem>> -> memref<128xi32, #tpu.memory_space<vmem>>
      %dma_wait3A_248 = arith.constant 0 : i32
      %dma_wait3A_249 = tpu.memref_slice %arg4[%add3A, %add3A_218, %dma_wait3A_248] : memref<32x40x128xi32, #tpu.memory_space<hbm>> -> memref<1x1x128xi32, #tpu.memory_space<hbm>>
      %dma_wait3A_250 = tpu.memref_squeeze %dma_wait3A_249 : memref<1x1x128xi32, #tpu.memory_space<hbm>> -> memref<128xi32, #tpu.memory_space<hbm>>
      %dma_wait3A_251 = arith.constant 0 : i32
      %dma_wait3A_252 = tpu.memref_slice %arg7[%dma_wait3A_244, %dma_wait3A_251] : memref<4x128xi32, #tpu.memory_space<vmem>> -> memref<1x128xi32, #tpu.memory_space<vmem>>
      %dma_wait3A_253 = tpu.memref_squeeze %dma_wait3A_252 : memref<1x128xi32, #tpu.memory_space<vmem>> -> memref<128xi32, #tpu.memory_space<vmem>>
      %dma_wait3A_254 = arith.constant 0 : i32
      %dma_wait3A_255 = tpu.memref_slice %arg4[%add3A, %add3A_218, %dma_wait3A_254] : memref<32x40x128xi32, #tpu.memory_space<hbm>> -> memref<1x1x128xi32, #tpu.memory_space<hbm>>
      %dma_wait3A_256 = tpu.memref_squeeze %dma_wait3A_255 : memref<1x1x128xi32, #tpu.memory_space<hbm>> -> memref<128xi32, #tpu.memory_space<hbm>>
      tpu.wait_dma2 semaphore(%arg13 : memref<!tpu.dma_semaphore, #tpu.memory_space<semaphore_mem>>) src(%dma_wait3A_256 : memref<128xi32, #tpu.memory_space<hbm>>) dst(%dma_wait3A_253 : memref<128xi32, #tpu.memory_space<vmem>>)
      %dma_start3A_257 = arith.constant 2 : i32
      %dma_start3A_258 = arith.constant 0 : i32
      %dma_start3A_259 = tpu.memref_slice %arg6[%dma_start3A_257, %dma_start3A_258] : memref<4x128xi32, #tpu.memory_space<vmem>> -> memref<1x128xi32, #tpu.memory_space<vmem>>
      %dma_start3A_260 = tpu.memref_squeeze %dma_start3A_259 : memref<1x128xi32, #tpu.memory_space<vmem>> -> memref<128xi32, #tpu.memory_space<vmem>>
      %dma_start3A_261 = arith.constant 0 : i32
      %dma_start3A_262 = arith.constant 0 : i32
      %dma_start3A_263 = tpu.memref_slice %arg2[%dma_start3A_261, %dma_start3A_262] : memref<10240x64xbf16, #tpu.memory_space<hbm>> -> memref<10240x64xbf16, #tpu.memory_space<hbm>>
      tpu.enqueue_indirect_dma source(%dma_start3A_263 : memref<10240x64xbf16, #tpu.memory_space<hbm>>) target(%arg8 : memref<128x64xbf16, #tpu.memory_space<vmem>>) offsets(%dma_start3A_260 : memref<128xi32, #tpu.memory_space<vmem>>) semaphore(%arg15 : memref<!tpu.dma_semaphore, #tpu.memory_space<semaphore_mem>>)
      %sub3A_264 = arith.constant 1 : i32
      %sub3A_265 = arith.subi %add3A_218, %sub3A_264 : i32
      %dma_wait3A_266 = arith.constant 1 : i32
      %dma_wait3A_267 = arith.constant 0 : i32
      %dma_wait3A_268 = tpu.memref_slice %arg6[%dma_wait3A_266, %dma_wait3A_267] : memref<4x128xi32, #tpu.memory_space<vmem>> -> memref<1x128xi32, #tpu.memory_space<vmem>>
      %dma_wait3A_269 = tpu.memref_squeeze %dma_wait3A_268 : memref<1x128xi32, #tpu.memory_space<vmem>> -> memref<128xi32, #tpu.memory_space<vmem>>
      %dma_wait3A_270 = arith.constant 0 : i32
      %dma_wait3A_271 = arith.constant 0 : i32
      %dma_wait3A_272 = tpu.memref_slice %arg2[%dma_wait3A_270, %dma_wait3A_271] : memref<10240x64xbf16, #tpu.memory_space<hbm>> -> memref<10240x64xbf16, #tpu.memory_space<hbm>>
      tpu.wait_indirect_dma semaphore(%arg16 : memref<!tpu.dma_semaphore, #tpu.memory_space<semaphore_mem>>) src(%dma_wait3A_272 : memref<10240x64xbf16, #tpu.memory_space<hbm>>) dst(%arg9 : memref<128x64xbf16, #tpu.memory_space<vmem>>)
      %dma_start3A_273 = arith.constant 1 : i32
      %dma_start3A_274 = arith.constant 0 : i32
      %dma_start3A_275 = tpu.memref_slice %arg7[%dma_start3A_273, %dma_start3A_274] : memref<4x128xi32, #tpu.memory_space<vmem>> -> memref<1x128xi32, #tpu.memory_space<vmem>>
      %dma_start3A_276 = tpu.memref_squeeze %dma_start3A_275 : memref<1x128xi32, #tpu.memory_space<vmem>> -> memref<128xi32, #tpu.memory_space<vmem>>
      %dma_start3A_277 = arith.constant 0 : i32
      %dma_start3A_278 = arith.constant 0 : i32
      %dma_start3A_279 = tpu.memref_slice %arg10[%dma_start3A_277, %dma_start3A_278] : memref<10240x64xbf16, #tpu.memory_space<vmem_shared>> -> memref<10240x64xbf16, #tpu.memory_space<vmem_shared>>
      tpu.enqueue_indirect_dma source(%arg9 : memref<128x64xbf16, #tpu.memory_space<vmem>>) target(%dma_start3A_279 : memref<10240x64xbf16, #tpu.memory_space<vmem_shared>>) offsets(%dma_start3A_276 : memref<128xi32, #tpu.memory_space<vmem>>) semaphore(%arg18 : memref<!tpu.dma_semaphore, #tpu.memory_space<semaphore_mem>>) {add = true}
      %mul3A_280 = arith.constant 4 : i32
      %mul3A_281 = arith.muli %scan3A_98, %mul3A_280 : i32
      %add3A_282 = arith.constant 3 : i32
      %add3A_283 = arith.addi %mul3A_281, %add3A_282 : i32
      %ge3A_284 = arith.constant 2 : i32
      %ge3A_285 = arith.cmpi sge, %add3A_283, %ge3A_284 : i32
      %convert_element_type3A_286 = arith.extui %ge3A_285 : i1 to i32
      %cond3A_287 = arith.constant 0 : i32
      %cond3A_288 = arith.cmpi ne, %convert_element_type3A_286, %cond3A_287 : i32
      scf.if %cond3A_288 {
        %dma_wait3A_345 = arith.constant 3 : i32
        %dma_wait3A_346 = arith.constant 0 : i32
        %dma_wait3A_347 = tpu.memref_slice %arg7[%dma_wait3A_345, %dma_wait3A_346] : memref<4x128xi32, #tpu.memory_space<vmem>> -> memref<1x128xi32, #tpu.memory_space<vmem>>
        %dma_wait3A_348 = tpu.memref_squeeze %dma_wait3A_347 : memref<1x128xi32, #tpu.memory_space<vmem>> -> memref<128xi32, #tpu.memory_space<vmem>>
        %dma_wait3A_349 = arith.constant 0 : i32
        %dma_wait3A_350 = arith.constant 0 : i32
        %dma_wait3A_351 = tpu.memref_slice %arg10[%dma_wait3A_349, %dma_wait3A_350] : memref<10240x64xbf16, #tpu.memory_space<vmem_shared>> -> memref<10240x64xbf16, #tpu.memory_space<vmem_shared>>
        tpu.wait_indirect_dma semaphore(%arg18 : memref<!tpu.dma_semaphore, #tpu.memory_space<semaphore_mem>>) src(%arg9 : memref<128x64xbf16, #tpu.memory_space<vmem>>) dst(%dma_wait3A_351 : memref<10240x64xbf16, #tpu.memory_space<vmem_shared>>)
      } else {
      }
      %add3A_289 = arith.constant 2 : i32
      %add3A_290 = arith.addi %add3A_283, %add3A_289 : i32
      %lt3A_291 = arith.constant 40 : i32
      %lt3A_292 = arith.cmpi slt, %add3A_290, %lt3A_291 : i32
      %convert_element_type3A_293 = arith.extui %lt3A_292 : i1 to i32
      %cond3A_294 = arith.constant 0 : i32
      %cond3A_295 = arith.cmpi ne, %convert_element_type3A_293, %cond3A_294 : i32
      scf.if %cond3A_295 {
        %add3A_345 = arith.constant 2 : i32
        %add3A_346 = arith.addi %add3A_283, %add3A_345 : i32
        %dma_start3A_347 = arith.constant 1 : i32
        %dma_start3A_348 = arith.constant 0 : i32
        %dma_start3A_349 = tpu.memref_slice %arg6[%dma_start3A_347, %dma_start3A_348] : memref<4x128xi32, #tpu.memory_space<vmem>> -> memref<1x128xi32, #tpu.memory_space<vmem>>
        %dma_start3A_350 = tpu.memref_squeeze %dma_start3A_349 : memref<1x128xi32, #tpu.memory_space<vmem>> -> memref<128xi32, #tpu.memory_space<vmem>>
        %dma_start3A_351 = arith.constant 0 : i32
        %dma_start3A_352 = tpu.memref_slice %arg3[%add3A, %add3A_346, %dma_start3A_351] : memref<32x40x128xi32, #tpu.memory_space<hbm>> -> memref<1x1x128xi32, #tpu.memory_space<hbm>>
        %dma_start3A_353 = tpu.memref_squeeze %dma_start3A_352 : memref<1x1x128xi32, #tpu.memory_space<hbm>> -> memref<128xi32, #tpu.memory_space<hbm>>
        %dma_start3A_354 = arith.constant 0 : i32
        %dma_start3A_355 = tpu.memref_slice %arg6[%dma_start3A_347, %dma_start3A_354] : memref<4x128xi32, #tpu.memory_space<vmem>> -> memref<1x128xi32, #tpu.memory_space<vmem>>
        %dma_start3A_356 = tpu.memref_squeeze %dma_start3A_355 : memref<1x128xi32, #tpu.memory_space<vmem>> -> memref<128xi32, #tpu.memory_space<vmem>>
        %dma_start3A_357 = arith.constant 0 : i32
        %dma_start3A_358 = tpu.memref_slice %arg3[%add3A, %add3A_346, %dma_start3A_357] : memref<32x40x128xi32, #tpu.memory_space<hbm>> -> memref<1x1x128xi32, #tpu.memory_space<hbm>>
        %dma_start3A_359 = tpu.memref_squeeze %dma_start3A_358 : memref<1x1x128xi32, #tpu.memory_space<hbm>> -> memref<128xi32, #tpu.memory_space<hbm>>
        tpu.enqueue_dma source(%dma_start3A_359 : memref<128xi32, #tpu.memory_space<hbm>>) target(%dma_start3A_356 : memref<128xi32, #tpu.memory_space<vmem>>) target_semaphore(%arg12 : memref<!tpu.dma_semaphore, #tpu.memory_space<semaphore_mem>>)
        %add3A_360 = arith.constant 2 : i32
        %add3A_361 = arith.addi %add3A_283, %add3A_360 : i32
        %dma_start3A_362 = arith.constant 1 : i32
        %dma_start3A_363 = arith.constant 0 : i32
        %dma_start3A_364 = tpu.memref_slice %arg7[%dma_start3A_362, %dma_start3A_363] : memref<4x128xi32, #tpu.memory_space<vmem>> -> memref<1x128xi32, #tpu.memory_space<vmem>>
        %dma_start3A_365 = tpu.memref_squeeze %dma_start3A_364 : memref<1x128xi32, #tpu.memory_space<vmem>> -> memref<128xi32, #tpu.memory_space<vmem>>
        %dma_start3A_366 = arith.constant 0 : i32
        %dma_start3A_367 = tpu.memref_slice %arg4[%add3A, %add3A_361, %dma_start3A_366] : memref<32x40x128xi32, #tpu.memory_space<hbm>> -> memref<1x1x128xi32, #tpu.memory_space<hbm>>
        %dma_start3A_368 = tpu.memref_squeeze %dma_start3A_367 : memref<1x1x128xi32, #tpu.memory_space<hbm>> -> memref<128xi32, #tpu.memory_space<hbm>>
        %dma_start3A_369 = arith.constant 0 : i32
        %dma_start3A_370 = tpu.memref_slice %arg7[%dma_start3A_362, %dma_start3A_369] : memref<4x128xi32, #tpu.memory_space<vmem>> -> memref<1x128xi32, #tpu.memory_space<vmem>>
        %dma_start3A_371 = tpu.memref_squeeze %dma_start3A_370 : memref<1x128xi32, #tpu.memory_space<vmem>> -> memref<128xi32, #tpu.memory_space<vmem>>
        %dma_start3A_372 = arith.constant 0 : i32
        %dma_start3A_373 = tpu.memref_slice %arg4[%add3A, %add3A_361, %dma_start3A_372] : memref<32x40x128xi32, #tpu.memory_space<hbm>> -> memref<1x1x128xi32, #tpu.memory_space<hbm>>
        %dma_start3A_374 = tpu.memref_squeeze %dma_start3A_373 : memref<1x1x128xi32, #tpu.memory_space<hbm>> -> memref<128xi32, #tpu.memory_space<hbm>>
        tpu.enqueue_dma source(%dma_start3A_374 : memref<128xi32, #tpu.memory_space<hbm>>) target(%dma_start3A_371 : memref<128xi32, #tpu.memory_space<vmem>>) target_semaphore(%arg12 : memref<!tpu.dma_semaphore, #tpu.memory_space<semaphore_mem>>)
      } else {
      }
      %dma_wait3A_296 = arith.constant 3 : i32
      %dma_wait3A_297 = arith.constant 0 : i32
      %dma_wait3A_298 = tpu.memref_slice %arg6[%dma_wait3A_296, %dma_wait3A_297] : memref<4x128xi32, #tpu.memory_space<vmem>> -> memref<1x128xi32, #tpu.memory_space<vmem>>
      %dma_wait3A_299 = tpu.memref_squeeze %dma_wait3A_298 : memref<1x128xi32, #tpu.memory_space<vmem>> -> memref<128xi32, #tpu.memory_space<vmem>>
      %dma_wait3A_300 = arith.constant 0 : i32
      %dma_wait3A_301 = tpu.memref_slice %arg3[%add3A, %add3A_283, %dma_wait3A_300] : memref<32x40x128xi32, #tpu.memory_space<hbm>> -> memref<1x1x128xi32, #tpu.memory_space<hbm>>
      %dma_wait3A_302 = tpu.memref_squeeze %dma_wait3A_301 : memref<1x1x128xi32, #tpu.memory_space<hbm>> -> memref<128xi32, #tpu.memory_space<hbm>>
      %dma_wait3A_303 = arith.constant 0 : i32
      %dma_wait3A_304 = tpu.memref_slice %arg6[%dma_wait3A_296, %dma_wait3A_303] : memref<4x128xi32, #tpu.memory_space<vmem>> -> memref<1x128xi32, #tpu.memory_space<vmem>>
      %dma_wait3A_305 = tpu.memref_squeeze %dma_wait3A_304 : memref<1x128xi32, #tpu.memory_space<vmem>> -> memref<128xi32, #tpu.memory_space<vmem>>
      %dma_wait3A_306 = arith.constant 0 : i32
      %dma_wait3A_307 = tpu.memref_slice %arg3[%add3A, %add3A_283, %dma_wait3A_306] : memref<32x40x128xi32, #tpu.memory_space<hbm>> -> memref<1x1x128xi32, #tpu.memory_space<hbm>>
      %dma_wait3A_308 = tpu.memref_squeeze %dma_wait3A_307 : memref<1x1x128xi32, #tpu.memory_space<hbm>> -> memref<128xi32, #tpu.memory_space<hbm>>
      tpu.wait_dma2 semaphore(%arg14 : memref<!tpu.dma_semaphore, #tpu.memory_space<semaphore_mem>>) src(%dma_wait3A_308 : memref<128xi32, #tpu.memory_space<hbm>>) dst(%dma_wait3A_305 : memref<128xi32, #tpu.memory_space<vmem>>)
      %dma_wait3A_309 = arith.constant 3 : i32
      %dma_wait3A_310 = arith.constant 0 : i32
      %dma_wait3A_311 = tpu.memref_slice %arg7[%dma_wait3A_309, %dma_wait3A_310] : memref<4x128xi32, #tpu.memory_space<vmem>> -> memref<1x128xi32, #tpu.memory_space<vmem>>
      %dma_wait3A_312 = tpu.memref_squeeze %dma_wait3A_311 : memref<1x128xi32, #tpu.memory_space<vmem>> -> memref<128xi32, #tpu.memory_space<vmem>>
      %dma_wait3A_313 = arith.constant 0 : i32
      %dma_wait3A_314 = tpu.memref_slice %arg4[%add3A, %add3A_283, %dma_wait3A_313] : memref<32x40x128xi32, #tpu.memory_space<hbm>> -> memref<1x1x128xi32, #tpu.memory_space<hbm>>
      %dma_wait3A_315 = tpu.memref_squeeze %dma_wait3A_314 : memref<1x1x128xi32, #tpu.memory_space<hbm>> -> memref<128xi32, #tpu.memory_space<hbm>>
      %dma_wait3A_316 = arith.constant 0 : i32
      %dma_wait3A_317 = tpu.memref_slice %arg7[%dma_wait3A_309, %dma_wait3A_316] : memref<4x128xi32, #tpu.memory_space<vmem>> -> memref<1x128xi32, #tpu.memory_space<vmem>>
      %dma_wait3A_318 = tpu.memref_squeeze %dma_wait3A_317 : memref<1x128xi32, #tpu.memory_space<vmem>> -> memref<128xi32, #tpu.memory_space<vmem>>
      %dma_wait3A_319 = arith.constant 0 : i32
      %dma_wait3A_320 = tpu.memref_slice %arg4[%add3A, %add3A_283, %dma_wait3A_319] : memref<32x40x128xi32, #tpu.memory_space<hbm>> -> memref<1x1x128xi32, #tpu.memory_space<hbm>>
      %dma_wait3A_321 = tpu.memref_squeeze %dma_wait3A_320 : memref<1x1x128xi32, #tpu.memory_space<hbm>> -> memref<128xi32, #tpu.memory_space<hbm>>
      tpu.wait_dma2 semaphore(%arg14 : memref<!tpu.dma_semaphore, #tpu.memory_space<semaphore_mem>>) src(%dma_wait3A_321 : memref<128xi32, #tpu.memory_space<hbm>>) dst(%dma_wait3A_318 : memref<128xi32, #tpu.memory_space<vmem>>)
      %dma_start3A_322 = arith.constant 3 : i32
      %dma_start3A_323 = arith.constant 0 : i32
      %dma_start3A_324 = tpu.memref_slice %arg6[%dma_start3A_322, %dma_start3A_323] : memref<4x128xi32, #tpu.memory_space<vmem>> -> memref<1x128xi32, #tpu.memory_space<vmem>>
      %dma_start3A_325 = tpu.memref_squeeze %dma_start3A_324 : memref<1x128xi32, #tpu.memory_space<vmem>> -> memref<128xi32, #tpu.memory_space<vmem>>
      %dma_start3A_326 = arith.constant 0 : i32
      %dma_start3A_327 = arith.constant 0 : i32
      %dma_start3A_328 = tpu.memref_slice %arg2[%dma_start3A_326, %dma_start3A_327] : memref<10240x64xbf16, #tpu.memory_space<hbm>> -> memref<10240x64xbf16, #tpu.memory_space<hbm>>
      tpu.enqueue_indirect_dma source(%dma_start3A_328 : memref<10240x64xbf16, #tpu.memory_space<hbm>>) target(%arg9 : memref<128x64xbf16, #tpu.memory_space<vmem>>) offsets(%dma_start3A_325 : memref<128xi32, #tpu.memory_space<vmem>>) semaphore(%arg16 : memref<!tpu.dma_semaphore, #tpu.memory_space<semaphore_mem>>)
      %sub3A_329 = arith.constant 1 : i32
      %sub3A_330 = arith.subi %add3A_283, %sub3A_329 : i32
      %dma_wait3A_331 = arith.constant 2 : i32
      %dma_wait3A_332 = arith.constant 0 : i32
      %dma_wait3A_333 = tpu.memref_slice %arg6[%dma_wait3A_331, %dma_wait3A_332] : memref<4x128xi32, #tpu.memory_space<vmem>> -> memref<1x128xi32, #tpu.memory_space<vmem>>
      %dma_wait3A_334 = tpu.memref_squeeze %dma_wait3A_333 : memref<1x128xi32, #tpu.memory_space<vmem>> -> memref<128xi32, #tpu.memory_space<vmem>>
      %dma_wait3A_335 = arith.constant 0 : i32
      %dma_wait3A_336 = arith.constant 0 : i32
      %dma_wait3A_337 = tpu.memref_slice %arg2[%dma_wait3A_335, %dma_wait3A_336] : memref<10240x64xbf16, #tpu.memory_space<hbm>> -> memref<10240x64xbf16, #tpu.memory_space<hbm>>
      tpu.wait_indirect_dma semaphore(%arg15 : memref<!tpu.dma_semaphore, #tpu.memory_space<semaphore_mem>>) src(%dma_wait3A_337 : memref<10240x64xbf16, #tpu.memory_space<hbm>>) dst(%arg8 : memref<128x64xbf16, #tpu.memory_space<vmem>>)
      %dma_start3A_338 = arith.constant 2 : i32
      %dma_start3A_339 = arith.constant 0 : i32
      %dma_start3A_340 = tpu.memref_slice %arg7[%dma_start3A_338, %dma_start3A_339] : memref<4x128xi32, #tpu.memory_space<vmem>> -> memref<1x128xi32, #tpu.memory_space<vmem>>
      %dma_start3A_341 = tpu.memref_squeeze %dma_start3A_340 : memref<1x128xi32, #tpu.memory_space<vmem>> -> memref<128xi32, #tpu.memory_space<vmem>>
      %dma_start3A_342 = arith.constant 0 : i32
      %dma_start3A_343 = arith.constant 0 : i32
      %dma_start3A_344 = tpu.memref_slice %arg10[%dma_start3A_342, %dma_start3A_343] : memref<10240x64xbf16, #tpu.memory_space<vmem_shared>> -> memref<10240x64xbf16, #tpu.memory_space<vmem_shared>>
      tpu.enqueue_indirect_dma source(%arg8 : memref<128x64xbf16, #tpu.memory_space<vmem>>) target(%dma_start3A_344 : memref<10240x64xbf16, #tpu.memory_space<vmem_shared>>) offsets(%dma_start3A_341 : memref<128xi32, #tpu.memory_space<vmem>>) semaphore(%arg17 : memref<!tpu.dma_semaphore, #tpu.memory_space<semaphore_mem>>) {add = true}
    }
    %scan3A_67 = arith.constant 10 : i32
    %dma_wait3A = arith.constant 3 : i32
    %dma_wait3A_68 = arith.constant 0 : i32
    %dma_wait3A_69 = tpu.memref_slice %arg6[%dma_wait3A, %dma_wait3A_68] : memref<4x128xi32, #tpu.memory_space<vmem>> -> memref<1x128xi32, #tpu.memory_space<vmem>>
    %dma_wait3A_70 = tpu.memref_squeeze %dma_wait3A_69 : memref<1x128xi32, #tpu.memory_space<vmem>> -> memref<128xi32, #tpu.memory_space<vmem>>
    %dma_wait3A_71 = arith.constant 0 : i32
    %dma_wait3A_72 = arith.constant 0 : i32
    %dma_wait3A_73 = tpu.memref_slice %arg2[%dma_wait3A_71, %dma_wait3A_72] : memref<10240x64xbf16, #tpu.memory_space<hbm>> -> memref<10240x64xbf16, #tpu.memory_space<hbm>>
    tpu.wait_indirect_dma semaphore(%arg16 : memref<!tpu.dma_semaphore, #tpu.memory_space<semaphore_mem>>) src(%dma_wait3A_73 : memref<10240x64xbf16, #tpu.memory_space<hbm>>) dst(%arg9 : memref<128x64xbf16, #tpu.memory_space<vmem>>)
    %dma_start3A_74 = arith.constant 3 : i32
    %dma_start3A_75 = arith.constant 0 : i32
    %dma_start3A_76 = tpu.memref_slice %arg7[%dma_start3A_74, %dma_start3A_75] : memref<4x128xi32, #tpu.memory_space<vmem>> -> memref<1x128xi32, #tpu.memory_space<vmem>>
    %dma_start3A_77 = tpu.memref_squeeze %dma_start3A_76 : memref<1x128xi32, #tpu.memory_space<vmem>> -> memref<128xi32, #tpu.memory_space<vmem>>
    %dma_start3A_78 = arith.constant 0 : i32
    %dma_start3A_79 = arith.constant 0 : i32
    %dma_start3A_80 = tpu.memref_slice %arg10[%dma_start3A_78, %dma_start3A_79] : memref<10240x64xbf16, #tpu.memory_space<vmem_shared>> -> memref<10240x64xbf16, #tpu.memory_space<vmem_shared>>
    tpu.enqueue_indirect_dma source(%arg9 : memref<128x64xbf16, #tpu.memory_space<vmem>>) target(%dma_start3A_80 : memref<10240x64xbf16, #tpu.memory_space<vmem_shared>>) offsets(%dma_start3A_77 : memref<128xi32, #tpu.memory_space<vmem>>) semaphore(%arg18 : memref<!tpu.dma_semaphore, #tpu.memory_space<semaphore_mem>>) {add = true}
    %dma_wait3A_81 = arith.constant 0 : i32
    %dma_wait3A_82 = arith.constant 0 : i32
    %dma_wait3A_83 = tpu.memref_slice %arg10[%dma_wait3A_81, %dma_wait3A_82] : memref<10240x64xbf16, #tpu.memory_space<vmem_shared>> -> memref<128x64xbf16, #tpu.memory_space<vmem_shared>>
    %dma_wait3A_84 = arith.constant 0 : i32
    %dma_wait3A_85 = arith.constant 0 : i32
    %dma_wait3A_86 = tpu.memref_slice %arg10[%dma_wait3A_84, %dma_wait3A_85] : memref<10240x64xbf16, #tpu.memory_space<vmem_shared>> -> memref<128x64xbf16, #tpu.memory_space<vmem_shared>>
    tpu.wait_dma2 semaphore(%arg17 : memref<!tpu.dma_semaphore, #tpu.memory_space<semaphore_mem>>) src(%arg8 : memref<128x64xbf16, #tpu.memory_space<vmem>>) dst(%dma_wait3A_86 : memref<128x64xbf16, #tpu.memory_space<vmem_shared>>)
    %dma_wait3A_87 = arith.constant 0 : i32
    %dma_wait3A_88 = arith.constant 0 : i32
    %dma_wait3A_89 = tpu.memref_slice %arg10[%dma_wait3A_87, %dma_wait3A_88] : memref<10240x64xbf16, #tpu.memory_space<vmem_shared>> -> memref<128x64xbf16, #tpu.memory_space<vmem_shared>>
    %dma_wait3A_90 = arith.constant 0 : i32
    %dma_wait3A_91 = arith.constant 0 : i32
    %dma_wait3A_92 = tpu.memref_slice %arg10[%dma_wait3A_90, %dma_wait3A_91] : memref<10240x64xbf16, #tpu.memory_space<vmem_shared>> -> memref<128x64xbf16, #tpu.memory_space<vmem_shared>>
    tpu.wait_dma2 semaphore(%arg18 : memref<!tpu.dma_semaphore, #tpu.memory_space<semaphore_mem>>) src(%arg9 : memref<128x64xbf16, #tpu.memory_space<vmem>>) dst(%dma_wait3A_92 : memref<128x64xbf16, #tpu.memory_space<vmem_shared>>)
    %barrier3A_93 = arith.constant 0 : index
    tpu.barrier barrier_id(%barrier3A_93)
    %mul3A_94 = arith.constant 640 : i32
    %mul3A_95 = arith.muli %arg1, %mul3A_94 : i32
    %mul3A_96 = arith.constant 640 : i32
    %mul3A_97 = arith.muli %arg1, %mul3A_96 : i32
    "tpu.region"() ({
      %run_scoped3A = tpu.sem_alloc : memref<!tpu.dma_semaphore, #tpu.memory_space<semaphore_mem>>
      %dma_start3A_98 = arith.constant 0 : i32
      %dma_start3A_99 = tpu.memref_slice %arg5[%arg0, %mul3A_97, %dma_start3A_98] : memref<2x10240x64xbf16, #tpu.memory_space<hbm>> -> memref<1x640x64xbf16, #tpu.memory_space<hbm>>
      %dma_start3A_100 = tpu.memref_squeeze %dma_start3A_99 : memref<1x640x64xbf16, #tpu.memory_space<hbm>> -> memref<640x64xbf16, #tpu.memory_space<hbm>>
      %dma_start3A_101 = arith.constant 0 : i32
      %dma_start3A_102 = tpu.memref_slice %arg10[%mul3A_95, %dma_start3A_101] : memref<10240x64xbf16, #tpu.memory_space<vmem_shared>> -> memref<640x64xbf16, #tpu.memory_space<vmem_shared>>
      tpu.enqueue_dma source(%dma_start3A_102 : memref<640x64xbf16, #tpu.memory_space<vmem_shared>>) target(%dma_start3A_100 : memref<640x64xbf16, #tpu.memory_space<hbm>>) target_semaphore(%run_scoped3A : memref<!tpu.dma_semaphore, #tpu.memory_space<semaphore_mem>>)
      %dma_wait3A_103 = arith.constant 0 : i32
      %dma_wait3A_104 = tpu.memref_slice %arg5[%arg0, %mul3A_97, %dma_wait3A_103] : memref<2x10240x64xbf16, #tpu.memory_space<hbm>> -> memref<1x640x64xbf16, #tpu.memory_space<hbm>>
      %dma_wait3A_105 = tpu.memref_squeeze %dma_wait3A_104 : memref<1x640x64xbf16, #tpu.memory_space<hbm>> -> memref<640x64xbf16, #tpu.memory_space<hbm>>
      %dma_wait3A_106 = arith.constant 0 : i32
      %dma_wait3A_107 = tpu.memref_slice %arg10[%mul3A_95, %dma_wait3A_106] : memref<10240x64xbf16, #tpu.memory_space<vmem_shared>> -> memref<640x64xbf16, #tpu.memory_space<vmem_shared>>
      tpu.wait_dma2 semaphore(%run_scoped3A : memref<!tpu.dma_semaphore, #tpu.memory_space<semaphore_mem>>) src(%dma_wait3A_107 : memref<640x64xbf16, #tpu.memory_space<vmem_shared>>) dst(%dma_wait3A_105 : memref<640x64xbf16, #tpu.memory_space<hbm>>)
      tpu.yield
    }) : () -> ()
    return
  }
}

module attributes {stable_mosaic.version = 14 : i64} {
  func.func @_tc1_body(%arg0: i32, %arg1: memref<2x1024x16xf32, #tpu.memory_space<vmem>>, %arg2: memref<1024x256xf32, #tpu.memory_space<vmem>>, %arg3: memref<1024x1xf32, #tpu.memory_space<vmem>>, %arg4: memref<1024x256xbf16, #tpu.memory_space<vmem>>) attributes {dimension_semantics = [#tpu.dimension_semantics<arbitrary>], iteration_bounds = array<i64: 10>, scalar_prefetch = 0 : i64, scratch_operands = 0 : i64, tpu.core_type = #tpu.core_type<tc>, window_params = [{transform_indices = @transform_0, window_bounds = array<i64: 2, 1024, 16>}, {transform_indices = @transform_1, window_bounds = array<i64: 1024, 256>}, {transform_indices = @transform_2, window_bounds = array<i64: 1024, 1>}, {transform_indices = @transform_3, window_bounds = array<i64: 1024, 256>}]} {
    %get3A = arith.constant 0 : index
    %get3A_0 = arith.constant 0 : index
    %get3A_1 = arith.constant 0 : index
    %get3A_2 = vector.load %arg1[%get3A, %get3A_0, %get3A_1] : memref<2x1024x16xf32, #tpu.memory_space<vmem>>, vector<1x1024x1xf32>
    %get3A_3 = vector.shape_cast %get3A_2 : vector<1x1024x1xf32> to vector<1024x1xf32>
    %get3A_4 = arith.constant 1 : index
    %get3A_5 = arith.constant 0 : index
    %get3A_6 = arith.constant 0 : index
    %get3A_7 = vector.load %arg1[%get3A_4, %get3A_5, %get3A_6] : memref<2x1024x16xf32, #tpu.memory_space<vmem>>, vector<1x1024x1xf32>
    %get3A_8 = vector.shape_cast %get3A_7 : vector<1x1024x1xf32> to vector<1024x1xf32>
    %add3A = arith.addf %get3A_3, %get3A_8 : vector<1024x1xf32>
    %add3A_9 = arith.constant 1.000000e+00 : f32
    %add3A_10 = vector.broadcast %add3A_9 : f32 to vector<1024x1xf32>
    %add3A_11 = arith.addf %add3A, %add3A_10 : vector<1024x1xf32>
    %rsqrt3A = math.rsqrt %add3A_11 : vector<1024x1xf32>
    %swap3A = arith.constant 0 : index
    %swap3A_12 = arith.constant 0 : index
    %swap3A_13 = vector.load %arg3[%swap3A, %swap3A_12] : memref<1024x1xf32, #tpu.memory_space<vmem>>, vector<1024x1xf32>
    tpu.vector_store %arg3[%swap3A, %swap3A_12], %rsqrt3A {strides = array<i32>} : memref<1024x1xf32, #tpu.memory_space<vmem>>, vector<1024x1xf32>,
    %get3A_14 = arith.constant 0 : index
    %get3A_15 = arith.constant 0 : index
    %get3A_16 = vector.load %arg2[%get3A_14, %get3A_15] : memref<1024x256xf32, #tpu.memory_space<vmem>>, vector<1024x256xf32>
    %mul3A = vector.broadcast %rsqrt3A : vector<1024x1xf32> to vector<1024x256xf32>
    %mul3A_17 = arith.mulf %get3A_16, %mul3A : vector<1024x256xf32>
    %convert_element_type3A = arith.truncf %mul3A_17 : vector<1024x256xf32> to vector<1024x256xbf16>
    %swap3A_18 = arith.constant 0 : index
    %swap3A_19 = arith.constant 0 : index
    %swap3A_20 = vector.load %arg4[%swap3A_18, %swap3A_19] : memref<1024x256xbf16, #tpu.memory_space<vmem>>, vector<1024x256xbf16>
    tpu.vector_store %arg4[%swap3A_18, %swap3A_19], %convert_element_type3A {strides = array<i32>} : memref<1024x256xbf16, #tpu.memory_space<vmem>>, vector<1024x256xbf16>,
    return
  }
  func.func @transform_0(%arg0: i32) -> (i32, i32, i32) {
    %c0_i32 = arith.constant 0 : i32
    %c0_i32_0 = arith.constant 0 : i32
    %c0_i32_1 = arith.constant 0 : i32
    return %c0_i32, %arg0, %c0_i32_0 : i32, i32, i32
  }
  func.func @transform_1(%arg0: i32) -> (i32, i32) {
    %c0_i32 = arith.constant 0 : i32
    %c0_i32_0 = arith.constant 0 : i32
    return %arg0, %c0_i32 : i32, i32
  }
  func.func @transform_2(%arg0: i32) -> (i32, i32) {
    %c0_i32 = arith.constant 0 : i32
    %c0_i32_0 = arith.constant 0 : i32
    return %arg0, %c0_i32 : i32, i32
  }
  func.func @transform_3(%arg0: i32) -> (i32, i32) {
    %c0_i32 = arith.constant 0 : i32
    %c0_i32_0 = arith.constant 0 : i32
    return %arg0, %c0_i32 : i32, i32
  }
}

module attributes {stable_mosaic.version = 14 : i64} {
  func.func @_tc2_body(%arg0: i32, %arg1: memref<2x1024x256xbf16, #tpu.memory_space<vmem>>, %arg2: memref<1024x1xf32, #tpu.memory_space<vmem>>, %arg3: memref<256x512xbf16, #tpu.memory_space<vmem>>, %arg4: memref<1x512xf32, #tpu.memory_space<vmem>>, %arg5: memref<512x64xbf16, #tpu.memory_space<vmem>>, %arg6: memref<1024x64xbf16, #tpu.memory_space<vmem>>) attributes {dimension_semantics = [#tpu.dimension_semantics<arbitrary>], iteration_bounds = array<i64: 10>, scalar_prefetch = 0 : i64, scratch_operands = 0 : i64, tpu.core_type = #tpu.core_type<tc>, window_params = [{transform_indices = @transform_0, window_bounds = array<i64: 2, 1024, 256>}, {transform_indices = @transform_1, window_bounds = array<i64: 1024, 1>}, {pipeline_mode = #tpu.pipeline_mode<synchronous>, transform_indices = @transform_2, window_bounds = array<i64: 256, 512>}, {pipeline_mode = #tpu.pipeline_mode<synchronous>, transform_indices = @transform_3, window_bounds = array<i64: 1, 512>}, {pipeline_mode = #tpu.pipeline_mode<synchronous>, transform_indices = @transform_4, window_bounds = array<i64: 512, 64>}, {transform_indices = @transform_5, window_bounds = array<i64: 1024, 64>}]} {
    %get3A = arith.constant 0 : index
    %get3A_0 = arith.constant 0 : index
    %get3A_1 = arith.constant 0 : index
    %get3A_2 = vector.load %arg1[%get3A, %get3A_0, %get3A_1] : memref<2x1024x256xbf16, #tpu.memory_space<vmem>>, vector<1x1024x256xbf16>
    %get3A_3 = vector.shape_cast %get3A_2 : vector<1x1024x256xbf16> to vector<1024x256xbf16>
    %convert_element_type3A = arith.extf %get3A_3 : vector<1024x256xbf16> to vector<1024x256xf32>
    %get3A_4 = arith.constant 1 : index
    %get3A_5 = arith.constant 0 : index
    %get3A_6 = arith.constant 0 : index
    %get3A_7 = vector.load %arg1[%get3A_4, %get3A_5, %get3A_6] : memref<2x1024x256xbf16, #tpu.memory_space<vmem>>, vector<1x1024x256xbf16>
    %get3A_8 = vector.shape_cast %get3A_7 : vector<1x1024x256xbf16> to vector<1024x256xbf16>
    %convert_element_type3A_9 = arith.extf %get3A_8 : vector<1024x256xbf16> to vector<1024x256xf32>
    %add3A = arith.addf %convert_element_type3A, %convert_element_type3A_9 : vector<1024x256xf32>
    %convert_element_type3A_10 = arith.truncf %add3A : vector<1024x256xf32> to vector<1024x256xbf16>
    %get3A_11 = arith.constant 0 : index
    %get3A_12 = arith.constant 0 : index
    %get3A_13 = vector.load %arg3[%get3A_11, %get3A_12] : memref<256x512xbf16, #tpu.memory_space<vmem>>, vector<256x512xbf16>
    %dot_general3A = arith.constant dense<0.000000e+00> : vector<1024x512xf32>
    %dot_general3A_14 = tpu.matmul %convert_element_type3A_10, %get3A_13, %dot_general3A {dimension_numbers = #tpu.dot_dimension_numbers<[1], [0], [0], [1], [0, 0, 1, 1], [], []>, transpose_lhs_hint = false} : vector<1024x256xbf16>, vector<256x512xbf16>, vector<1024x512xf32> -> vector<1024x512xf32>
    %get3A_15 = arith.constant 0 : index
    %get3A_16 = arith.constant 0 : index
    %get3A_17 = vector.load %arg2[%get3A_15, %get3A_16] : memref<1024x1xf32, #tpu.memory_space<vmem>>, vector<1024x1xf32>
    %mul3A = vector.broadcast %get3A_17 : vector<1024x1xf32> to vector<1024x512xf32>
    %mul3A_18 = arith.mulf %dot_general3A_14, %mul3A : vector<1024x512xf32>
    %get3A_19 = arith.constant 0 : index
    %get3A_20 = arith.constant 0 : index
    %get3A_21 = vector.load %arg4[%get3A_19, %get3A_20] : memref<1x512xf32, #tpu.memory_space<vmem>>, vector<1x512xf32>
    %add3A_22 = vector.broadcast %get3A_21 : vector<1x512xf32> to vector<1024x512xf32>
    %add3A_23 = arith.addf %mul3A_18, %add3A_22 : vector<1024x512xf32>
    %max3A = arith.constant 0.000000e+00 : f32
    %max3A_24 = vector.broadcast %max3A : f32 to vector<1024x512xf32>
    %max3A_25 = arith.maximumf %add3A_23, %max3A_24 : vector<1024x512xf32>
    %convert_element_type3A_26 = arith.truncf %max3A_25 : vector<1024x512xf32> to vector<1024x512xbf16>
    %get3A_27 = arith.constant 0 : index
    %get3A_28 = arith.constant 0 : index
    %get3A_29 = vector.load %arg5[%get3A_27, %get3A_28] : memref<512x64xbf16, #tpu.memory_space<vmem>>, vector<512x64xbf16>
    %dot_general3A_30 = arith.constant dense<0.000000e+00> : vector<1024x64xf32>
    %dot_general3A_31 = tpu.matmul %convert_element_type3A_26, %get3A_29, %dot_general3A_30 {dimension_numbers = #tpu.dot_dimension_numbers<[1], [0], [0], [1], [0, 0, 1, 1], [], []>, transpose_lhs_hint = false} : vector<1024x512xbf16>, vector<512x64xbf16>, vector<1024x64xf32> -> vector<1024x64xf32>
    %get3A_32 = arith.constant 0 : index
    %get3A_33 = arith.constant 0 : index
    %get3A_34 = vector.load %arg2[%get3A_32, %get3A_33] : memref<1024x1xf32, #tpu.memory_space<vmem>>, vector<1024x1xf32>
    %mul3A_35 = vector.broadcast %get3A_34 : vector<1024x1xf32> to vector<1024x64xf32>
    %mul3A_36 = arith.mulf %dot_general3A_31, %mul3A_35 : vector<1024x64xf32>
    %convert_element_type3A_37 = arith.truncf %mul3A_36 : vector<1024x64xf32> to vector<1024x64xbf16>
    %swap3A = arith.constant 0 : index
    %swap3A_38 = arith.constant 0 : index
    %swap3A_39 = vector.load %arg6[%swap3A, %swap3A_38] : memref<1024x64xbf16, #tpu.memory_space<vmem>>, vector<1024x64xbf16>
    tpu.vector_store %arg6[%swap3A, %swap3A_38], %convert_element_type3A_37 {strides = array<i32>} : memref<1024x64xbf16, #tpu.memory_space<vmem>>, vector<1024x64xbf16>,
    return
  }
  func.func @transform_0(%arg0: i32) -> (i32, i32, i32) {
    %c0_i32 = arith.constant 0 : i32
    %c0_i32_0 = arith.constant 0 : i32
    %c0_i32_1 = arith.constant 0 : i32
    return %c0_i32, %arg0, %c0_i32_0 : i32, i32, i32
  }
  func.func @transform_1(%arg0: i32) -> (i32, i32) {
    %c0_i32 = arith.constant 0 : i32
    %c0_i32_0 = arith.constant 0 : i32
    return %arg0, %c0_i32 : i32, i32
  }
  func.func @transform_2(%arg0: i32) -> (i32, i32) {
    %c0_i32 = arith.constant 0 : i32
    %c0_i32_0 = arith.constant 0 : i32
    %c0_i32_1 = arith.constant 0 : i32
    return %c0_i32, %c0_i32_0 : i32, i32
  }
  func.func @transform_3(%arg0: i32) -> (i32, i32) {
    %c0_i32 = arith.constant 0 : i32
    %c0_i32_0 = arith.constant 0 : i32
    %c0_i32_1 = arith.constant 0 : i32
    return %c0_i32, %c0_i32_0 : i32, i32
  }
  func.func @transform_4(%arg0: i32) -> (i32, i32) {
    %c0_i32 = arith.constant 0 : i32
    %c0_i32_0 = arith.constant 0 : i32
    %c0_i32_1 = arith.constant 0 : i32
    return %c0_i32, %c0_i32_0 : i32, i32
  }
  func.func @transform_5(%arg0: i32) -> (i32, i32) {
    %c0_i32 = arith.constant 0 : i32
    %c0_i32_0 = arith.constant 0 : i32
    return %arg0, %c0_i32 : i32, i32
  }
}

module attributes {stable_mosaic.version = 14 : i64} {
  func.func @_tc3_body(%arg0: i32, %arg1: memref<2x1000x64xbf16, #tpu.memory_space<vmem>>, %arg2: memref<1000x1xf32, #tpu.memory_space<vmem>>, %arg3: memref<1x64xf32, #tpu.memory_space<vmem>>, %arg4: memref<1000x64xf32, #tpu.memory_space<vmem>>) attributes {dimension_semantics = [#tpu.dimension_semantics<arbitrary>], iteration_bounds = array<i64: 10>, scalar_prefetch = 0 : i64, scratch_operands = 0 : i64, tpu.core_type = #tpu.core_type<tc>, window_params = [{transform_indices = @transform_0, window_bounds = array<i64: 2, 1000, 64>}, {transform_indices = @transform_1, window_bounds = array<i64: 1000, 1>}, {pipeline_mode = #tpu.pipeline_mode<synchronous>, transform_indices = @transform_2, window_bounds = array<i64: 1, 64>}, {transform_indices = @transform_3, window_bounds = array<i64: 1000, 64>}]} {
    %get3A = arith.constant 0 : index
    %get3A_0 = arith.constant 0 : index
    %get3A_1 = arith.constant 0 : index
    %get3A_2 = vector.load %arg1[%get3A, %get3A_0, %get3A_1] : memref<2x1000x64xbf16, #tpu.memory_space<vmem>>, vector<1x1000x64xbf16>
    %get3A_3 = vector.shape_cast %get3A_2 : vector<1x1000x64xbf16> to vector<1000x64xbf16>
    %convert_element_type3A = arith.extf %get3A_3 : vector<1000x64xbf16> to vector<1000x64xf32>
    %get3A_4 = arith.constant 1 : index
    %get3A_5 = arith.constant 0 : index
    %get3A_6 = arith.constant 0 : index
    %get3A_7 = vector.load %arg1[%get3A_4, %get3A_5, %get3A_6] : memref<2x1000x64xbf16, #tpu.memory_space<vmem>>, vector<1x1000x64xbf16>
    %get3A_8 = vector.shape_cast %get3A_7 : vector<1x1000x64xbf16> to vector<1000x64xbf16>
    %convert_element_type3A_9 = arith.extf %get3A_8 : vector<1000x64xbf16> to vector<1000x64xf32>
    %add3A = arith.addf %convert_element_type3A, %convert_element_type3A_9 : vector<1000x64xf32>
    %get3A_10 = arith.constant 0 : index
    %get3A_11 = arith.constant 0 : index
    %get3A_12 = vector.load %arg2[%get3A_10, %get3A_11] : memref<1000x1xf32, #tpu.memory_space<vmem>>, vector<1000x1xf32>
    %mul3A = vector.broadcast %get3A_12 : vector<1000x1xf32> to vector<1000x64xf32>
    %mul3A_13 = arith.mulf %add3A, %mul3A : vector<1000x64xf32>
    %get3A_14 = arith.constant 0 : index
    %get3A_15 = arith.constant 0 : index
    %get3A_16 = vector.load %arg3[%get3A_14, %get3A_15] : memref<1x64xf32, #tpu.memory_space<vmem>>, vector<1x64xf32>
    %add3A_17 = vector.broadcast %get3A_16 : vector<1x64xf32> to vector<1000x64xf32>
    %add3A_18 = arith.addf %mul3A_13, %add3A_17 : vector<1000x64xf32>
    %swap3A = arith.constant 0 : index
    %swap3A_19 = arith.constant 0 : index
    %swap3A_20 = vector.load %arg4[%swap3A, %swap3A_19] : memref<1000x64xf32, #tpu.memory_space<vmem>>, vector<1000x64xf32>
    tpu.vector_store %arg4[%swap3A, %swap3A_19], %add3A_18 {strides = array<i32>} : memref<1000x64xf32, #tpu.memory_space<vmem>>, vector<1000x64xf32>,
    return
  }
  func.func @transform_0(%arg0: i32) -> (i32, i32, i32) {
    %c0_i32 = arith.constant 0 : i32
    %c0_i32_0 = arith.constant 0 : i32
    %c0_i32_1 = arith.constant 0 : i32
    return %c0_i32, %arg0, %c0_i32_0 : i32, i32, i32
  }
  func.func @transform_1(%arg0: i32) -> (i32, i32) {
    %c0_i32 = arith.constant 0 : i32
    %c0_i32_0 = arith.constant 0 : i32
    return %arg0, %c0_i32 : i32, i32
  }
  func.func @transform_2(%arg0: i32) -> (i32, i32) {
    %c0_i32 = arith.constant 0 : i32
    %c0_i32_0 = arith.constant 0 : i32
    %c0_i32_1 = arith.constant 0 : i32
    return %c0_i32, %c0_i32_0 : i32, i32
  }
  func.func @transform_3(%arg0: i32) -> (i32, i32) {
    %c0_i32 = arith.constant 0 : i32
    %c0_i32_0 = arith.constant 0 : i32
    return %arg0, %c0_i32 : i32, i32
  }
}

</mosaic_0001>

<sc_bundles>
// kernel: kernel.11.cloned.1.call-start
scs
__scs_entry_jumppad:
0x0: {  	(pc) =	sbr.rel $0x88, $3  }
0x1: {  	(tag) =	ssettag $0x0;
	lr =	simm.s32 $0x1  }
0x2: {  	[smem:$0x3F9B] =	sst lr;
	_ =	strace $0xD0000000  }
0x3: {  	_ = 	snop  }
0x4: {  	_ = 	snop  }
0x5: {  	_ = 	snop  }
0x6: {  	_ = 	snop  }
0x7: {  	_ = 	snop  }
__scs_overlays_trampoline_lowered:
0x8: {  	[smem:$0x3FAA] =	sst s0  }
0x9: {  	[smem:$0x3FAB] =	sst s1  }
0xa: {  	[smem:$0x3FAC] =	sst s2  }
0xb: {  	[smem:$0x3FAD] =	sst s3  }
0xc: {  	[smem:$0x3FAE] =	sst s4  }
0xd: {  	[smem:$0x3FAF] =	sst s5  }
0xe: {  	[smem:$0x3FB0] =	sst s6  }
0xf: {  	[smem:$0x3FB1] =	sst s7  }
0x10: {  	[smem:$0x3FB2] =	sst s8  }
0x11: {  	[smem:$0x3FB3] =	sst s9;
	s0 =	simm.s32 @!p0 $0x0  }
0x12: {  	s1 =	sld [smem:$0x3F99];
	s0 =	simm.s32 @p0 $0x1  }
0x13: {  	[smem:$0x3FB4] =	sst s0;
	s0 =	simm.s32 @!p1 $0x0  }
0x14: {  	s2 =	sld [smem:$0x3F98];
	s0 =	simm.s32 @p1 $0x1  }
0x15: {  	[smem:$0x3FB5] =	sst s0;
	s0 =	simm.s32 @!p2 $0x0  }
0x16: {  	s3 =	sld [smem:$0x3FDB];
	s0 =	simm.s32 @p2 $0x1  }
0x17: {  	s4 =	simm.s32 $0x1BF5;
	[smem:$0x3FB7] =	sst s0  }
0x18: {  	s0 =	sld [smem:$0x3F9A];
	_ =	swait.ge [sflag:s4], $0x0  }
0x19: {  	s7 =	sld [smem:$0x3F9B]  }
0x1a: {  	s8 =	sadd.s32 $0xFFFFE003, lr  }
0x1b: {  	s9 =	sadd.s32 $0xFFFFFEF7, lr;
	s5 =	simm.s32 $0xFFFFFFFF;
	p2 =	slt.u32 s8, $0xFFFFF086  }
0x1c: {  	p1 =	slt.u32 s9, $0xF7A;
	s5 =	simm.s32 @!p2 $0x0  }
0x1d: {  	s5 =	simm.s32 @p1 $0x1;
	p0 =	seq.s32 s7, s2  }
0x1e: {  	s7 =	smul.u32 @!p0 $0xF7A, s2;
	p2 =	seq.s32 @!p0 s5, $0x0  }
0x1f: {  	s9 =	smul.u32 $0xF7A, s1;
	s8 =	simm.s32 @!p0 $0x1BF5;
	p2 =	por !p2, p0  }
0x20: {  	[sflag:s8] =	ssyncset.s32 @!p0 $0xFFFFF086;
	s6 =	sadd.s32 @!p0 s3, s7;
	s7 =	simm.s32 @!p0 $0x108  }
0x21: {  	s3 =	sadd.s32 s3, s9;
	s6 =	sadd.s32 @!p0 $0x88, s6;
	s7 =	simm.s32 @p2 $0x1082  }
0x22: {  	[simem:s7], [sflag:s8] =	dma.local @!p0 [hbm:s6], $0xF7A  }
0x23: {  	s9 =	sor.u32 $0xD0000000, s2;
	s6 =	simm.s32 $0x108;
	_ =	swait.ge @!p0 [sflag:s8], $0x0  }
0x24: {  	s3 =	sadd.s32 $0x88, s3;
	s6 =	simm.s32 @!p1 $0x1082;
	[sflag:s4] =	ssyncset.s32 $0xFFFFF086  }
0x25: {  	[simem:s6], [sflag:s4] =	dma.local [hbm:s3], $0xF7A  }
0x26: {  	[smem:$0x3F9B] =	sst s1;
	(tag) =	ssettag s2;
	_ =	strace s9  }
0x27: {  	s1 =	sld [smem:$0x3FAB]  }
0x28: {  	s2 =	sld [smem:$0x3FAC]  }
0x29: {  	s4 =	sld [smem:$0x3FAE]  }
0x2a: {  	p0 =	seq.s32 s5, $0x0;
	s5 =	sld [smem:$0x3FAF]  }
0x2b: {  	s6 =	sld [smem:$0x3FB0]  }
0x2c: {  	s7 =	sld [smem:$0x3FB1]  }
0x2d: {  	s3 =	simm.s32 $0x108;
	s8 =	sld [smem:$0x3FB2]  }
0x2e: {  	s3 =	simm.s32 @!p0 $0x1082;
	s9 =	sld [smem:$0x3FB3]  }
0x2f: {  	lr =	sadd.s32 s0, s3;
	s0 =	sld [smem:$0x3FAA]  }
0x30: {  	s3 =	sld [smem:$0x3FAD]  }
0x31: {  	[smem:$0x3FB6] =	sst s10  }
0x32: {  	s10 =	sld [smem:$0x3FB4];
	_ =	sdelay $0x3  }
0x33: {  	p0 =	seq.s32 s10, $0x1;
	s10 =	sld [smem:$0x3FB6];
	_ =	sdelay $0x3  }
0x34: {  	[smem:$0x3FB6] =	sst s10  }
0x35: {  	s10 =	sld [smem:$0x3FB5];
	_ =	sdelay $0x3  }
0x36: {  	p1 =	seq.s32 s10, $0x1;
	s10 =	sld [smem:$0x3FB6];
	_ =	sdelay $0x3  }
0x37: {  	[smem:$0x3FB6] =	sst s10  }
0x38: {  	s10 =	sld [smem:$0x3FB7]  }
0x39: {  	_ = 	snop;
	(pc) =	sbr.ind lr, $3  }
0x3a: {  	_ = 	snop  }
0x3b: {  	_ = 	snop  }
0x3c: {  	p2 =	seq.s32 s10, $0x1;
	s10 =	sld [smem:$0x3FB6]  }
0x3d: {  	_ =	shalt  }
0x3e: {  	_ =	shalt  }
0x3f: {  	_ =	shalt  }
0x40: {  	_ =	shalt  }
0x41: {  	_ =	shalt  }
0x42: {  	_ =	shalt  }
0x43: {  	_ =	shalt  }
0x44: {  	_ =	shalt  }
0x45: {  	_ =	shalt  }
0x46: {  	_ =	shalt  }
0x47: {  	_ =	shalt  }
0x48: {  	_ =	shalt  }
0x49: {  	_ =	shalt  }
0x4a: {  	_ =	shalt  }
0x4b: {  	_ =	shalt  }
0x4c: {  	_ =	shalt  }
0x4d: {  	_ =	shalt  }
0x4e: {  	_ =	shalt  }
0x4f: {  	_ =	shalt  }
0x50: {  	_ =	shalt  }
0x51: {  	_ =	shalt  }
0x52: {  	_ =	shalt  }
0x53: {  	_ =	shalt  }
0x54: {  	_ =	shalt  }
0x55: {  	_ =	shalt  }
0x56: {  	_ =	shalt  }
0x57: {  	_ =	shalt  }
0x58: {  	_ =	shalt  }
0x59: {  	_ =	shalt  }
0x5a: {  	_ =	shalt  }
0x5b: {  	_ =	shalt  }
0x5c: {  	_ =	shalt  }
0x5d: {  	_ =	shalt  }
0x5e: {  	_ =	shalt  }
0x5f: {  	_ =	shalt  }
0x60: {  	_ =	shalt  }
0x61: {  	_ =	shalt  }
0x62: {  	_ =	shalt  }
0x63: {  	_ =	shalt  }
0x64: {  	_ =	shalt  }
0x65: {  	_ =	shalt  }
0x66: {  	_ =	shalt  }
0x67: {  	_ =	shalt  }
0x68: {  	_ =	shalt  }
0x69: {  	_ =	shalt  }
0x6a: {  	_ =	shalt  }
0x6b: {  	_ =	shalt  }
0x6c: {  	_ =	shalt  }
0x6d: {  	_ =	shalt  }
0x6e: {  	_ =	shalt  }
0x6f: {  	_ =	shalt  }
0x70: {  	_ =	shalt  }
0x71: {  	_ =	shalt  }
0x72: {  	_ =	shalt  }
0x73: {  	_ =	shalt  }
0x74: {  	_ =	shalt  }
0x75: {  	_ =	shalt  }
0x76: {  	_ =	shalt  }
0x77: {  	_ =	shalt  }
0x78: {  	_ =	shalt  }
0x79: {  	_ =	shalt  }
0x7a: {  	_ =	shalt  }
0x7b: {  	_ =	shalt  }
0x7c: {  	_ =	shalt  }
0x7d: {  	_ =	shalt  }
0x7e: {  	_ =	shalt  }
0x7f: {  	_ =	shalt  }
0x80: {  	_ =	shalt  }
0x81: {  	_ =	shalt  }
0x82: {  	_ =	shalt  }
0x83: {  	_ =	shalt  }
0x84: {  	_ =	shalt  }
0x85: {  	_ =	shalt  }
0x86: {  	_ =	shalt  }
0x87: {  	_ =	shalt  }
.Lfunc_end0:
.L_simem_size_0:
called_computation.1_lowered:
.L_overlay_start_0:
0x88: {  	s2 =	sld [smem:$0x3FD9]  }
0x89: {  	s3 =	sld [smem:$0x3FFE];
	_ =	sdelay $0x1  }
0x8a: {  	s1 =	srdreg.scid  }
0x8b: {  	s0 =	sand.u32 $0x1, s1  }
0x8c: {  	s16 =	sshll.u32 s0, $0xA;
	s2 =	sadd.s32 s3, s2  }
0x8d: {  	s2 =	sadd.s32 s2, s16  }
0x8e: {  	[smem:$0x3FC2] =	sst s2  }
0x8f: {  	_ = 	snop  }
0x90: {  	(tm) =	ssettm $0x1  }
0x91: {  	s17 =	sld [smem:$0x3FFB];
	_ =	sdelay $0x3  }
0x92: {  	_ =	strace s17  }
0x93: {  	s2 =	sld [smem:$0x3FFC];
	_ =	sdelay $0x3  }
0x94: {  	_ =	strace s2  }
0x95: {  	s2 =	sld [smem:$0x3FFD];
	_ =	sdelay $0x3  }
0x96: {  	_ =	strace s2  }
0x97: {  	_ =	strace $0x8FFFFFFF  }
0x98: {  	s18 =	sld [smem:$0x3FDB];
	_ =	sdelay $0x1  }
0x99: {  	s19 =	simm.s32 $_scs_section_size  }
0x9a: {  	s4 =	simm.s32 $_size__tile_overlayer_lowered;
	s5 =	simm.s32 $_tile_overlayer_lowered  }
0x9b: {  	s22 =	simm.s32 $0x1BFF;
	s21 =	sshll.u32 s5, $0x1;
	s2 =	sadd.s32 s19, s18  }
0x9c: {  	s6 =	simm.s32 $0x0;
	s20 =	sshll.u32 s4, $0x1;
	s4 =	sadd.s32 s21, s2  }
0x9d: {  	[timem:s6], [sflag:s22] =	dma.local [hbm:s4], s20  }
0x9e: {  	_ =	swait.ge [sflag:s22], s20  }
0x9f: {  	s3 =	ssub.s32 $0x0, s20;
	[sflag:s22] =	ssyncset.done $0x0  }
0xa0: {  	[sflag:s22] =	ssyncadd.s32 s3;
	_ =	sdelay $0x1  }
0xa1: {  	s23 =	simm.s32 $0x1B8B  }
0xa2: {  	_ =	swait.ge [sflag:s23], $0x1  }
0xa3: {  	[sflag:s23] =	ssyncset.done $0x0  }
0xa4: {  	s25 =	simm.s32 $0x1B8E;
	s24 =	sld [smem:$0x3FFE];
	[sflag:s23] =	ssyncadd.s32 $0xFFFFFFFF  }
0xa5: {  	s26 =	simm.s32 $execute0_lowered;
	[smem:$0x3FD2] =	sst s25  }
0xa6: {  	s4 =	sshll.u32 s26, $0x1;
	_ =	strace $0x80000049;
	[dreg:$0x1] =	wrdreg $0xFFFFFFFF  }
0xa7: {  	s28 =	simm.s32 $_size_execute0_lowered;
	s2 =	sadd.s32 s2, s4;
	[dreg:$0x0] =	wrdreg $0x0  }
0xa8: {  	s4 =	sshll.u32 s28, $0x1;
	[dreg:$0x2] =	wrdreg s2  }
0xa9: {  	[dreg:$0x3] =	wrdreg s4  }
0xaa: {  	[dreg:$0x4] =	wrdreg $0xC0  }
0xab: {  	_ =	task [dreg:s6], $0x5FFFF  }
0xac: {  	[dreg:$0x1] =	wrdreg $0xFFFFFFFF  }
0xad: {  	[dreg:$0x0] =	wrdreg $0x60  }
0xae: {  	[dreg:$0x2] =	wrdreg s24  }
0xaf: {  	[dreg:$0x3] =	wrdreg $0x84000  }
0xb0: {  	[dreg:$0x4] =	wrdreg $0x9  }
0xb1: {  	_ =	task.clear_ibuf [dreg:s6], $0x5FFFF;
	_ =	strace $0x90000049  }
0xb2: {  	s29 =	simm.s32 $0x9;
	_ =	strace $0x8000004B  }
0xb3: {  	_ =	swait.ge [sflag:s29], $0x1  }
0xb4: {  	[sflag:s29] =	ssyncadd.s32 $0xFFFFFFFF  }
0xb5: {  	_ =	strace $0x9000004B  }
0xb6: {  	_ =	sfence  }
0xb7: {  	s30 =	sld [smem:$0x0];
	_ =	sdelay $0x2  }
0xb8: {  	s31 =	sshll.u32 s1, $0xD;
	s1 =	sshrl.u32 s1, $0x2  }
0xb9: {  	s3 =	sand.u32 $0x4000, s31;
	s1 =	sadd.s32 s1, s30  }
0xba: {  	s0 =	sor.u32 s3, s0;
	s1 =	sshll.u32 s1, $0x11  }
0xbb: {  	s0 =	sor.u32 s1, s0  }
0xbc: {  	s0 =	sadd.s32 $0x8F2B, s0  }
0xbd: {  	[sflag:s0] =	ssyncadd.remote.s32 $0x1  }
0xbe: {  	_ =	sfence.sel $0xFFFF  }
0xbf: {  	[dreg:$0x0] =	wrdreg $0xFFFFFFFF;
	(pc) =	sbr.abs _section_cstart, $3  }
0xc0: {  	[dreg:$0x1] =	wrdreg $0xFFFFFFFF  }
0xc1: {  	_ =	task.clear_ibuf [dreg:s6], $0x2FFFF;
	_ =	strace $0x9FFFFFFF  }
0xc2: {  	(tm) =	ssettm $0x7FFFFFFF  }
0xc3: {  	_ =	shalt  }
tec
execute0_lowered:
.L_overlay_start_1:
0x0: {  	(tag) =	ssettag $0x1  }
0x1: {  	s0 =	rddreg [dreg:$0x0]  }
0x2: {  	s2 =	rddreg [dreg:$0x1];
	s1 =	srdreg.scid  }
0x3: {  	s13 =	stileid.u32;
	s3 =	simm.s32 $0x0;
	s28 =	simm.s32 $0x380  }
0x4: {  	s29 =	simm.s32 $0x2;
	s30 =	simm.s32 $0x4400;
	s6 =	smul.u32 $0x28000, s13  }
0x5: {  	s31 =	simm.s32 $0x5;
	s1 =	sand.u32 $0x1, s1;
	s20 =	smul.u32 $0x50000, s13  }
0x6: {  	[smem:$0x7FF] =	sst s3;
	s4 =	sadd.s32 $0xB200, s0;
	s22 =	smul.u32 $0x1400, s13  }
0x7: {  	s7 =	sadd.s32 $0x1200, s0;
	s8 =	sadd.s32 $0x6200, s0;
	s5 =	smul.u32 $0x280000, s1  }
0x8: {  	_ =	strace $0x8000004A;
	s9 =	ssub.s32 $0x2, s1;
	s10 =	sshll.u32 s1, $0x4  }
0x9: {  	p0 =	seq.s32 s1, $0x1;
	s1 =	smul.u32 $0x14000, s1;
	s18 =	sshrl.u32 s9, $0x1  }
0xa: {  	s19 =	sor.u32 s13, s10;
	s11 =	sshrl.u32 s6, $0x1;
	s10 =	sshrl.u32 s20, $0x2  }
0xb: {  	s5 =	sadd.s32 s6, s5;
	s9 =	ssub.s32 s9, s18;
	s12 =	smul.u32 $0x1400, s19  }
0xc: {  	s6 =	sshrl.u32 s6, $0x4;
	s21 =	sadd.s32 s10, s2;
	s1 =	sadd.s32 s22, s1  }
0xd: {  	s5 =	sshrl.u32 s5, $0x4;
	s6 =	sadd.s32 s4, s6;
	s23 =	sadd.s32 $0x4000, s21  }
0xe: {  	s24 =	sadd.s32 $0x8000, s21;
	s25 =	sadd.s32 $0xC000, s21;
	[dreg:$0xb] =	wrdreg s21  }
0xf: {  	s13 =	sor.u32 $0x280, s1;
	s17 =	sor.u32 $0x200, s1;
	[dreg:$0xc] =	wrdreg s6  }
0x10: {  	s20 =	sor.u32 $0x180, s1;
	s1 =	sor.u32 $0x100, s1;
	[dreg:$0xd] =	wrdreg s23  }
0x11: {  	s0 =	sadd.s32 s5, s0;
	s5 =	sadd.s32 s11, s2;
	[dreg:$0xe] =	wrdreg s24  }
0x12: {  	[dreg:$0xf] =	wrdreg s25;
	s26 =	sshrl.u32 s12, $0x3;
	s11 =	sadd.s32 $0x10000, s21  }
0x13: {  	s10 =	sshrl.u32 s13, $0x3;
	[dreg:$0x10] =	wrdreg s11;
	s12 =	sadd.s32 s7, s26  }
0x14: {  	s18 =	sshrl.u32 s17, $0x3;
	s14 =	sadd.s32 s8, s26;
	[dreg:$0x11] =	wrdreg s12  }
0x15: {  	s22 =	sshrl.u32 s20, $0x3;
	s16 =	sadd.s32 s10, s8;
	[dreg:$0x12] =	wrdreg s14  }
0x16: {  	s1 =	sshrl.u32 s1, $0x3;
	s10 =	sadd.s32 s10, s7;
	[dreg:$0x3] =	wrdreg s16  }
0x17: {  	s17 =	smax.u32 s9, $0x1;
	s19 =	sadd.s32 s18, s8;
	[dreg:$0x4] =	wrdreg s10  }
0x18: {  	s20 =	simm.s32 $0x200;
	s21 =	sadd.s32 s18, s7;
	[dreg:$0x5] =	wrdreg s19  }
0x19: {  	s9 =	simm.s32 $0x8;
	s23 =	sadd.s32 s22, s8;
	[dreg:$0x6] =	wrdreg s21  }
0x1a: {  	s6 =	sor.u32 $0x10, s26;
	s24 =	sadd.s32 s22, s7;
	[dreg:$0x7] =	wrdreg s23  }
0x1b: {  	s25 =	sadd.s32 s1, s8;
	s0 =	sadd.s32 $0x33200, s0;
	[dreg:$0x8] =	wrdreg s24  }
0x1c: {  	s26 =	sadd.s32 s1, s7;
	s18 =	simm.s32 $0x400;
	[dreg:$0x15] =	wrdreg s0  }
0x1d: {  	s22 =	simm.s32 $0x280;
	s11 =	simm.s32 $0x0;
	[dreg:$0x9] =	wrdreg s25  }
0x1e: {  	s15 =	sadd.s32 s7, s6;
	s6 =	sadd.s32 s8, s6;
	[dreg:$0xa] =	wrdreg s26  }
0x1f: {  	s19 =	simm.s32 $0x9;
	s21 =	simm.s32 $0x80;
	s23 =	simm.s32 $0x100  }
0x20: {  	s24 =	simm.s32 $0x300;
	s25 =	simm.s32 $0x1;
	s26 =	simm.s32 $0x180  }
0x21: {  	s0 =	simm.s32 $0x7;
	s7 =	simm.s32 $0x3;
	[dreg:$0x13] =	wrdreg s15  }
0x22: {  	v0 =	vimm.bf16 $0.0e+00;
	s8 =	simm.s32 $0x6;
	s10 =	simm.s32 $0x4;
	[dreg:$0x14] =	wrdreg s6  }
.LBB2_1:
.Ltmp0:
0x23: {  	(pc) =	sbr.rel @!p0 .LBB2_2-.Ltmp0, $1  }
0x24: {  	_ =	sdelay $0x3  }
0x25: {  	s1 =	sshra.s32 s3, $0x2;
	s6 =	sadd.s32 $0x200, s3  }
.LBB2_4:
0x26: {  	p1 =	sne.s32 s6, $0xFE00;
	[tilespmem:s1+$0x470] =	vst v0  }
0x27: {  	[tilespmem:s1+$0x400] =	vst v0  }
0x28: {  	[tilespmem:s1+$0x410] =	vst v0  }
.Ltmp1:
0x29: {  	[tilespmem:s1+$0x420] =	vst v0;
	(pc) =	sbr.rel @p1 .LBB2_4-.Ltmp1, $4  }
0x2a: {  	[tilespmem:s1+$0x430] =	vst v0  }
0x2b: {  	[tilespmem:s1+$0x440] =	vst v0  }
0x2c: {  	[tilespmem:s1+$0x450] =	vst v0  }
0x2d: {  	[tilespmem:s1+$0x460] =	vst v0;
	s1 =	sshra.s32 s6, $0x2;
	s6 =	sadd.s32 $0x200, s6  }
0x2e: {  	[tilespmem:s1+$0x470] =	vst v0  }
0x2f: {  	[tilespmem:s1+$0x400] =	vst v0  }
0x30: {  	[tilespmem:s1+$0x410] =	vst v0  }
0x31: {  	[tilespmem:s1+$0x420] =	vst v0  }
0x32: {  	[tilespmem:s1+$0x430] =	vst v0  }
0x33: {  	[tilespmem:s1+$0x440] =	vst v0  }
0x34: {  	[tilespmem:s1+$0x450] =	vst v0  }
0x35: {  	[tilespmem:s1+$0x460] =	vst v0;
	s12 =	rddreg [dreg:$0xb]  }
0x36: {  	[spmem:s12] =	stream.linear.scatter [tilespmem:s18], [sflag:$0x9], $0x4000, $0x38;
	[tilespmem:$0x1C400] =	vst v63  }
0x37: {  	_ =	swait.ge [sflag:s19], $0x4000  }
0x38: {  	[sflag:s19] =	ssyncset.done $0x0  }
0x39: {  	s13 =	rddreg [dreg:$0xd];
	[sflag:s19] =	ssyncadd.s32 $0xFFFFC000  }
0x3a: {  	[spmem:s13] =	stream.linear.scatter [tilespmem:s18], [sflag:$0x9], $0x4000, $0x38;
	[tilespmem:$0x1C400] =	vst v63  }
0x3b: {  	_ =	swait.ge [sflag:s19], $0x4000  }
0x3c: {  	[sflag:s19] =	ssyncset.done $0x0  }
0x3d: {  	s14 =	rddreg [dreg:$0xe];
	[sflag:s19] =	ssyncadd.s32 $0xFFFFC000  }
0x3e: {  	[spmem:s14] =	stream.linear.scatter [tilespmem:s18], [sflag:$0x9], $0x4000, $0x38;
	[tilespmem:$0x1C400] =	vst v63  }
0x3f: {  	_ =	swait.ge [sflag:s19], $0x4000  }
0x40: {  	[sflag:s19] =	ssyncset.done $0x0  }
0x41: {  	s15 =	rddreg [dreg:$0xf];
	[sflag:s19] =	ssyncadd.s32 $0xFFFFC000  }
0x42: {  	[spmem:s15] =	stream.linear.scatter [tilespmem:s18], [sflag:$0x9], $0x4000, $0x38;
	[tilespmem:$0x1C400] =	vst v63  }
0x43: {  	_ =	swait.ge [sflag:s19], $0x4000  }
0x44: {  	[sflag:s19] =	ssyncset.done $0x0  }
.Ltmp2:
0x45: {  	s16 =	rddreg [dreg:$0x10];
	[sflag:s19] =	ssyncadd.s32 $0xFFFFC000;
	(pc) =	sbr.rel .LBB2_6-.Ltmp2, $4  }
0x46: {  	[spmem:s16] =	stream.linear.scatter [tilespmem:s18], [sflag:$0x9], $0x4000, $0x38;
	[tilespmem:$0x1C400] =	vst v63  }
0x47: {  	_ =	swait.ge [sflag:s19], $0x4000  }
0x48: {  	[sflag:s19] =	ssyncset.done $0x0  }
0x49: {  	[sflag:s19] =	ssyncadd.s32 $0xFFFFC000  }
.LBB2_2:
0x4a: {  	s1 =	stileid.u32  }
0x4b: {  	s1 =	sshll.u32 s1, $0x6  }
0x4c: {  	s6 =	sshrl.u32 s5, $0x3;
	s12 =	rddreg [dreg:$0xc];
	s1 =	sor.u32 $0x1C09, s1  }
0x4d: {  	[spmem:s6], [sflag:s1] =	dma.local [hbm:s12], $0x2800  }
0x4e: {  	_ =	swait.ge [sflag:s19], $0x2800  }
0x4f: {  	[sflag:s19] =	ssyncset.done $0x0  }
0x50: {  	[sflag:s19] =	ssyncadd.s32 $0xFFFFD800  }
.LBB2_6:
0x51: {  	[bflag:$0x0] =	sbarrier.arrive $0xFFFF  }
0x52: {  	s1 =	simm.s32 $0x0;
	s6 =	rddreg [dreg:$0x11]  }
0x53: {  	[tilespmem:s1], [sflag:$0x1] =	stream.linear.gather [hbm4b:s6+s1], $0x80, $0x38;
	[tilespmem:$0x1C400] =	vst v63  }
0x54: {  	s13 =	rddreg [dreg:$0x12]  }
0x55: {  	[tilespmem:s20], [sflag:$0x1] =	stream.linear.gather [hbm4b:s13+s1], $0x80, $0x38;
	[tilespmem:$0x1C400] =	vst v63  }
0x56: {  	s14 =	rddreg [dreg:$0x13]  }
0x57: {  	[tilespmem:s21], [sflag:$0x2] =	stream.linear.gather [hbm4b:s14+s1], $0x80, $0x38;
	[tilespmem:$0x1C400] =	vst v63  }
0x58: {  	p1 =	por $0x1, $0x1;
	s15 =	rddreg [dreg:$0x14]  }
0x59: {  	[tilespmem:s22], [sflag:$0x2] =	stream.linear.gather [hbm4b:s15+s1], $0x80, $0x38;
	[tilespmem:$0x1C400] =	vst v63  }
0x5a: {  	s1 =	simm.s32 @!p1 $0x7  }
0x5b: {  	_ =	swait.ge @!p1 [sflag:s1], $0x4000  }
0x5c: {  	s16 =	rddreg [dreg:$0xa];
	[sflag:s1] =	ssyncset.done @!p1 $0x0  }
0x5d: {  	s12 =	rddreg [dreg:$0x9];
	[sflag:s1] =	ssyncadd.s32 @!p1 $0xFFFFC000;
	s6 =	sadd.s32 $0x0, s16  }
0x5e: {  	[tilespmem:s23], [sflag:$0x3] =	stream.linear.gather [hbm4b:s6+s3], $0x80, $0x38;
	[tilespmem:$0x1C400] =	vst v63  }
0x5f: {  	s13 =	sadd.s32 $0x0, s12  }
0x60: {  	[tilespmem:s24], [sflag:$0x3] =	stream.linear.gather [hbm4b:s13+s3], $0x80, $0x38;
	[tilespmem:$0x1C400] =	vst v63  }
0x61: {  	_ =	swait.ge [sflag:s25], $0x80  }
0x62: {  	[sflag:s25] =	ssyncset.done $0x0  }
0x63: {  	[sflag:s25] =	ssyncadd.s32 $0xFFFFFF80  }
0x64: {  	_ =	swait.ge [sflag:s25], $0x80  }
0x65: {  	[sflag:s25] =	ssyncset.done $0x0  }
0x66: {  	s1 =	simm.s32 @!p1 $0x6;
	[sflag:s25] =	ssyncadd.s32 $0xFFFFFF80  }
0x67: {  	[tilespmem:s18], [sflag:$0x5] =	stream.indirect.gather [hbm4b:s4+s21], $0x80, s3, s21, $0xb8;
	[tilespmem:$0x1C400] =	vst v63  }
0x68: {  	_ =	swait.ge @!p1 [sflag:s1], $0x4000  }
0x69: {  	s12 =	simm.s32 @!p1 $0x8;
	s6 =	simm.s32 @!p1 $0x4400;
	[sflag:s1] =	ssyncset.done @!p1 $0x0  }
0x6a: {  	s13 =	simm.s32 @!p1 $0x380;
	[sflag:s1] =	ssyncadd.s32 @!p1 $0xFFFFC000;
	s1 =	simm.s32 @!p1 $0x80  }
0x6b: {  	[spmem:s2] =	stream.indirect.scatter.add.bf16 @!p1 [tilespmem:s6], [sflag:$0x8], $0x80, s13, s1, $0xb8;
	[tilespmem:$0x1C400] =	vst v63  }
0x6c: {  	_ =	swait.ge @!p1 [sflag:s12], $0x4000  }
0x6d: {  	s14 =	rddreg [dreg:$0x8];
	[sflag:s12] =	ssyncset.done @!p1 $0x0  }
0x6e: {  	s15 =	rddreg [dreg:$0x7];
	[sflag:s12] =	ssyncadd.s32 @!p1 $0xFFFFC000;
	s1 =	sadd.s32 $0x0, s14  }
0x6f: {  	[tilespmem:s26], [sflag:$0x4] =	stream.linear.gather [hbm4b:s1+s3], $0x80, $0x38;
	[tilespmem:$0x1C400] =	vst v63  }
0x70: {  	s16 =	sadd.s32 $0x0, s15  }
0x71: {  	[tilespmem:s28], [sflag:$0x4] =	stream.linear.gather [hbm4b:s16+s3], $0x80, $0x38;
	[tilespmem:$0x1C400] =	vst v63  }
0x72: {  	_ =	swait.ge [sflag:s29], $0x80  }
0x73: {  	[sflag:s29] =	ssyncset.done $0x0  }
0x74: {  	[sflag:s29] =	ssyncadd.s32 $0xFFFFFF80  }
0x75: {  	_ =	swait.ge [sflag:s29], $0x80  }
0x76: {  	[sflag:s29] =	ssyncset.done $0x0  }
0x77: {  	[sflag:s29] =	ssyncadd.s32 $0xFFFFFF80  }
0x78: {  	[tilespmem:s30], [sflag:$0x6] =	stream.indirect.gather [hbm4b:s4+s21], $0x80, s21, s21, $0xb8;
	[tilespmem:$0x1C400] =	vst v63  }
0x79: {  	_ =	swait.ge [sflag:s31], $0x4000  }
0x7a: {  	[sflag:s31] =	ssyncset.done $0x0  }
0x7b: {  	[sflag:s31] =	ssyncadd.s32 $0xFFFFC000  }
0x7c: {  	[spmem:s2] =	stream.indirect.scatter.add.bf16 [tilespmem:s18], [sflag:$0x7], $0x80, s20, s21, $0xb8;
	[tilespmem:$0x1C400] =	vst v63  }
0x7d: {  	p1 =	por $0x0, $0x0;
	_ =	swait.ge [sflag:s0], $0x4000  }
0x7e: {  	s12 =	simm.s32 @!p1 $0x0;
	s1 =	rddreg [dreg:$0x6];
	[sflag:s0] =	ssyncset.done $0x0  }
0x7f: {  	s6 =	rddreg [dreg:$0x5];
	[sflag:s0] =	ssyncadd.s32 $0xFFFFC000;
	s1 =	sadd.s32 @!p1 $0x0, s1  }
0x80: {  	[tilespmem:s12], [sflag:$0x1] =	stream.linear.gather @!p1 [hbm4b:s1+s12], $0x80, $0x38;
	[tilespmem:$0x1C400] =	vst v63  }
0x81: {  	s1 =	sadd.s32 @!p1 $0x0, s6;
	s6 =	simm.s32 @!p1 $0x200  }
0x82: {  	[tilespmem:s6], [sflag:$0x1] =	stream.linear.gather @!p1 [hbm4b:s1+s12], $0x80, $0x38;
	[tilespmem:$0x1C400] =	vst v63  }
0x83: {  	_ =	swait.ge [sflag:s7], $0x80  }
0x84: {  	[sflag:s7] =	ssyncset.done $0x0  }
0x85: {  	[sflag:s7] =	ssyncadd.s32 $0xFFFFFF80  }
0x86: {  	_ =	swait.ge [sflag:s7], $0x80  }
0x87: {  	[sflag:s7] =	ssyncset.done $0x0  }
0x88: {  	[sflag:s7] =	ssyncadd.s32 $0xFFFFFF80  }
0x89: {  	[tilespmem:s18], [sflag:$0x5] =	stream.indirect.gather [hbm4b:s4+s21], $0x80, s23, s21, $0xb8;
	[tilespmem:$0x1C400] =	vst v63  }
0x8a: {  	_ =	swait.ge [sflag:s8], $0x4000  }
0x8b: {  	[sflag:s8] =	ssyncset.done $0x0  }
0x8c: {  	[sflag:s8] =	ssyncadd.s32 $0xFFFFC000  }
0x8d: {  	[spmem:s2] =	stream.indirect.scatter.add.bf16 [tilespmem:s30], [sflag:$0x8], $0x80, s22, s21, $0xb8;
	[tilespmem:$0x1C400] =	vst v63  }
0x8e: {  	_ =	swait.ge [sflag:s9], $0x4000  }
0x8f: {  	s13 =	simm.s32 @!p1 $0x80;
	s1 =	rddreg [dreg:$0x4];
	[sflag:s9] =	ssyncset.done $0x0  }
0x90: {  	s6 =	rddreg [dreg:$0x3];
	[sflag:s9] =	ssyncadd.s32 $0xFFFFC000;
	s1 =	sadd.s32 @!p1 $0x0, s1  }
0x91: {  	[tilespmem:s13], [sflag:$0x2] =	stream.linear.gather @!p1 [hbm4b:s1+s12], $0x80, $0x38;
	[tilespmem:$0x1C400] =	vst v63  }
0x92: {  	s1 =	sadd.s32 @!p1 $0x0, s6;
	s6 =	simm.s32 @!p1 $0x280  }
0x93: {  	[tilespmem:s6], [sflag:$0x2] =	stream.linear.gather @!p1 [hbm4b:s1+s12], $0x80, $0x38;
	[tilespmem:$0x1C400] =	vst v63  }
0x94: {  	_ =	swait.ge [sflag:s10], $0x80  }
0x95: {  	[sflag:s10] =	ssyncset.done $0x0  }
0x96: {  	[sflag:s10] =	ssyncadd.s32 $0xFFFFFF80  }
0x97: {  	_ =	swait.ge [sflag:s10], $0x80  }
0x98: {  	[sflag:s10] =	ssyncset.done $0x0  }
0x99: {  	[sflag:s10] =	ssyncadd.s32 $0xFFFFFF80  }
0x9a: {  	[tilespmem:s30], [sflag:$0x6] =	stream.indirect.gather [hbm4b:s4+s21], $0x80, s26, s21, $0xb8;
	[tilespmem:$0x1C400] =	vst v63  }
0x9b: {  	p2 =	por $0x0, $0x0;
	_ =	swait.ge [sflag:s31], $0x4000  }
0x9c: {  	s6 =	simm.s32 $0x40;
	s1 =	simm.s32 $0x80;
	[sflag:s31] =	ssyncset.done $0x0  }
.LBB2_7:
0x9d: {  	s13 =	simm.s32 @!p2 $0x7;
	[sflag:s31] =	ssyncadd.s32 $0xFFFFC000  }
0x9e: {  	[spmem:s2] =	stream.indirect.scatter.add.bf16 [tilespmem:s18], [sflag:$0x7], $0x80, s24, s21, $0xb8;
	[tilespmem:$0x1C400] =	vst v63  }
0x9f: {  	_ =	swait.ge @!p2 [sflag:s13], $0x4000  }
0xa0: {  	[sflag:s13] =	ssyncset.done @!p2 $0x0;
	s14 =	rddreg [dreg:$0xa]  }
0xa1: {  	s16 =	rddreg [dreg:$0x9];
	[sflag:s13] =	ssyncadd.s32 @!p2 $0xFFFFC000;
	s14 =	sadd.s32 s6, s14  }
0xa2: {  	[tilespmem:s23], [sflag:$0x3] =	stream.linear.gather [hbm4b:s14+s3], $0x80, $0x38;
	[tilespmem:$0x1C400] =	vst v63  }
0xa3: {  	s13 =	sadd.s32 s6, s16  }
0xa4: {  	[tilespmem:s24], [sflag:$0x3] =	stream.linear.gather [hbm4b:s13+s3], $0x80, $0x38;
	[tilespmem:$0x1C400] =	vst v63  }
0xa5: {  	_ =	swait.ge [sflag:s25], $0x80  }
0xa6: {  	[sflag:s25] =	ssyncset.done $0x0  }
0xa7: {  	[sflag:s25] =	ssyncadd.s32 $0xFFFFFF80  }
0xa8: {  	_ =	swait.ge [sflag:s25], $0x80  }
0xa9: {  	[sflag:s25] =	ssyncset.done $0x0  }
0xaa: {  	s13 =	simm.s32 @!p2 $0x6;
	[sflag:s25] =	ssyncadd.s32 $0xFFFFFF80  }
0xab: {  	[tilespmem:s18], [sflag:$0x5] =	stream.indirect.gather [hbm4b:s4+s21], $0x80, s3, s21, $0xb8;
	[tilespmem:$0x1C400] =	vst v63  }
0xac: {  	_ =	swait.ge @!p2 [sflag:s13], $0x4000  }
0xad: {  	s15 =	simm.s32 @!p2 $0x8;
	s16 =	simm.s32 @!p2 $0x380;
	[sflag:s13] =	ssyncset.done @!p2 $0x0  }
0xae: {  	s14 =	simm.s32 @!p2 $0x4400;
	[sflag:s13] =	ssyncadd.s32 @!p2 $0xFFFFC000;
	s13 =	simm.s32 @!p2 $0x80  }
0xaf: {  	[spmem:s2] =	stream.indirect.scatter.add.bf16 @!p2 [tilespmem:s14], [sflag:$0x8], $0x80, s16, s13, $0xb8;
	[tilespmem:$0x1C400] =	vst v63  }
0xb0: {  	_ =	swait.ge @!p2 [sflag:s15], $0x4000  }
0xb1: {  	s14 =	rddreg [dreg:$0x8];
	[sflag:s15] =	ssyncset.done @!p2 $0x0  }
0xb2: {  	s16 =	rddreg [dreg:$0x7];
	[sflag:s15] =	ssyncadd.s32 @!p2 $0xFFFFC000;
	s13 =	sadd.s32 s6, s14  }
0xb3: {  	[tilespmem:s26], [sflag:$0x4] =	stream.linear.gather [hbm4b:s13+s3], $0x80, $0x38;
	[tilespmem:$0x1C400] =	vst v63  }
0xb4: {  	s16 =	sadd.s32 s6, s16  }
0xb5: {  	[tilespmem:s28], [sflag:$0x4] =	stream.linear.gather [hbm4b:s16+s3], $0x80, $0x38;
	[tilespmem:$0x1C400] =	vst v63  }
0xb6: {  	_ =	swait.ge [sflag:s29], $0x80  }
0xb7: {  	[sflag:s29] =	ssyncset.done $0x0  }
0xb8: {  	[sflag:s29] =	ssyncadd.s32 $0xFFFFFF80  }
0xb9: {  	_ =	swait.ge [sflag:s29], $0x80  }
0xba: {  	[sflag:s29] =	ssyncset.done $0x0  }
0xbb: {  	[sflag:s29] =	ssyncadd.s32 $0xFFFFFF80  }
0xbc: {  	[tilespmem:s30], [sflag:$0x6] =	stream.indirect.gather [hbm4b:s4+s21], $0x80, s21, s21, $0xb8;
	[tilespmem:$0x1C400] =	vst v63  }
0xbd: {  	_ =	swait.ge [sflag:s31], $0x4000  }
0xbe: {  	[sflag:s31] =	ssyncset.done $0x0  }
0xbf: {  	[sflag:s31] =	ssyncadd.s32 $0xFFFFC000  }
0xc0: {  	[spmem:s2] =	stream.indirect.scatter.add.bf16 [tilespmem:s18], [sflag:$0x7], $0x80, s20, s21, $0xb8;
	[tilespmem:$0x1C400] =	vst v63  }
0xc1: {  	p2 =	seq.s32 s6, $0x240;
	_ =	swait.ge [sflag:s0], $0x4000  }
0xc2: {  	s15 =	simm.s32 @!p2 $0x0;
	s13 =	rddreg [dreg:$0x6];
	[sflag:s0] =	ssyncset.done $0x0  }
0xc3: {  	s14 =	rddreg [dreg:$0x5];
	[sflag:s0] =	ssyncadd.s32 $0xFFFFC000;
	s13 =	sadd.s32 @!p2 s6, s13  }
0xc4: {  	[tilespmem:s15], [sflag:$0x1] =	stream.linear.gather @!p2 [hbm4b:s13+s15], $0x80, $0x38;
	[tilespmem:$0x1C400] =	vst v63  }
0xc5: {  	s13 =	sadd.s32 @!p2 s6, s14;
	s14 =	simm.s32 @!p2 $0x200  }
0xc6: {  	[tilespmem:s14], [sflag:$0x1] =	stream.linear.gather @!p2 [hbm4b:s13+s15], $0x80, $0x38;
	[tilespmem:$0x1C400] =	vst v63  }
0xc7: {  	_ =	swait.ge [sflag:s7], $0x80  }
0xc8: {  	[sflag:s7] =	ssyncset.done $0x0  }
0xc9: {  	[sflag:s7] =	ssyncadd.s32 $0xFFFFFF80  }
0xca: {  	_ =	swait.ge [sflag:s7], $0x80  }
0xcb: {  	[sflag:s7] =	ssyncset.done $0x0  }
0xcc: {  	[sflag:s7] =	ssyncadd.s32 $0xFFFFFF80  }
0xcd: {  	[tilespmem:s18], [sflag:$0x5] =	stream.indirect.gather [hbm4b:s4+s21], $0x80, s23, s21, $0xb8;
	[tilespmem:$0x1C400] =	vst v63  }
0xce: {  	_ =	swait.ge [sflag:s8], $0x4000  }
0xcf: {  	[sflag:s8] =	ssyncset.done $0x0  }
0xd0: {  	[sflag:s8] =	ssyncadd.s32 $0xFFFFC000  }
0xd1: {  	[spmem:s2] =	stream.indirect.scatter.add.bf16 [tilespmem:s30], [sflag:$0x8], $0x80, s22, s21, $0xb8;
	[tilespmem:$0x1C400] =	vst v63  }
0xd2: {  	_ =	swait.ge [sflag:s9], $0x4000  }
0xd3: {  	s16 =	simm.s32 @!p2 $0x80;
	s13 =	rddreg [dreg:$0x4];
	[sflag:s9] =	ssyncset.done $0x0  }
0xd4: {  	s14 =	rddreg [dreg:$0x3];
	[sflag:s9] =	ssyncadd.s32 $0xFFFFC000;
	s13 =	sadd.s32 @!p2 s6, s13  }
0xd5: {  	[tilespmem:s16], [sflag:$0x2] =	stream.linear.gather @!p2 [hbm4b:s13+s15], $0x80, $0x38;
	[tilespmem:$0x1C400] =	vst v63  }
0xd6: {  	s13 =	sadd.s32 @!p2 s6, s14;
	s14 =	simm.s32 @!p2 $0x280  }
0xd7: {  	[tilespmem:s14], [sflag:$0x2] =	stream.linear.gather @!p2 [hbm4b:s13+s15], $0x80, $0x38;
	[tilespmem:$0x1C400] =	vst v63  }
0xd8: {  	_ =	swait.ge [sflag:s10], $0x80  }
0xd9: {  	[sflag:s10] =	ssyncset.done $0x0  }
0xda: {  	s12 =	smov.u32 s1;
	s1 =	sadd.s32 $0x40, s1;
	[sflag:s10] =	ssyncadd.s32 $0xFFFFFF80  }
0xdb: {  	p1 =	sne.s32 s1, $0x280;
	_ =	swait.ge [sflag:s10], $0x80  }
.Ltmp3:
0xdc: {  	[sflag:s10] =	ssyncset.done $0x0;
	(pc) =	sbr.rel @p1 .LBB2_7-.Ltmp3, $4  }
0xdd: {  	[sflag:s10] =	ssyncadd.s32 $0xFFFFFF80  }
0xde: {  	[tilespmem:s30], [sflag:$0x6] =	stream.indirect.gather [hbm4b:s4+s21], $0x80, s26, s21, $0xb8;
	[tilespmem:$0x1C400] =	vst v63  }
0xdf: {  	s6 =	smov.u32 s12;
	_ =	swait.ge [sflag:s31], $0x4000  }
0xe0: {  	p2 =	seq.s32 s6, $0x0;
	[sflag:s31] =	ssyncset.done $0x0  }
0xe1: {  	s1 =	simm.s32 @!p2 $0x7;
	[sflag:s31] =	ssyncadd.s32 $0xFFFFC000  }
0xe2: {  	[spmem:s2] =	stream.indirect.scatter.add.bf16 [tilespmem:s18], [sflag:$0x7], $0x80, s24, s21, $0xb8;
	[tilespmem:$0x1C400] =	vst v63  }
0xe3: {  	_ =	swait.ge @!p2 [sflag:s1], $0x4000  }
0xe4: {  	s12 =	rddreg [dreg:$0xa];
	[sflag:s1] =	ssyncset.done @!p2 $0x0  }
0xe5: {  	s13 =	rddreg [dreg:$0x9];
	[sflag:s1] =	ssyncadd.s32 @!p2 $0xFFFFC000;
	s12 =	sadd.s32 s6, s12  }
0xe6: {  	[tilespmem:s23], [sflag:$0x3] =	stream.linear.gather [hbm4b:s12+s3], $0x80, $0x38;
	[tilespmem:$0x1C400] =	vst v63  }
0xe7: {  	s14 =	sadd.s32 s6, s13  }
0xe8: {  	[tilespmem:s24], [sflag:$0x3] =	stream.linear.gather [hbm4b:s14+s3], $0x80, $0x38;
	[tilespmem:$0x1C400] =	vst v63  }
0xe9: {  	_ =	swait.ge [sflag:s25], $0x80  }
0xea: {  	[sflag:s25] =	ssyncset.done $0x0  }
0xeb: {  	[sflag:s25] =	ssyncadd.s32 $0xFFFFFF80  }
0xec: {  	_ =	swait.ge [sflag:s25], $0x80  }
0xed: {  	[sflag:s25] =	ssyncset.done $0x0  }
0xee: {  	s1 =	simm.s32 @!p2 $0x6;
	[sflag:s25] =	ssyncadd.s32 $0xFFFFFF80  }
0xef: {  	[tilespmem:s18], [sflag:$0x5] =	stream.indirect.gather [hbm4b:s4+s21], $0x80, s3, s21, $0xb8;
	[tilespmem:$0x1C400] =	vst v63  }
0xf0: {  	_ =	swait.ge @!p2 [sflag:s1], $0x4000  }
0xf1: {  	s13 =	simm.s32 @!p2 $0x8;
	s12 =	simm.s32 @!p2 $0x4400;
	[sflag:s1] =	ssyncset.done @!p2 $0x0  }
0xf2: {  	s14 =	simm.s32 @!p2 $0x380;
	[sflag:s1] =	ssyncadd.s32 @!p2 $0xFFFFC000;
	s1 =	simm.s32 @!p2 $0x80  }
0xf3: {  	[spmem:s2] =	stream.indirect.scatter.add.bf16 @!p2 [tilespmem:s12], [sflag:$0x8], $0x80, s14, s1, $0xb8;
	[tilespmem:$0x1C400] =	vst v63  }
0xf4: {  	_ =	swait.ge @!p2 [sflag:s13], $0x4000  }
0xf5: {  	s15 =	rddreg [dreg:$0x8];
	[sflag:s13] =	ssyncset.done @!p2 $0x0  }
0xf6: {  	s16 =	rddreg [dreg:$0x7];
	[sflag:s13] =	ssyncadd.s32 @!p2 $0xFFFFC000;
	s1 =	sadd.s32 s6, s15  }
0xf7: {  	[tilespmem:s26], [sflag:$0x4] =	stream.linear.gather [hbm4b:s1+s3], $0x80, $0x38;
	[tilespmem:$0x1C400] =	vst v63  }
0xf8: {  	s13 =	sadd.s32 s6, s16  }
0xf9: {  	[tilespmem:s28], [sflag:$0x4] =	stream.linear.gather [hbm4b:s13+s3], $0x80, $0x38;
	[tilespmem:$0x1C400] =	vst v63  }
0xfa: {  	_ =	swait.ge [sflag:s29], $0x80  }
0xfb: {  	[sflag:s29] =	ssyncset.done $0x0  }
0xfc: {  	[sflag:s29] =	ssyncadd.s32 $0xFFFFFF80  }
0xfd: {  	_ =	swait.ge [sflag:s29], $0x80  }
0xfe: {  	[sflag:s29] =	ssyncset.done $0x0  }
0xff: {  	[sflag:s29] =	ssyncadd.s32 $0xFFFFFF80  }
0x100: {  	[tilespmem:s30], [sflag:$0x6] =	stream.indirect.gather [hbm4b:s4+s21], $0x80, s21, s21, $0xb8;
	[tilespmem:$0x1C400] =	vst v63  }
0x101: {  	_ =	swait.ge [sflag:s31], $0x4000  }
0x102: {  	[sflag:s31] =	ssyncset.done $0x0  }
0x103: {  	[sflag:s31] =	ssyncadd.s32 $0xFFFFC000  }
0x104: {  	[spmem:s2] =	stream.indirect.scatter.add.bf16 [tilespmem:s18], [sflag:$0x7], $0x80, s20, s21, $0xb8;
	[tilespmem:$0x1C400] =	vst v63  }
0x105: {  	p1 =	seq.s32 s6, $0x240;
	_ =	swait.ge [sflag:s0], $0x4000  }
0x106: {  	s13 =	simm.s32 @!p1 $0x0;
	s1 =	rddreg [dreg:$0x6];
	[sflag:s0] =	ssyncset.done $0x0  }
0x107: {  	s12 =	rddreg [dreg:$0x5];
	[sflag:s0] =	ssyncadd.s32 $0xFFFFC000;
	s1 =	sadd.s32 @!p1 s6, s1  }
0x108: {  	[tilespmem:s13], [sflag:$0x1] =	stream.linear.gather @!p1 [hbm4b:s1+s13], $0x80, $0x38;
	[tilespmem:$0x1C400] =	vst v63  }
0x109: {  	s1 =	sadd.s32 @!p1 s6, s12;
	s12 =	simm.s32 @!p1 $0x200  }
0x10a: {  	[tilespmem:s12], [sflag:$0x1] =	stream.linear.gather @!p1 [hbm4b:s1+s13], $0x80, $0x38;
	[tilespmem:$0x1C400] =	vst v63  }
0x10b: {  	_ =	swait.ge [sflag:s7], $0x80  }
0x10c: {  	[sflag:s7] =	ssyncset.done $0x0  }
0x10d: {  	[sflag:s7] =	ssyncadd.s32 $0xFFFFFF80  }
0x10e: {  	_ =	swait.ge [sflag:s7], $0x80  }
0x10f: {  	[sflag:s7] =	ssyncset.done $0x0  }
0x110: {  	[sflag:s7] =	ssyncadd.s32 $0xFFFFFF80  }
0x111: {  	[tilespmem:s18], [sflag:$0x5] =	stream.indirect.gather [hbm4b:s4+s21], $0x80, s23, s21, $0xb8;
	[tilespmem:$0x1C400] =	vst v63  }
0x112: {  	_ =	swait.ge [sflag:s8], $0x4000  }
0x113: {  	[sflag:s8] =	ssyncset.done $0x0  }
0x114: {  	[sflag:s8] =	ssyncadd.s32 $0xFFFFC000  }
0x115: {  	[spmem:s2] =	stream.indirect.scatter.add.bf16 [tilespmem:s30], [sflag:$0x8], $0x80, s22, s21, $0xb8;
	[tilespmem:$0x1C400] =	vst v63  }
0x116: {  	_ =	swait.ge [sflag:s9], $0x4000  }
0x117: {  	s14 =	simm.s32 @!p1 $0x80;
	s1 =	rddreg [dreg:$0x4];
	[sflag:s9] =	ssyncset.done $0x0  }
0x118: {  	s12 =	rddreg [dreg:$0x3];
	[sflag:s9] =	ssyncadd.s32 $0xFFFFC000;
	s1 =	sadd.s32 @!p1 s6, s1  }
0x119: {  	[tilespmem:s14], [sflag:$0x2] =	stream.linear.gather @!p1 [hbm4b:s1+s13], $0x80, $0x38;
	[tilespmem:$0x1C400] =	vst v63  }
0x11a: {  	s1 =	sadd.s32 @!p1 s6, s12;
	s6 =	simm.s32 @!p1 $0x280  }
0x11b: {  	[tilespmem:s6], [sflag:$0x2] =	stream.linear.gather @!p1 [hbm4b:s1+s13], $0x80, $0x38;
	[tilespmem:$0x1C400] =	vst v63  }
0x11c: {  	_ =	swait.ge [sflag:s10], $0x80  }
0x11d: {  	[sflag:s10] =	ssyncset.done $0x0  }
0x11e: {  	[sflag:s10] =	ssyncadd.s32 $0xFFFFFF80  }
0x11f: {  	_ =	swait.ge [sflag:s10], $0x80  }
0x120: {  	[sflag:s10] =	ssyncset.done $0x0  }
0x121: {  	[sflag:s10] =	ssyncadd.s32 $0xFFFFFF80  }
0x122: {  	[tilespmem:s30], [sflag:$0x6] =	stream.indirect.gather [hbm4b:s4+s21], $0x80, s26, s21, $0xb8;
	[tilespmem:$0x1C400] =	vst v63  }
0x123: {  	_ =	swait.ge [sflag:s31], $0x4000  }
0x124: {  	[sflag:s31] =	ssyncset.done $0x0  }
0x125: {  	[sflag:s31] =	ssyncadd.s32 $0xFFFFC000  }
0x126: {  	[spmem:s2] =	stream.indirect.scatter.add.bf16 [tilespmem:s18], [sflag:$0x7], $0x80, s24, s21, $0xb8;
	[tilespmem:$0x1C400] =	vst v63  }
0x127: {  	_ =	swait.ge [sflag:s8], $0x4000  }
0x128: {  	[sflag:s8] =	ssyncset.done $0x0  }
0x129: {  	[sflag:s8] =	ssyncadd.s32 $0xFFFFC000  }
0x12a: {  	[spmem:s2] =	stream.indirect.scatter.add.bf16 [tilespmem:s30], [sflag:$0x8], $0x80, s28, s21, $0xb8;
	[tilespmem:$0x1C400] =	vst v63  }
0x12b: {  	_ =	swait.ge [sflag:s0], $0x4000  }
0x12c: {  	[sflag:s0] =	ssyncset.done $0x0  }
0x12d: {  	[sflag:s0] =	ssyncadd.s32 $0xFFFFC000  }
0x12e: {  	_ =	swait.ge [sflag:s9], $0x4000  }
0x12f: {  	s11 =	sadd.s32 $0x1, s11;
	[sflag:s9] =	ssyncset.done $0x0  }
0x130: {  	s15 =	sshrl.u32 s5, $0x3;
	s14 =	stileid.u32;
	[sflag:s9] =	ssyncadd.s32 $0xFFFFC000  }
0x131: {  	s1 =	sshll.u32 s14, $0x6;
	p1 =	sne.s32 s11, s17;
	[bflag:$0x0] =	sbarrier.arrive $0xFFFF  }
.Ltmp4:
0x132: {  	s1 =	sor.u32 $0x1C09, s1;
	s16 =	rddreg [dreg:$0x15];
	(pc) =	sbr.rel @p1 .LBB2_1-.Ltmp4, $4  }
0x133: {  	[hbm:s16], [sflag:s1] =	dma.local [spmem:s15], $0x2800  }
0x134: {  	_ =	swait.ge [sflag:s19], $0x2800  }
0x135: {  	[sflag:s19] =	ssyncset.done $0x0  }
0x136: {  	[sflag:s19] =	ssyncadd.s32 $0xFFFFD800  }
0x137: {  	_ =	sfence.sel $0x180000  }
0x138: {  	[bflag:$0x0] =	sbarrier.arrive $0xFFFF  }
0x139: {  	_ =	strace $0x9000004A  }
0x13a: {  	s0 =	stileid.u32;
	[bflag:$0x2] =	sbarrier.arrive $0xFFFF  }
0x13b: {  	p0 =	sne.s32 s0, $0x0;
	s0 =	rddreg [dreg:$0x2]  }
0x13c: {  	s0 =	sadd.s32 @!p0 $0x100000, s0  }
0x13d: {  	[sflag:s0] =	ssyncadd.tile.s32 @!p0 $0x1;
	_ =	shalt  }
.Lfunc_end2:
_tile_overlayer_lowered:
.L_overlay_start_2:
0x13e: {  	(tag) =	ssettag $0x2  }
0x13f: {  	s0 =	rddreg [dreg:$0x0];
	s2 =	stileid.u32  }
0x140: {  	s1 =	rddreg [dreg:$0x1];
	p0 =	sne.s32 s2, $0x0  }
0x141: {  	s3 =	rddreg [dreg:$0x2];
	[bflag:$0x3] =	sbarrier.arrive $0xFFFF;
	s2 =	simm.s32 @!p0 $0x1C09  }
0x142: {  	[timem:s3], [sflag:s2] =	dma.local @!p0 [hbm:s0], s1  }
0x143: {  	s0 =	simm.s32 @!p0 $0x9  }
0x144: {  	_ =	swait.ge @!p0 [sflag:s0], s1  }
0x145: {  	s1 =	ssub.s32 @!p0 $0x0, s1;
	[sflag:s0] =	ssyncset.done @!p0 $0x0  }
0x146: {  	[sflag:s0] =	ssyncadd.s32 @!p0 s1  }
0x147: {  	[bflag:$0x3] =	sbarrier.arrive $0xFFFF  }
0x148: {  	_ =	shalt  }

// kernel: kernel.14.cloned.1.call-start
scs
__scs_entry_jumppad:
0x0: {  	(pc) =	sbr.rel $0x88, $3  }
0x1: {  	(tag) =	ssettag $0x0;
	lr =	simm.s32 $0x1  }
0x2: {  	[smem:$0x3F9B] =	sst lr;
	_ =	strace $0xD0000000  }
0x3: {  	_ = 	snop  }
0x4: {  	_ = 	snop  }
0x5: {  	_ = 	snop  }
0x6: {  	_ = 	snop  }
0x7: {  	_ = 	snop  }
__scs_overlays_trampoline_lowered:
0x8: {  	[smem:$0x3FAA] =	sst s0  }
0x9: {  	[smem:$0x3FAB] =	sst s1  }
0xa: {  	[smem:$0x3FAC] =	sst s2  }
0xb: {  	[smem:$0x3FAD] =	sst s3  }
0xc: {  	[smem:$0x3FAE] =	sst s4  }
0xd: {  	[smem:$0x3FAF] =	sst s5  }
0xe: {  	[smem:$0x3FB0] =	sst s6  }
0xf: {  	[smem:$0x3FB1] =	sst s7  }
0x10: {  	[smem:$0x3FB2] =	sst s8  }
0x11: {  	[smem:$0x3FB3] =	sst s9;
	s0 =	simm.s32 @!p0 $0x0  }
0x12: {  	s1 =	sld [smem:$0x3F99];
	s0 =	simm.s32 @p0 $0x1  }
0x13: {  	[smem:$0x3FB4] =	sst s0;
	s0 =	simm.s32 @!p1 $0x0  }
0x14: {  	s2 =	sld [smem:$0x3F98];
	s0 =	simm.s32 @p1 $0x1  }
0x15: {  	[smem:$0x3FB5] =	sst s0;
	s0 =	simm.s32 @!p2 $0x0  }
0x16: {  	s3 =	sld [smem:$0x3FDB];
	s0 =	simm.s32 @p2 $0x1  }
0x17: {  	s4 =	simm.s32 $0x1BF5;
	[smem:$0x3FB7] =	sst s0  }
0x18: {  	s0 =	sld [smem:$0x3F9A];
	_ =	swait.ge [sflag:s4], $0x0  }
0x19: {  	s7 =	sld [smem:$0x3F9B]  }
0x1a: {  	s8 =	sadd.s32 $0xFFFFE003, lr  }
0x1b: {  	s9 =	sadd.s32 $0xFFFFFEF7, lr;
	s5 =	simm.s32 $0xFFFFFFFF;
	p2 =	slt.u32 s8, $0xFFFFF086  }
0x1c: {  	p1 =	slt.u32 s9, $0xF7A;
	s5 =	simm.s32 @!p2 $0x0  }
0x1d: {  	s5 =	simm.s32 @p1 $0x1;
	p0 =	seq.s32 s7, s2  }
0x1e: {  	s7 =	smul.u32 @!p0 $0xF7A, s2;
	p2 =	seq.s32 @!p0 s5, $0x0  }
0x1f: {  	s9 =	smul.u32 $0xF7A, s1;
	s8 =	simm.s32 @!p0 $0x1BF5;
	p2 =	por !p2, p0  }
0x20: {  	[sflag:s8] =	ssyncset.s32 @!p0 $0xFFFFF086;
	s6 =	sadd.s32 @!p0 s3, s7;
	s7 =	simm.s32 @!p0 $0x108  }
0x21: {  	s3 =	sadd.s32 s3, s9;
	s6 =	sadd.s32 @!p0 $0x88, s6;
	s7 =	simm.s32 @p2 $0x1082  }
0x22: {  	[simem:s7], [sflag:s8] =	dma.local @!p0 [hbm:s6], $0xF7A  }
0x23: {  	s9 =	sor.u32 $0xD0000000, s2;
	s6 =	simm.s32 $0x108;
	_ =	swait.ge @!p0 [sflag:s8], $0x0  }
0x24: {  	s3 =	sadd.s32 $0x88, s3;
	s6 =	simm.s32 @!p1 $0x1082;
	[sflag:s4] =	ssyncset.s32 $0xFFFFF086  }
0x25: {  	[simem:s6], [sflag:s4] =	dma.local [hbm:s3], $0xF7A  }
0x26: {  	[smem:$0x3F9B] =	sst s1;
	(tag) =	ssettag s2;
	_ =	strace s9  }
0x27: {  	s1 =	sld [smem:$0x3FAB]  }
0x28: {  	s2 =	sld [smem:$0x3FAC]  }
0x29: {  	s4 =	sld [smem:$0x3FAE]  }
0x2a: {  	p0 =	seq.s32 s5, $0x0;
	s5 =	sld [smem:$0x3FAF]  }
0x2b: {  	s6 =	sld [smem:$0x3FB0]  }
0x2c: {  	s7 =	sld [smem:$0x3FB1]  }
0x2d: {  	s3 =	simm.s32 $0x108;
	s8 =	sld [smem:$0x3FB2]  }
0x2e: {  	s3 =	simm.s32 @!p0 $0x1082;
	s9 =	sld [smem:$0x3FB3]  }
0x2f: {  	lr =	sadd.s32 s0, s3;
	s0 =	sld [smem:$0x3FAA]  }
0x30: {  	s3 =	sld [smem:$0x3FAD]  }
0x31: {  	[smem:$0x3FB6] =	sst s10  }
0x32: {  	s10 =	sld [smem:$0x3FB4];
	_ =	sdelay $0x3  }
0x33: {  	p0 =	seq.s32 s10, $0x1;
	s10 =	sld [smem:$0x3FB6];
	_ =	sdelay $0x3  }
0x34: {  	[smem:$0x3FB6] =	sst s10  }
0x35: {  	s10 =	sld [smem:$0x3FB5];
	_ =	sdelay $0x3  }
0x36: {  	p1 =	seq.s32 s10, $0x1;
	s10 =	sld [smem:$0x3FB6];
	_ =	sdelay $0x3  }
0x37: {  	[smem:$0x3FB6] =	sst s10  }
0x38: {  	s10 =	sld [smem:$0x3FB7]  }
0x39: {  	_ = 	snop;
	(pc) =	sbr.ind lr, $3  }
0x3a: {  	_ = 	snop  }
0x3b: {  	_ = 	snop  }
0x3c: {  	p2 =	seq.s32 s10, $0x1;
	s10 =	sld [smem:$0x3FB6]  }
0x3d: {  	_ =	shalt  }
0x3e: {  	_ =	shalt  }
0x3f: {  	_ =	shalt  }
0x40: {  	_ =	shalt  }
0x41: {  	_ =	shalt  }
0x42: {  	_ =	shalt  }
0x43: {  	_ =	shalt  }
0x44: {  	_ =	shalt  }
0x45: {  	_ =	shalt  }
0x46: {  	_ =	shalt  }
0x47: {  	_ =	shalt  }
0x48: {  	_ =	shalt  }
0x49: {  	_ =	shalt  }
0x4a: {  	_ =	shalt  }
0x4b: {  	_ =	shalt  }
0x4c: {  	_ =	shalt  }
0x4d: {  	_ =	shalt  }
0x4e: {  	_ =	shalt  }
0x4f: {  	_ =	shalt  }
0x50: {  	_ =	shalt  }
0x51: {  	_ =	shalt  }
0x52: {  	_ =	shalt  }
0x53: {  	_ =	shalt  }
0x54: {  	_ =	shalt  }
0x55: {  	_ =	shalt  }
0x56: {  	_ =	shalt  }
0x57: {  	_ =	shalt  }
0x58: {  	_ =	shalt  }
0x59: {  	_ =	shalt  }
0x5a: {  	_ =	shalt  }
0x5b: {  	_ =	shalt  }
0x5c: {  	_ =	shalt  }
0x5d: {  	_ =	shalt  }
0x5e: {  	_ =	shalt  }
0x5f: {  	_ =	shalt  }
0x60: {  	_ =	shalt  }
0x61: {  	_ =	shalt  }
0x62: {  	_ =	shalt  }
0x63: {  	_ =	shalt  }
0x64: {  	_ =	shalt  }
0x65: {  	_ =	shalt  }
0x66: {  	_ =	shalt  }
0x67: {  	_ =	shalt  }
0x68: {  	_ =	shalt  }
0x69: {  	_ =	shalt  }
0x6a: {  	_ =	shalt  }
0x6b: {  	_ =	shalt  }
0x6c: {  	_ =	shalt  }
0x6d: {  	_ =	shalt  }
0x6e: {  	_ =	shalt  }
0x6f: {  	_ =	shalt  }
0x70: {  	_ =	shalt  }
0x71: {  	_ =	shalt  }
0x72: {  	_ =	shalt  }
0x73: {  	_ =	shalt  }
0x74: {  	_ =	shalt  }
0x75: {  	_ =	shalt  }
0x76: {  	_ =	shalt  }
0x77: {  	_ =	shalt  }
0x78: {  	_ =	shalt  }
0x79: {  	_ =	shalt  }
0x7a: {  	_ =	shalt  }
0x7b: {  	_ =	shalt  }
0x7c: {  	_ =	shalt  }
0x7d: {  	_ =	shalt  }
0x7e: {  	_ =	shalt  }
0x7f: {  	_ =	shalt  }
0x80: {  	_ =	shalt  }
0x81: {  	_ =	shalt  }
0x82: {  	_ =	shalt  }
0x83: {  	_ =	shalt  }
0x84: {  	_ =	shalt  }
0x85: {  	_ =	shalt  }
0x86: {  	_ =	shalt  }
0x87: {  	_ =	shalt  }
.Lfunc_end0:
.L_simem_size_0:
called_computation.2_lowered:
.L_overlay_start_0:
0x88: {  	s2 =	sld [smem:$0x3FD9]  }
0x89: {  	s3 =	sld [smem:$0x3FFE];
	_ =	sdelay $0x1  }
0x8a: {  	s1 =	srdreg.scid  }
0x8b: {  	s0 =	sand.u32 $0x1, s1  }
0x8c: {  	s17 =	sshll.u32 s0, $0xA;
	s2 =	sadd.s32 s3, s2  }
0x8d: {  	s2 =	sadd.s32 s2, s17  }
0x8e: {  	[smem:$0x3FC2] =	sst s2  }
0x8f: {  	_ = 	snop  }
0x90: {  	s2 =	sld [smem:$0x3FD0];
	(tm) =	ssettm $0x1  }
0x91: {  	s18 =	sld [smem:$0x3FFB];
	_ =	sdelay $0x3  }
0x92: {  	_ =	strace s18  }
0x93: {  	s3 =	sld [smem:$0x3FFC];
	_ =	sdelay $0x3  }
0x94: {  	_ =	strace s3  }
0x95: {  	s3 =	sld [smem:$0x3FFD];
	_ =	sdelay $0x3  }
0x96: {  	_ =	strace s3  }
0x97: {  	_ =	strace $0x8FFFFFFF  }
0x98: {  	s19 =	sld [smem:$0x3FDB];
	_ =	sdelay $0x1  }
0x99: {  	s4 =	simm.s32 $_scs_section_size  }
0x9a: {  	s5 =	simm.s32 $_size__tile_overlayer_lowered;
	s6 =	simm.s32 $_tile_overlayer_lowered  }
0x9b: {  	s22 =	simm.s32 $0x1BFF;
	s21 =	sshll.u32 s6, $0x1;
	s3 =	sadd.s32 s4, s19  }
0x9c: {  	s7 =	simm.s32 $0x0;
	s20 =	sshll.u32 s5, $0x1;
	s5 =	sadd.s32 s21, s3  }
0x9d: {  	[timem:s7], [sflag:s22] =	dma.local [hbm:s5], s20  }
0x9e: {  	_ =	swait.ge [sflag:s22], s20  }
0x9f: {  	s4 =	ssub.s32 $0x0, s20;
	[sflag:s22] =	ssyncset.done $0x0  }
0xa0: {  	[sflag:s22] =	ssyncadd.s32 s4;
	_ =	sdelay $0x1  }
0xa1: {  	s23 =	simm.s32 $0x1B8B  }
0xa2: {  	_ =	swait.ge [sflag:s23], $0x1  }
0xa3: {  	[sflag:s23] =	ssyncset.done $0x0  }
0xa4: {  	s25 =	simm.s32 $0x1B8E;
	s24 =	sld [smem:$0x3FFE];
	[sflag:s23] =	ssyncadd.s32 $0xFFFFFFFF  }
0xa5: {  	s26 =	simm.s32 $execute0_lowered;
	[smem:$0x3FD2] =	sst s25  }
0xa6: {  	s5 =	sshll.u32 s26, $0x1;
	_ =	strace $0x8000004C;
	[dreg:$0x1] =	wrdreg $0xFFFFFFFF  }
0xa7: {  	s28 =	simm.s32 $_size_execute0_lowered;
	s3 =	sadd.s32 s3, s5;
	[dreg:$0x0] =	wrdreg $0x0  }
0xa8: {  	s5 =	sshll.u32 s28, $0x1;
	[dreg:$0x2] =	wrdreg s3  }
0xa9: {  	[dreg:$0x3] =	wrdreg s5  }
0xaa: {  	[dreg:$0x4] =	wrdreg $0xC0  }
0xab: {  	_ =	task [dreg:s7], $0x5FFFF  }
0xac: {  	[dreg:$0x1] =	wrdreg $0xFFFFFFFF  }
0xad: {  	[dreg:$0x0] =	wrdreg $0x60  }
0xae: {  	[dreg:$0x2] =	wrdreg s2  }
0xaf: {  	[dreg:$0x3] =	wrdreg s24  }
0xb0: {  	[dreg:$0x4] =	wrdreg $0x24000  }
0xb1: {  	[dreg:$0x5] =	wrdreg $0x9  }
0xb2: {  	_ =	task.clear_ibuf [dreg:s7], $0x6FFFF;
	_ =	strace $0x9000004C  }
0xb3: {  	s29 =	simm.s32 $0x9;
	_ =	strace $0x8000004E  }
0xb4: {  	_ =	swait.ge [sflag:s29], $0x1  }
0xb5: {  	[sflag:s29] =	ssyncadd.s32 $0xFFFFFFFF  }
0xb6: {  	_ =	strace $0x9000004E  }
0xb7: {  	_ =	sfence  }
0xb8: {  	s30 =	sld [smem:$0x0];
	_ =	sdelay $0x2  }
0xb9: {  	s31 =	sshll.u32 s1, $0xD;
	s1 =	sshrl.u32 s1, $0x2  }
0xba: {  	s3 =	sand.u32 $0x4000, s31;
	s1 =	sadd.s32 s1, s30  }
0xbb: {  	s0 =	sor.u32 s3, s0;
	s1 =	sshll.u32 s1, $0x11  }
0xbc: {  	s0 =	sor.u32 s1, s0  }
0xbd: {  	s0 =	sadd.s32 $0x8F2B, s0  }
0xbe: {  	[sflag:s0] =	ssyncadd.remote.s32 $0x1  }
0xbf: {  	_ =	sfence.sel $0xFFFF  }
0xc0: {  	[dreg:$0x0] =	wrdreg $0xFFFFFFFF;
	(pc) =	sbr.abs _section_cstart, $3  }
0xc1: {  	[dreg:$0x1] =	wrdreg $0xFFFFFFFF  }
0xc2: {  	_ =	task.clear_ibuf [dreg:s7], $0x2FFFF;
	_ =	strace $0x9FFFFFFF  }
0xc3: {  	(tm) =	ssettm $0x7FFFFFFF  }
tec
execute0_lowered:
.L_overlay_start_1:
0x0: {  	(tag) =	ssettag $0x1  }
0x1: {  	s1 =	rddreg [dreg:$0x0]  }
0x2: {  	s0 =	rddreg [dreg:$0x1];
	s2 =	srdreg.scid  }
0x3: {  	s13 =	stileid.u32;
	s3 =	rddreg [dreg:$0x2];
	s4 =	simm.s32 $0x0  }
0x4: {  	s28 =	simm.s32 $0x380;
	s29 =	simm.s32 $0x2;
	s6 =	smul.u32 $0xA000, s13  }
0x5: {  	s30 =	simm.s32 $0x1400;
	s31 =	simm.s32 $0x5;
	s20 =	smul.u32 $0x14000, s13  }
0x6: {  	s2 =	sand.u32 $0x1, s2;
	[smem:$0x7FF] =	sst s4;
	s22 =	smul.u32 $0x1400, s13  }
0x7: {  	s7 =	sadd.s32 $0x1200, s0;
	s8 =	sadd.s32 $0x6200, s0;
	s5 =	smul.u32 $0xA0000, s2  }
0x8: {  	_ =	strace $0x8000004D;
	s9 =	ssub.s32 $0x2, s2;
	s10 =	sshll.u32 s2, $0x4  }
0x9: {  	p0 =	seq.s32 s2, $0x1;
	s2 =	smul.u32 $0x14000, s2;
	s18 =	sshrl.u32 s9, $0x1  }
0xa: {  	s19 =	sor.u32 s13, s10;
	s11 =	sshrl.u32 s6, $0x1;
	s10 =	sshrl.u32 s20, $0x2  }
0xb: {  	s5 =	sadd.s32 s6, s5;
	s9 =	ssub.s32 s9, s18;
	s12 =	smul.u32 $0x1400, s19  }
0xc: {  	s6 =	sshrl.u32 s6, $0x4;
	s21 =	sadd.s32 s10, s3;
	s2 =	sadd.s32 s22, s2  }
0xd: {  	s5 =	sshrl.u32 s5, $0x4;
	s6 =	sadd.s32 s1, s6;
	s23 =	sadd.s32 $0x1000, s21  }
0xe: {  	s24 =	sadd.s32 $0x2000, s21;
	s25 =	sadd.s32 $0x3000, s21;
	[dreg:$0xc] =	wrdreg s21  }
0xf: {  	s13 =	sor.u32 $0x280, s2;
	s17 =	sor.u32 $0x200, s2;
	[dreg:$0xd] =	wrdreg s6  }
0x10: {  	s20 =	sor.u32 $0x180, s2;
	s2 =	sor.u32 $0x100, s2;
	[dreg:$0xe] =	wrdreg s23  }
0x11: {  	s0 =	sadd.s32 s5, s0;
	s5 =	sadd.s32 s11, s3;
	[dreg:$0xf] =	wrdreg s24  }
0x12: {  	[dreg:$0x10] =	wrdreg s25;
	s26 =	sshrl.u32 s12, $0x3;
	s11 =	sadd.s32 $0x4000, s21  }
0x13: {  	s10 =	sshrl.u32 s13, $0x3;
	s18 =	sshrl.u32 s17, $0x3;
	s22 =	sshrl.u32 s20, $0x3  }
0x14: {  	s2 =	sshrl.u32 s2, $0x3;
	[dreg:$0x11] =	wrdreg s11;
	s12 =	sadd.s32 s7, s26  }
0x15: {  	s17 =	smax.u32 s9, $0x1;
	s14 =	sadd.s32 s8, s26;
	[dreg:$0x12] =	wrdreg s12  }
0x16: {  	s20 =	simm.s32 $0x200;
	s16 =	sadd.s32 s10, s8;
	[dreg:$0x13] =	wrdreg s14  }
0x17: {  	s9 =	simm.s32 $0x8;
	s10 =	sadd.s32 s10, s7;
	[dreg:$0x4] =	wrdreg s16  }
0x18: {  	s6 =	sor.u32 $0x10, s26;
	s19 =	sadd.s32 s18, s8;
	[dreg:$0x5] =	wrdreg s10  }
0x19: {  	s21 =	sadd.s32 s18, s7;
	s23 =	sadd.s32 s22, s8;
	[dreg:$0x6] =	wrdreg s19  }
0x1a: {  	s24 =	sadd.s32 s22, s7;
	s25 =	sadd.s32 s2, s8;
	[dreg:$0x7] =	wrdreg s21  }
0x1b: {  	s0 =	sadd.s32 $0xB200, s0;
	s26 =	sadd.s32 s2, s7;
	[dreg:$0x8] =	wrdreg s23  }
0x1c: {  	s18 =	simm.s32 $0x400;
	s22 =	simm.s32 $0x280;
	[dreg:$0x9] =	wrdreg s24  }
0x1d: {  	s2 =	simm.s32 $0x7;
	s11 =	simm.s32 $0x0;
	[dreg:$0x16] =	wrdreg s0  }
0x1e: {  	s15 =	sadd.s32 s7, s6;
	s6 =	sadd.s32 s8, s6;
	[dreg:$0xa] =	wrdreg s25  }
0x1f: {  	[dreg:$0xb] =	wrdreg s26;
	s19 =	simm.s32 $0x9;
	s21 =	simm.s32 $0x80  }
0x20: {  	s23 =	simm.s32 $0x100;
	s24 =	simm.s32 $0x300;
	s25 =	simm.s32 $0x1  }
0x21: {  	s26 =	simm.s32 $0x180;
	s7 =	simm.s32 $0x3;
	[dreg:$0x14] =	wrdreg s15  }
0x22: {  	v0 =	vimm.bf16 $0.0e+00;
	s8 =	simm.s32 $0x6;
	s10 =	simm.s32 $0x4;
	[dreg:$0x15] =	wrdreg s6  }
.LBB2_1:
.Ltmp0:
0x23: {  	(pc) =	sbr.rel @!p0 .LBB2_2-.Ltmp0, $1  }
0x24: {  	_ =	sdelay $0x3  }
0x25: {  	s0 =	simm.s32 $0x80;
	s6 =	simm.s32 $0x0  }
.LBB2_4:
0x26: {  	p1 =	sne.s32 s0, $0x3F80;
	[tilespmem:s6+$0x400] =	vst v0;
	s12 =	smov.u32 s0;
	s0 =	sadd.s32 $0x80, s0  }
.Ltmp1:
0x27: {  	[tilespmem:s6+$0x410] =	vst v0;
	(pc) =	sbr.rel @p1 .LBB2_4-.Ltmp1, $2  }
0x28: {  	_ =	sdelay $0x2  }
0x29: {  	s6 =	sshra.s32 s12, $0x2  }
0x2a: {  	[tilespmem:s6+$0x400] =	vst v0  }
0x2b: {  	[tilespmem:s6+$0x410] =	vst v0;
	s0 =	rddreg [dreg:$0xc]  }
0x2c: {  	[spmem:s0] =	stream.linear.scatter [tilespmem:s18], [sflag:$0x9], $0x1000, $0x38;
	[tilespmem:$0x7400] =	vst v63  }
0x2d: {  	_ =	swait.ge [sflag:s19], $0x1000  }
0x2e: {  	[sflag:s19] =	ssyncset.done $0x0  }
0x2f: {  	s13 =	rddreg [dreg:$0xe];
	[sflag:s19] =	ssyncadd.s32 $0xFFFFF000  }
0x30: {  	[spmem:s13] =	stream.linear.scatter [tilespmem:s18], [sflag:$0x9], $0x1000, $0x38;
	[tilespmem:$0x7400] =	vst v63  }
0x31: {  	_ =	swait.ge [sflag:s19], $0x1000  }
0x32: {  	[sflag:s19] =	ssyncset.done $0x0  }
0x33: {  	s14 =	rddreg [dreg:$0xf];
	[sflag:s19] =	ssyncadd.s32 $0xFFFFF000  }
0x34: {  	[spmem:s14] =	stream.linear.scatter [tilespmem:s18], [sflag:$0x9], $0x1000, $0x38;
	[tilespmem:$0x7400] =	vst v63  }
0x35: {  	_ =	swait.ge [sflag:s19], $0x1000  }
0x36: {  	[sflag:s19] =	ssyncset.done $0x0  }
0x37: {  	s15 =	rddreg [dreg:$0x10];
	[sflag:s19] =	ssyncadd.s32 $0xFFFFF000  }
0x38: {  	[spmem:s15] =	stream.linear.scatter [tilespmem:s18], [sflag:$0x9], $0x1000, $0x38;
	[tilespmem:$0x7400] =	vst v63  }
0x39: {  	_ =	swait.ge [sflag:s19], $0x1000  }
0x3a: {  	[sflag:s19] =	ssyncset.done $0x0  }
.Ltmp2:
0x3b: {  	s16 =	rddreg [dreg:$0x11];
	[sflag:s19] =	ssyncadd.s32 $0xFFFFF000;
	(pc) =	sbr.rel .LBB2_6-.Ltmp2, $4  }
0x3c: {  	[spmem:s16] =	stream.linear.scatter [tilespmem:s18], [sflag:$0x9], $0x1000, $0x38;
	[tilespmem:$0x7400] =	vst v63  }
0x3d: {  	_ =	swait.ge [sflag:s19], $0x1000  }
0x3e: {  	[sflag:s19] =	ssyncset.done $0x0  }
0x3f: {  	[sflag:s19] =	ssyncadd.s32 $0xFFFFF000  }
.LBB2_2:
0x40: {  	s0 =	stileid.u32  }
0x41: {  	s0 =	sshll.u32 s0, $0x6  }
0x42: {  	s6 =	sshrl.u32 s5, $0x3;
	s12 =	rddreg [dreg:$0xd];
	s0 =	sor.u32 $0x1C09, s0  }
0x43: {  	[spmem:s6], [sflag:s0] =	dma.local [hbm:s12], $0xA00  }
0x44: {  	_ =	swait.ge [sflag:s19], $0xA00  }
0x45: {  	[sflag:s19] =	ssyncset.done $0x0  }
0x46: {  	[sflag:s19] =	ssyncadd.s32 $0xFFFFF600  }
.LBB2_6:
0x47: {  	[bflag:$0x0] =	sbarrier.arrive $0xFFFF  }
0x48: {  	s0 =	simm.s32 $0x0;
	s6 =	rddreg [dreg:$0x12]  }
0x49: {  	[tilespmem:s0], [sflag:$0x1] =	stream.linear.gather [hbm4b:s6+s0], $0x80, $0x38;
	[tilespmem:$0x7400] =	vst v63  }
0x4a: {  	s13 =	rddreg [dreg:$0x13]  }
0x4b: {  	[tilespmem:s20], [sflag:$0x1] =	stream.linear.gather [hbm4b:s13+s0], $0x80, $0x38;
	[tilespmem:$0x7400] =	vst v63  }
0x4c: {  	s14 =	rddreg [dreg:$0x14]  }
0x4d: {  	[tilespmem:s21], [sflag:$0x2] =	stream.linear.gather [hbm4b:s14+s0], $0x80, $0x38;
	[tilespmem:$0x7400] =	vst v63  }
0x4e: {  	p1 =	por $0x1, $0x1;
	s15 =	rddreg [dreg:$0x15]  }
0x4f: {  	[tilespmem:s22], [sflag:$0x2] =	stream.linear.gather [hbm4b:s15+s0], $0x80, $0x38;
	[tilespmem:$0x7400] =	vst v63  }
0x50: {  	s0 =	simm.s32 @!p1 $0x7  }
0x51: {  	_ =	swait.ge @!p1 [sflag:s0], $0x1000  }
0x52: {  	s16 =	rddreg [dreg:$0xb];
	[sflag:s0] =	ssyncset.done @!p1 $0x0  }
0x53: {  	s12 =	rddreg [dreg:$0xa];
	[sflag:s0] =	ssyncadd.s32 @!p1 $0xFFFFF000;
	s6 =	sadd.s32 $0x0, s16  }
0x54: {  	[tilespmem:s23], [sflag:$0x3] =	stream.linear.gather [hbm4b:s6+s4], $0x80, $0x38;
	[tilespmem:$0x7400] =	vst v63  }
0x55: {  	s13 =	sadd.s32 $0x0, s12  }
0x56: {  	[tilespmem:s24], [sflag:$0x3] =	stream.linear.gather [hbm4b:s13+s4], $0x80, $0x38;
	[tilespmem:$0x7400] =	vst v63  }
0x57: {  	_ =	swait.ge [sflag:s25], $0x80  }
0x58: {  	[sflag:s25] =	ssyncset.done $0x0  }
0x59: {  	[sflag:s25] =	ssyncadd.s32 $0xFFFFFF80  }
0x5a: {  	_ =	swait.ge [sflag:s25], $0x80  }
0x5b: {  	[sflag:s25] =	ssyncset.done $0x0  }
0x5c: {  	s0 =	simm.s32 @!p1 $0x6;
	[sflag:s25] =	ssyncadd.s32 $0xFFFFFF80  }
0x5d: {  	[tilespmem:s18], [sflag:$0x5] =	stream.indirect.gather [hbm4b:s1+s21], $0x20, s4, s21, $0xb8;
	[tilespmem:$0x7400] =	vst v63  }
0x5e: {  	_ =	swait.ge @!p1 [sflag:s0], $0x1000  }
0x5f: {  	s12 =	simm.s32 @!p1 $0x8;
	s6 =	simm.s32 @!p1 $0x1400;
	[sflag:s0] =	ssyncset.done @!p1 $0x0  }
0x60: {  	s13 =	simm.s32 @!p1 $0x380;
	[sflag:s0] =	ssyncadd.s32 @!p1 $0xFFFFF000;
	s0 =	simm.s32 @!p1 $0x80  }
0x61: {  	[spmem:s3] =	stream.indirect.scatter.add.bf16 @!p1 [tilespmem:s6], [sflag:$0x8], $0x20, s13, s0, $0xb8;
	[tilespmem:$0x7400] =	vst v63  }
0x62: {  	_ =	swait.ge @!p1 [sflag:s12], $0x1000  }
0x63: {  	s14 =	rddreg [dreg:$0x9];
	[sflag:s12] =	ssyncset.done @!p1 $0x0  }
0x64: {  	s15 =	rddreg [dreg:$0x8];
	[sflag:s12] =	ssyncadd.s32 @!p1 $0xFFFFF000;
	s0 =	sadd.s32 $0x0, s14  }
0x65: {  	[tilespmem:s26], [sflag:$0x4] =	stream.linear.gather [hbm4b:s0+s4], $0x80, $0x38;
	[tilespmem:$0x7400] =	vst v63  }
0x66: {  	s16 =	sadd.s32 $0x0, s15  }
0x67: {  	[tilespmem:s28], [sflag:$0x4] =	stream.linear.gather [hbm4b:s16+s4], $0x80, $0x38;
	[tilespmem:$0x7400] =	vst v63  }
0x68: {  	_ =	swait.ge [sflag:s29], $0x80  }
0x69: {  	[sflag:s29] =	ssyncset.done $0x0  }
0x6a: {  	[sflag:s29] =	ssyncadd.s32 $0xFFFFFF80  }
0x6b: {  	_ =	swait.ge [sflag:s29], $0x80  }
0x6c: {  	[sflag:s29] =	ssyncset.done $0x0  }
0x6d: {  	[sflag:s29] =	ssyncadd.s32 $0xFFFFFF80  }
0x6e: {  	[tilespmem:s30], [sflag:$0x6] =	stream.indirect.gather [hbm4b:s1+s21], $0x20, s21, s21, $0xb8;
	[tilespmem:$0x7400] =	vst v63  }
0x6f: {  	_ =	swait.ge [sflag:s31], $0x1000  }
0x70: {  	[sflag:s31] =	ssyncset.done $0x0  }
0x71: {  	[sflag:s31] =	ssyncadd.s32 $0xFFFFF000  }
0x72: {  	[spmem:s3] =	stream.indirect.scatter.add.bf16 [tilespmem:s18], [sflag:$0x7], $0x20, s20, s21, $0xb8;
	[tilespmem:$0x7400] =	vst v63  }
0x73: {  	p1 =	por $0x0, $0x0;
	_ =	swait.ge [sflag:s2], $0x1000  }
0x74: {  	s12 =	simm.s32 @!p1 $0x0;
	s0 =	rddreg [dreg:$0x7];
	[sflag:s2] =	ssyncset.done $0x0  }
0x75: {  	s6 =	rddreg [dreg:$0x6];
	[sflag:s2] =	ssyncadd.s32 $0xFFFFF000;
	s0 =	sadd.s32 @!p1 $0x0, s0  }
0x76: {  	[tilespmem:s12], [sflag:$0x1] =	stream.linear.gather @!p1 [hbm4b:s0+s12], $0x80, $0x38;
	[tilespmem:$0x7400] =	vst v63  }
0x77: {  	s0 =	sadd.s32 @!p1 $0x0, s6;
	s6 =	simm.s32 @!p1 $0x200  }
0x78: {  	[tilespmem:s6], [sflag:$0x1] =	stream.linear.gather @!p1 [hbm4b:s0+s12], $0x80, $0x38;
	[tilespmem:$0x7400] =	vst v63  }
0x79: {  	_ =	swait.ge [sflag:s7], $0x80  }
0x7a: {  	[sflag:s7] =	ssyncset.done $0x0  }
0x7b: {  	[sflag:s7] =	ssyncadd.s32 $0xFFFFFF80  }
0x7c: {  	_ =	swait.ge [sflag:s7], $0x80  }
0x7d: {  	[sflag:s7] =	ssyncset.done $0x0  }
0x7e: {  	[sflag:s7] =	ssyncadd.s32 $0xFFFFFF80  }
0x7f: {  	[tilespmem:s18], [sflag:$0x5] =	stream.indirect.gather [hbm4b:s1+s21], $0x20, s23, s21, $0xb8;
	[tilespmem:$0x7400] =	vst v63  }
0x80: {  	_ =	swait.ge [sflag:s8], $0x1000  }
0x81: {  	[sflag:s8] =	ssyncset.done $0x0  }
0x82: {  	[sflag:s8] =	ssyncadd.s32 $0xFFFFF000  }
0x83: {  	[spmem:s3] =	stream.indirect.scatter.add.bf16 [tilespmem:s30], [sflag:$0x8], $0x20, s22, s21, $0xb8;
	[tilespmem:$0x7400] =	vst v63  }
0x84: {  	_ =	swait.ge [sflag:s9], $0x1000  }
0x85: {  	s13 =	simm.s32 @!p1 $0x80;
	s0 =	rddreg [dreg:$0x5];
	[sflag:s9] =	ssyncset.done $0x0  }
0x86: {  	s6 =	rddreg [dreg:$0x4];
	[sflag:s9] =	ssyncadd.s32 $0xFFFFF000;
	s0 =	sadd.s32 @!p1 $0x0, s0  }
0x87: {  	[tilespmem:s13], [sflag:$0x2] =	stream.linear.gather @!p1 [hbm4b:s0+s12], $0x80, $0x38;
	[tilespmem:$0x7400] =	vst v63  }
0x88: {  	s0 =	sadd.s32 @!p1 $0x0, s6;
	s6 =	simm.s32 @!p1 $0x280  }
0x89: {  	[tilespmem:s6], [sflag:$0x2] =	stream.linear.gather @!p1 [hbm4b:s0+s12], $0x80, $0x38;
	[tilespmem:$0x7400] =	vst v63  }
0x8a: {  	_ =	swait.ge [sflag:s10], $0x80  }
0x8b: {  	[sflag:s10] =	ssyncset.done $0x0  }
0x8c: {  	[sflag:s10] =	ssyncadd.s32 $0xFFFFFF80  }
0x8d: {  	_ =	swait.ge [sflag:s10], $0x80  }
0x8e: {  	[sflag:s10] =	ssyncset.done $0x0  }
0x8f: {  	[sflag:s10] =	ssyncadd.s32 $0xFFFFFF80  }
0x90: {  	[tilespmem:s30], [sflag:$0x6] =	stream.indirect.gather [hbm4b:s1+s21], $0x20, s26, s21, $0xb8;
	[tilespmem:$0x7400] =	vst v63  }
0x91: {  	p2 =	por $0x0, $0x0;
	_ =	swait.ge [sflag:s31], $0x1000  }
0x92: {  	s6 =	simm.s32 $0x40;
	s0 =	simm.s32 $0x80;
	[sflag:s31] =	ssyncset.done $0x0  }
.LBB2_7:
0x93: {  	s13 =	simm.s32 @!p2 $0x7;
	[sflag:s31] =	ssyncadd.s32 $0xFFFFF000  }
0x94: {  	[spmem:s3] =	stream.indirect.scatter.add.bf16 [tilespmem:s18], [sflag:$0x7], $0x20, s24, s21, $0xb8;
	[tilespmem:$0x7400] =	vst v63  }
0x95: {  	_ =	swait.ge @!p2 [sflag:s13], $0x1000  }
0x96: {  	[sflag:s13] =	ssyncset.done @!p2 $0x0;
	s14 =	rddreg [dreg:$0xb]  }
0x97: {  	s16 =	rddreg [dreg:$0xa];
	[sflag:s13] =	ssyncadd.s32 @!p2 $0xFFFFF000;
	s14 =	sadd.s32 s6, s14  }
0x98: {  	[tilespmem:s23], [sflag:$0x3] =	stream.linear.gather [hbm4b:s14+s4], $0x80, $0x38;
	[tilespmem:$0x7400] =	vst v63  }
0x99: {  	s13 =	sadd.s32 s6, s16  }
0x9a: {  	[tilespmem:s24], [sflag:$0x3] =	stream.linear.gather [hbm4b:s13+s4], $0x80, $0x38;
	[tilespmem:$0x7400] =	vst v63  }
0x9b: {  	_ =	swait.ge [sflag:s25], $0x80  }
0x9c: {  	[sflag:s25] =	ssyncset.done $0x0  }
0x9d: {  	[sflag:s25] =	ssyncadd.s32 $0xFFFFFF80  }
0x9e: {  	_ =	swait.ge [sflag:s25], $0x80  }
0x9f: {  	[sflag:s25] =	ssyncset.done $0x0  }
0xa0: {  	s13 =	simm.s32 @!p2 $0x6;
	[sflag:s25] =	ssyncadd.s32 $0xFFFFFF80  }
0xa1: {  	[tilespmem:s18], [sflag:$0x5] =	stream.indirect.gather [hbm4b:s1+s21], $0x20, s4, s21, $0xb8;
	[tilespmem:$0x7400] =	vst v63  }
0xa2: {  	_ =	swait.ge @!p2 [sflag:s13], $0x1000  }
0xa3: {  	s15 =	simm.s32 @!p2 $0x8;
	s16 =	simm.s32 @!p2 $0x380;
	[sflag:s13] =	ssyncset.done @!p2 $0x0  }
0xa4: {  	s14 =	simm.s32 @!p2 $0x1400;
	[sflag:s13] =	ssyncadd.s32 @!p2 $0xFFFFF000;
	s13 =	simm.s32 @!p2 $0x80  }
0xa5: {  	[spmem:s3] =	stream.indirect.scatter.add.bf16 @!p2 [tilespmem:s14], [sflag:$0x8], $0x20, s16, s13, $0xb8;
	[tilespmem:$0x7400] =	vst v63  }
0xa6: {  	_ =	swait.ge @!p2 [sflag:s15], $0x1000  }
0xa7: {  	s14 =	rddreg [dreg:$0x9];
	[sflag:s15] =	ssyncset.done @!p2 $0x0  }
0xa8: {  	s16 =	rddreg [dreg:$0x8];
	[sflag:s15] =	ssyncadd.s32 @!p2 $0xFFFFF000;
	s13 =	sadd.s32 s6, s14  }
0xa9: {  	[tilespmem:s26], [sflag:$0x4] =	stream.linear.gather [hbm4b:s13+s4], $0x80, $0x38;
	[tilespmem:$0x7400] =	vst v63  }
0xaa: {  	s16 =	sadd.s32 s6, s16  }
0xab: {  	[tilespmem:s28], [sflag:$0x4] =	stream.linear.gather [hbm4b:s16+s4], $0x80, $0x38;
	[tilespmem:$0x7400] =	vst v63  }
0xac: {  	_ =	swait.ge [sflag:s29], $0x80  }
0xad: {  	[sflag:s29] =	ssyncset.done $0x0  }
0xae: {  	[sflag:s29] =	ssyncadd.s32 $0xFFFFFF80  }
0xaf: {  	_ =	swait.ge [sflag:s29], $0x80  }
0xb0: {  	[sflag:s29] =	ssyncset.done $0x0  }
0xb1: {  	[sflag:s29] =	ssyncadd.s32 $0xFFFFFF80  }
0xb2: {  	[tilespmem:s30], [sflag:$0x6] =	stream.indirect.gather [hbm4b:s1+s21], $0x20, s21, s21, $0xb8;
	[tilespmem:$0x7400] =	vst v63  }
0xb3: {  	_ =	swait.ge [sflag:s31], $0x1000  }
0xb4: {  	[sflag:s31] =	ssyncset.done $0x0  }
0xb5: {  	[sflag:s31] =	ssyncadd.s32 $0xFFFFF000  }
0xb6: {  	[spmem:s3] =	stream.indirect.scatter.add.bf16 [tilespmem:s18], [sflag:$0x7], $0x20, s20, s21, $0xb8;
	[tilespmem:$0x7400] =	vst v63  }
0xb7: {  	p2 =	seq.s32 s6, $0x240;
	_ =	swait.ge [sflag:s2], $0x1000  }
0xb8: {  	s15 =	simm.s32 @!p2 $0x0;
	s13 =	rddreg [dreg:$0x7];
	[sflag:s2] =	ssyncset.done $0x0  }
0xb9: {  	s14 =	rddreg [dreg:$0x6];
	[sflag:s2] =	ssyncadd.s32 $0xFFFFF000;
	s13 =	sadd.s32 @!p2 s6, s13  }
0xba: {  	[tilespmem:s15], [sflag:$0x1] =	stream.linear.gather @!p2 [hbm4b:s13+s15], $0x80, $0x38;
	[tilespmem:$0x7400] =	vst v63  }
0xbb: {  	s13 =	sadd.s32 @!p2 s6, s14;
	s14 =	simm.s32 @!p2 $0x200  }
0xbc: {  	[tilespmem:s14], [sflag:$0x1] =	stream.linear.gather @!p2 [hbm4b:s13+s15], $0x80, $0x38;
	[tilespmem:$0x7400] =	vst v63  }
0xbd: {  	_ =	swait.ge [sflag:s7], $0x80  }
0xbe: {  	[sflag:s7] =	ssyncset.done $0x0  }
0xbf: {  	[sflag:s7] =	ssyncadd.s32 $0xFFFFFF80  }
0xc0: {  	_ =	swait.ge [sflag:s7], $0x80  }
0xc1: {  	[sflag:s7] =	ssyncset.done $0x0  }
0xc2: {  	[sflag:s7] =	ssyncadd.s32 $0xFFFFFF80  }
0xc3: {  	[tilespmem:s18], [sflag:$0x5] =	stream.indirect.gather [hbm4b:s1+s21], $0x20, s23, s21, $0xb8;
	[tilespmem:$0x7400] =	vst v63  }
0xc4: {  	_ =	swait.ge [sflag:s8], $0x1000  }
0xc5: {  	[sflag:s8] =	ssyncset.done $0x0  }
0xc6: {  	[sflag:s8] =	ssyncadd.s32 $0xFFFFF000  }
0xc7: {  	[spmem:s3] =	stream.indirect.scatter.add.bf16 [tilespmem:s30], [sflag:$0x8], $0x20, s22, s21, $0xb8;
	[tilespmem:$0x7400] =	vst v63  }
0xc8: {  	_ =	swait.ge [sflag:s9], $0x1000  }
0xc9: {  	s16 =	simm.s32 @!p2 $0x80;
	s13 =	rddreg [dreg:$0x5];
	[sflag:s9] =	ssyncset.done $0x0  }
0xca: {  	s14 =	rddreg [dreg:$0x4];
	[sflag:s9] =	ssyncadd.s32 $0xFFFFF000;
	s13 =	sadd.s32 @!p2 s6, s13  }
0xcb: {  	[tilespmem:s16], [sflag:$0x2] =	stream.linear.gather @!p2 [hbm4b:s13+s15], $0x80, $0x38;
	[tilespmem:$0x7400] =	vst v63  }
0xcc: {  	s13 =	sadd.s32 @!p2 s6, s14;
	s14 =	simm.s32 @!p2 $0x280  }
0xcd: {  	[tilespmem:s14], [sflag:$0x2] =	stream.linear.gather @!p2 [hbm4b:s13+s15], $0x80, $0x38;
	[tilespmem:$0x7400] =	vst v63  }
0xce: {  	_ =	swait.ge [sflag:s10], $0x80  }
0xcf: {  	[sflag:s10] =	ssyncset.done $0x0  }
0xd0: {  	s12 =	smov.u32 s0;
	s0 =	sadd.s32 $0x40, s0;
	[sflag:s10] =	ssyncadd.s32 $0xFFFFFF80  }
0xd1: {  	p1 =	sne.s32 s0, $0x280;
	_ =	swait.ge [sflag:s10], $0x80  }
.Ltmp3:
0xd2: {  	[sflag:s10] =	ssyncset.done $0x0;
	(pc) =	sbr.rel @p1 .LBB2_7-.Ltmp3, $4  }
0xd3: {  	[sflag:s10] =	ssyncadd.s32 $0xFFFFFF80  }
0xd4: {  	[tilespmem:s30], [sflag:$0x6] =	stream.indirect.gather [hbm4b:s1+s21], $0x20, s26, s21, $0xb8;
	[tilespmem:$0x7400] =	vst v63  }
0xd5: {  	s6 =	smov.u32 s12;
	_ =	swait.ge [sflag:s31], $0x1000  }
0xd6: {  	p2 =	seq.s32 s6, $0x0;
	[sflag:s31] =	ssyncset.done $0x0  }
0xd7: {  	s0 =	simm.s32 @!p2 $0x7;
	[sflag:s31] =	ssyncadd.s32 $0xFFFFF000  }
0xd8: {  	[spmem:s3] =	stream.indirect.scatter.add.bf16 [tilespmem:s18], [sflag:$0x7], $0x20, s24, s21, $0xb8;
	[tilespmem:$0x7400] =	vst v63  }
0xd9: {  	_ =	swait.ge @!p2 [sflag:s0], $0x1000  }
0xda: {  	s12 =	rddreg [dreg:$0xb];
	[sflag:s0] =	ssyncset.done @!p2 $0x0  }
0xdb: {  	s13 =	rddreg [dreg:$0xa];
	[sflag:s0] =	ssyncadd.s32 @!p2 $0xFFFFF000;
	s12 =	sadd.s32 s6, s12  }
0xdc: {  	[tilespmem:s23], [sflag:$0x3] =	stream.linear.gather [hbm4b:s12+s4], $0x80, $0x38;
	[tilespmem:$0x7400] =	vst v63  }
0xdd: {  	s14 =	sadd.s32 s6, s13  }
0xde: {  	[tilespmem:s24], [sflag:$0x3] =	stream.linear.gather [hbm4b:s14+s4], $0x80, $0x38;
	[tilespmem:$0x7400] =	vst v63  }
0xdf: {  	_ =	swait.ge [sflag:s25], $0x80  }
0xe0: {  	[sflag:s25] =	ssyncset.done $0x0  }
0xe1: {  	[sflag:s25] =	ssyncadd.s32 $0xFFFFFF80  }
0xe2: {  	_ =	swait.ge [sflag:s25], $0x80  }
0xe3: {  	[sflag:s25] =	ssyncset.done $0x0  }
0xe4: {  	s0 =	simm.s32 @!p2 $0x6;
	[sflag:s25] =	ssyncadd.s32 $0xFFFFFF80  }
0xe5: {  	[tilespmem:s18], [sflag:$0x5] =	stream.indirect.gather [hbm4b:s1+s21], $0x20, s4, s21, $0xb8;
	[tilespmem:$0x7400] =	vst v63  }
0xe6: {  	_ =	swait.ge @!p2 [sflag:s0], $0x1000  }
0xe7: {  	s13 =	simm.s32 @!p2 $0x8;
	s12 =	simm.s32 @!p2 $0x1400;
	[sflag:s0] =	ssyncset.done @!p2 $0x0  }
0xe8: {  	s14 =	simm.s32 @!p2 $0x380;
	[sflag:s0] =	ssyncadd.s32 @!p2 $0xFFFFF000;
	s0 =	simm.s32 @!p2 $0x80  }
0xe9: {  	[spmem:s3] =	stream.indirect.scatter.add.bf16 @!p2 [tilespmem:s12], [sflag:$0x8], $0x20, s14, s0, $0xb8;
	[tilespmem:$0x7400] =	vst v63  }
0xea: {  	_ =	swait.ge @!p2 [sflag:s13], $0x1000  }
0xeb: {  	s15 =	rddreg [dreg:$0x9];
	[sflag:s13] =	ssyncset.done @!p2 $0x0  }
0xec: {  	s16 =	rddreg [dreg:$0x8];
	[sflag:s13] =	ssyncadd.s32 @!p2 $0xFFFFF000;
	s0 =	sadd.s32 s6, s15  }
0xed: {  	[tilespmem:s26], [sflag:$0x4] =	stream.linear.gather [hbm4b:s0+s4], $0x80, $0x38;
	[tilespmem:$0x7400] =	vst v63  }
0xee: {  	s13 =	sadd.s32 s6, s16  }
0xef: {  	[tilespmem:s28], [sflag:$0x4] =	stream.linear.gather [hbm4b:s13+s4], $0x80, $0x38;
	[tilespmem:$0x7400] =	vst v63  }
0xf0: {  	_ =	swait.ge [sflag:s29], $0x80  }
0xf1: {  	[sflag:s29] =	ssyncset.done $0x0  }
0xf2: {  	[sflag:s29] =	ssyncadd.s32 $0xFFFFFF80  }
0xf3: {  	_ =	swait.ge [sflag:s29], $0x80  }
0xf4: {  	[sflag:s29] =	ssyncset.done $0x0  }
0xf5: {  	[sflag:s29] =	ssyncadd.s32 $0xFFFFFF80  }
0xf6: {  	[tilespmem:s30], [sflag:$0x6] =	stream.indirect.gather [hbm4b:s1+s21], $0x20, s21, s21, $0xb8;
	[tilespmem:$0x7400] =	vst v63  }
0xf7: {  	_ =	swait.ge [sflag:s31], $0x1000  }
0xf8: {  	[sflag:s31] =	ssyncset.done $0x0  }
0xf9: {  	[sflag:s31] =	ssyncadd.s32 $0xFFFFF000  }
0xfa: {  	[spmem:s3] =	stream.indirect.scatter.add.bf16 [tilespmem:s18], [sflag:$0x7], $0x20, s20, s21, $0xb8;
	[tilespmem:$0x7400] =	vst v63  }
0xfb: {  	p1 =	seq.s32 s6, $0x240;
	_ =	swait.ge [sflag:s2], $0x1000  }
0xfc: {  	s13 =	simm.s32 @!p1 $0x0;
	s0 =	rddreg [dreg:$0x7];
	[sflag:s2] =	ssyncset.done $0x0  }
0xfd: {  	s12 =	rddreg [dreg:$0x6];
	[sflag:s2] =	ssyncadd.s32 $0xFFFFF000;
	s0 =	sadd.s32 @!p1 s6, s0  }
0xfe: {  	[tilespmem:s13], [sflag:$0x1] =	stream.linear.gather @!p1 [hbm4b:s0+s13], $0x80, $0x38;
	[tilespmem:$0x7400] =	vst v63  }
0xff: {  	s0 =	sadd.s32 @!p1 s6, s12;
	s12 =	simm.s32 @!p1 $0x200  }
0x100: {  	[tilespmem:s12], [sflag:$0x1] =	stream.linear.gather @!p1 [hbm4b:s0+s13], $0x80, $0x38;
	[tilespmem:$0x7400] =	vst v63  }
0x101: {  	_ =	swait.ge [sflag:s7], $0x80  }
0x102: {  	[sflag:s7] =	ssyncset.done $0x0  }
0x103: {  	[sflag:s7] =	ssyncadd.s32 $0xFFFFFF80  }
0x104: {  	_ =	swait.ge [sflag:s7], $0x80  }
0x105: {  	[sflag:s7] =	ssyncset.done $0x0  }
0x106: {  	[sflag:s7] =	ssyncadd.s32 $0xFFFFFF80  }
0x107: {  	[tilespmem:s18], [sflag:$0x5] =	stream.indirect.gather [hbm4b:s1+s21], $0x20, s23, s21, $0xb8;
	[tilespmem:$0x7400] =	vst v63  }
0x108: {  	_ =	swait.ge [sflag:s8], $0x1000  }
0x109: {  	[sflag:s8] =	ssyncset.done $0x0  }
0x10a: {  	[sflag:s8] =	ssyncadd.s32 $0xFFFFF000  }
0x10b: {  	[spmem:s3] =	stream.indirect.scatter.add.bf16 [tilespmem:s30], [sflag:$0x8], $0x20, s22, s21, $0xb8;
	[tilespmem:$0x7400] =	vst v63  }
0x10c: {  	_ =	swait.ge [sflag:s9], $0x1000  }
0x10d: {  	s14 =	simm.s32 @!p1 $0x80;
	s0 =	rddreg [dreg:$0x5];
	[sflag:s9] =	ssyncset.done $0x0  }
0x10e: {  	s12 =	rddreg [dreg:$0x4];
	[sflag:s9] =	ssyncadd.s32 $0xFFFFF000;
	s0 =	sadd.s32 @!p1 s6, s0  }
0x10f: {  	[tilespmem:s14], [sflag:$0x2] =	stream.linear.gather @!p1 [hbm4b:s0+s13], $0x80, $0x38;
	[tilespmem:$0x7400] =	vst v63  }
0x110: {  	s0 =	sadd.s32 @!p1 s6, s12;
	s6 =	simm.s32 @!p1 $0x280  }
0x111: {  	[tilespmem:s6], [sflag:$0x2] =	stream.linear.gather @!p1 [hbm4b:s0+s13], $0x80, $0x38;
	[tilespmem:$0x7400] =	vst v63  }
0x112: {  	_ =	swait.ge [sflag:s10], $0x80  }
0x113: {  	[sflag:s10] =	ssyncset.done $0x0  }
0x114: {  	[sflag:s10] =	ssyncadd.s32 $0xFFFFFF80  }
0x115: {  	_ =	swait.ge [sflag:s10], $0x80  }
0x116: {  	[sflag:s10] =	ssyncset.done $0x0  }
0x117: {  	[sflag:s10] =	ssyncadd.s32 $0xFFFFFF80  }
0x118: {  	[tilespmem:s30], [sflag:$0x6] =	stream.indirect.gather [hbm4b:s1+s21], $0x20, s26, s21, $0xb8;
	[tilespmem:$0x7400] =	vst v63  }
0x119: {  	_ =	swait.ge [sflag:s31], $0x1000  }
0x11a: {  	[sflag:s31] =	ssyncset.done $0x0  }
0x11b: {  	[sflag:s31] =	ssyncadd.s32 $0xFFFFF000  }
0x11c: {  	[spmem:s3] =	stream.indirect.scatter.add.bf16 [tilespmem:s18], [sflag:$0x7], $0x20, s24, s21, $0xb8;
	[tilespmem:$0x7400] =	vst v63  }
0x11d: {  	_ =	swait.ge [sflag:s8], $0x1000  }
0x11e: {  	[sflag:s8] =	ssyncset.done $0x0  }
0x11f: {  	[sflag:s8] =	ssyncadd.s32 $0xFFFFF000  }
0x120: {  	[spmem:s3] =	stream.indirect.scatter.add.bf16 [tilespmem:s30], [sflag:$0x8], $0x20, s28, s21, $0xb8;
	[tilespmem:$0x7400] =	vst v63  }
0x121: {  	_ =	swait.ge [sflag:s2], $0x1000  }
0x122: {  	[sflag:s2] =	ssyncset.done $0x0  }
0x123: {  	[sflag:s2] =	ssyncadd.s32 $0xFFFFF000  }
0x124: {  	_ =	swait.ge [sflag:s9], $0x1000  }
0x125: {  	s11 =	sadd.s32 $0x1, s11;
	[sflag:s9] =	ssyncset.done $0x0  }
0x126: {  	s15 =	sshrl.u32 s5, $0x3;
	s14 =	stileid.u32;
	[sflag:s9] =	ssyncadd.s32 $0xFFFFF000  }
0x127: {  	s0 =	sshll.u32 s14, $0x6;
	p1 =	sne.s32 s11, s17;
	[bflag:$0x0] =	sbarrier.arrive $0xFFFF  }
.Ltmp4:
0x128: {  	s0 =	sor.u32 $0x1C09, s0;
	s16 =	rddreg [dreg:$0x16];
	(pc) =	sbr.rel @p1 .LBB2_1-.Ltmp4, $4  }
0x129: {  	[hbm:s16], [sflag:s0] =	dma.local [spmem:s15], $0xA00  }
0x12a: {  	_ =	swait.ge [sflag:s19], $0xA00  }
0x12b: {  	[sflag:s19] =	ssyncset.done $0x0  }
0x12c: {  	[sflag:s19] =	ssyncadd.s32 $0xFFFFF600  }
0x12d: {  	_ =	sfence.sel $0x180000  }
0x12e: {  	[bflag:$0x0] =	sbarrier.arrive $0xFFFF  }
0x12f: {  	_ =	strace $0x9000004D  }
0x130: {  	s0 =	stileid.u32;
	[bflag:$0x2] =	sbarrier.arrive $0xFFFF  }
0x131: {  	p0 =	sne.s32 s0, $0x0;
	s0 =	rddreg [dreg:$0x3]  }
0x132: {  	s0 =	sadd.s32 @!p0 $0x100000, s0  }
0x133: {  	[sflag:s0] =	ssyncadd.tile.s32 @!p0 $0x1;
	_ =	shalt  }
.Lfunc_end2:
_tile_overlayer_lowered:
.L_overlay_start_2:
0x134: {  	(tag) =	ssettag $0x2  }
0x135: {  	s0 =	rddreg [dreg:$0x0];
	s2 =	stileid.u32  }
0x136: {  	s1 =	rddreg [dreg:$0x1];
	p0 =	sne.s32 s2, $0x0  }
0x137: {  	s3 =	rddreg [dreg:$0x2];
	[bflag:$0x3] =	sbarrier.arrive $0xFFFF;
	s2 =	simm.s32 @!p0 $0x1C09  }
0x138: {  	[timem:s3], [sflag:s2] =	dma.local @!p0 [hbm:s0], s1  }
0x139: {  	s0 =	simm.s32 @!p0 $0x9  }
0x13a: {  	_ =	swait.ge @!p0 [sflag:s0], s1  }
0x13b: {  	s1 =	ssub.s32 @!p0 $0x0, s1;
	[sflag:s0] =	ssyncset.done @!p0 $0x0  }
0x13c: {  	[sflag:s0] =	ssyncadd.s32 @!p0 s1  }
0x13d: {  	[bflag:$0x3] =	sbarrier.arrive $0xFFFF  }
0x13e: {  	_ =	shalt  }

// kernel: kernel.8.cloned.1.call-start
scs
__scs_entry_jumppad:
0x0: {  	(pc) =	sbr.rel $0x88, $3  }
0x1: {  	(tag) =	ssettag $0x0;
	lr =	simm.s32 $0x1  }
0x2: {  	[smem:$0x3F9B] =	sst lr;
	_ =	strace $0xD0000000  }
0x3: {  	_ = 	snop  }
0x4: {  	_ = 	snop  }
0x5: {  	_ = 	snop  }
0x6: {  	_ = 	snop  }
0x7: {  	_ = 	snop  }
__scs_overlays_trampoline_lowered:
0x8: {  	[smem:$0x3FAA] =	sst s0  }
0x9: {  	[smem:$0x3FAB] =	sst s1  }
0xa: {  	[smem:$0x3FAC] =	sst s2  }
0xb: {  	[smem:$0x3FAD] =	sst s3  }
0xc: {  	[smem:$0x3FAE] =	sst s4  }
0xd: {  	[smem:$0x3FAF] =	sst s5  }
0xe: {  	[smem:$0x3FB0] =	sst s6  }
0xf: {  	[smem:$0x3FB1] =	sst s7  }
0x10: {  	[smem:$0x3FB2] =	sst s8  }
0x11: {  	[smem:$0x3FB3] =	sst s9;
	s0 =	simm.s32 @!p0 $0x0  }
0x12: {  	s1 =	sld [smem:$0x3F99];
	s0 =	simm.s32 @p0 $0x1  }
0x13: {  	[smem:$0x3FB4] =	sst s0;
	s0 =	simm.s32 @!p1 $0x0  }
0x14: {  	s2 =	sld [smem:$0x3F98];
	s0 =	simm.s32 @p1 $0x1  }
0x15: {  	[smem:$0x3FB5] =	sst s0;
	s0 =	simm.s32 @!p2 $0x0  }
0x16: {  	s3 =	sld [smem:$0x3FDB];
	s0 =	simm.s32 @p2 $0x1  }
0x17: {  	s4 =	simm.s32 $0x1BF5;
	[smem:$0x3FB7] =	sst s0  }
0x18: {  	s0 =	sld [smem:$0x3F9A];
	_ =	swait.ge [sflag:s4], $0x0  }
0x19: {  	s7 =	sld [smem:$0x3F9B]  }
0x1a: {  	s8 =	sadd.s32 $0xFFFFE003, lr  }
0x1b: {  	s9 =	sadd.s32 $0xFFFFFEF7, lr;
	s5 =	simm.s32 $0xFFFFFFFF;
	p2 =	slt.u32 s8, $0xFFFFF086  }
0x1c: {  	p1 =	slt.u32 s9, $0xF7A;
	s5 =	simm.s32 @!p2 $0x0  }
0x1d: {  	s5 =	simm.s32 @p1 $0x1;
	p0 =	seq.s32 s7, s2  }
0x1e: {  	s7 =	smul.u32 @!p0 $0xF7A, s2;
	p2 =	seq.s32 @!p0 s5, $0x0  }
0x1f: {  	s9 =	smul.u32 $0xF7A, s1;
	s8 =	simm.s32 @!p0 $0x1BF5;
	p2 =	por !p2, p0  }
0x20: {  	[sflag:s8] =	ssyncset.s32 @!p0 $0xFFFFF086;
	s6 =	sadd.s32 @!p0 s3, s7;
	s7 =	simm.s32 @!p0 $0x108  }
0x21: {  	s3 =	sadd.s32 s3, s9;
	s6 =	sadd.s32 @!p0 $0x88, s6;
	s7 =	simm.s32 @p2 $0x1082  }
0x22: {  	[simem:s7], [sflag:s8] =	dma.local @!p0 [hbm:s6], $0xF7A  }
0x23: {  	s9 =	sor.u32 $0xD0000000, s2;
	s6 =	simm.s32 $0x108;
	_ =	swait.ge @!p0 [sflag:s8], $0x0  }
0x24: {  	s3 =	sadd.s32 $0x88, s3;
	s6 =	simm.s32 @!p1 $0x1082;
	[sflag:s4] =	ssyncset.s32 $0xFFFFF086  }
0x25: {  	[simem:s6], [sflag:s4] =	dma.local [hbm:s3], $0xF7A  }
0x26: {  	[smem:$0x3F9B] =	sst s1;
	(tag) =	ssettag s2;
	_ =	strace s9  }
0x27: {  	s1 =	sld [smem:$0x3FAB]  }
0x28: {  	s2 =	sld [smem:$0x3FAC]  }
0x29: {  	s4 =	sld [smem:$0x3FAE]  }
0x2a: {  	p0 =	seq.s32 s5, $0x0;
	s5 =	sld [smem:$0x3FAF]  }
0x2b: {  	s6 =	sld [smem:$0x3FB0]  }
0x2c: {  	s7 =	sld [smem:$0x3FB1]  }
0x2d: {  	s3 =	simm.s32 $0x108;
	s8 =	sld [smem:$0x3FB2]  }
0x2e: {  	s3 =	simm.s32 @!p0 $0x1082;
	s9 =	sld [smem:$0x3FB3]  }
0x2f: {  	lr =	sadd.s32 s0, s3;
	s0 =	sld [smem:$0x3FAA]  }
0x30: {  	s3 =	sld [smem:$0x3FAD]  }
0x31: {  	[smem:$0x3FB6] =	sst s10  }
0x32: {  	s10 =	sld [smem:$0x3FB4];
	_ =	sdelay $0x3  }
0x33: {  	p0 =	seq.s32 s10, $0x1;
	s10 =	sld [smem:$0x3FB6];
	_ =	sdelay $0x3  }
0x34: {  	[smem:$0x3FB6] =	sst s10  }
0x35: {  	s10 =	sld [smem:$0x3FB5];
	_ =	sdelay $0x3  }
0x36: {  	p1 =	seq.s32 s10, $0x1;
	s10 =	sld [smem:$0x3FB6];
	_ =	sdelay $0x3  }
0x37: {  	[smem:$0x3FB6] =	sst s10  }
0x38: {  	s10 =	sld [smem:$0x3FB7]  }
0x39: {  	_ = 	snop;
	(pc) =	sbr.ind lr, $3  }
0x3a: {  	_ = 	snop  }
0x3b: {  	_ = 	snop  }
0x3c: {  	p2 =	seq.s32 s10, $0x1;
	s10 =	sld [smem:$0x3FB6]  }
0x3d: {  	_ =	shalt  }
0x3e: {  	_ =	shalt  }
0x3f: {  	_ =	shalt  }
0x40: {  	_ =	shalt  }
0x41: {  	_ =	shalt  }
0x42: {  	_ =	shalt  }
0x43: {  	_ =	shalt  }
0x44: {  	_ =	shalt  }
0x45: {  	_ =	shalt  }
0x46: {  	_ =	shalt  }
0x47: {  	_ =	shalt  }
0x48: {  	_ =	shalt  }
0x49: {  	_ =	shalt  }
0x4a: {  	_ =	shalt  }
0x4b: {  	_ =	shalt  }
0x4c: {  	_ =	shalt  }
0x4d: {  	_ =	shalt  }
0x4e: {  	_ =	shalt  }
0x4f: {  	_ =	shalt  }
0x50: {  	_ =	shalt  }
0x51: {  	_ =	shalt  }
0x52: {  	_ =	shalt  }
0x53: {  	_ =	shalt  }
0x54: {  	_ =	shalt  }
0x55: {  	_ =	shalt  }
0x56: {  	_ =	shalt  }
0x57: {  	_ =	shalt  }
0x58: {  	_ =	shalt  }
0x59: {  	_ =	shalt  }
0x5a: {  	_ =	shalt  }
0x5b: {  	_ =	shalt  }
0x5c: {  	_ =	shalt  }
0x5d: {  	_ =	shalt  }
0x5e: {  	_ =	shalt  }
0x5f: {  	_ =	shalt  }
0x60: {  	_ =	shalt  }
0x61: {  	_ =	shalt  }
0x62: {  	_ =	shalt  }
0x63: {  	_ =	shalt  }
0x64: {  	_ =	shalt  }
0x65: {  	_ =	shalt  }
0x66: {  	_ =	shalt  }
0x67: {  	_ =	shalt  }
0x68: {  	_ =	shalt  }
0x69: {  	_ =	shalt  }
0x6a: {  	_ =	shalt  }
0x6b: {  	_ =	shalt  }
0x6c: {  	_ =	shalt  }
0x6d: {  	_ =	shalt  }
0x6e: {  	_ =	shalt  }
0x6f: {  	_ =	shalt  }
0x70: {  	_ =	shalt  }
0x71: {  	_ =	shalt  }
0x72: {  	_ =	shalt  }
0x73: {  	_ =	shalt  }
0x74: {  	_ =	shalt  }
0x75: {  	_ =	shalt  }
0x76: {  	_ =	shalt  }
0x77: {  	_ =	shalt  }
0x78: {  	_ =	shalt  }
0x79: {  	_ =	shalt  }
0x7a: {  	_ =	shalt  }
0x7b: {  	_ =	shalt  }
0x7c: {  	_ =	shalt  }
0x7d: {  	_ =	shalt  }
0x7e: {  	_ =	shalt  }
0x7f: {  	_ =	shalt  }
0x80: {  	_ =	shalt  }
0x81: {  	_ =	shalt  }
0x82: {  	_ =	shalt  }
0x83: {  	_ =	shalt  }
0x84: {  	_ =	shalt  }
0x85: {  	_ =	shalt  }
0x86: {  	_ =	shalt  }
0x87: {  	_ =	shalt  }
.Lfunc_end0:
.L_simem_size_0:
called_computation_lowered:
.L_overlay_start_0:
0x88: {  	s2 =	sld [smem:$0x3FD9]  }
0x89: {  	s3 =	sld [smem:$0x3FFE];
	_ =	sdelay $0x1  }
0x8a: {  	s1 =	srdreg.scid  }
0x8b: {  	s0 =	sand.u32 $0x1, s1  }
0x8c: {  	s17 =	sshll.u32 s0, $0xA;
	s2 =	sadd.s32 s3, s2  }
0x8d: {  	s2 =	sadd.s32 s2, s17  }
0x8e: {  	[smem:$0x3FC2] =	sst s2  }
0x8f: {  	_ = 	snop  }
0x90: {  	s2 =	sld [smem:$0x3FD0];
	(tm) =	ssettm $0x1  }
0x91: {  	s18 =	sld [smem:$0x3FFB];
	_ =	sdelay $0x3  }
0x92: {  	_ =	strace s18  }
0x93: {  	s3 =	sld [smem:$0x3FFC];
	_ =	sdelay $0x3  }
0x94: {  	_ =	strace s3  }
0x95: {  	s3 =	sld [smem:$0x3FFD];
	_ =	sdelay $0x3  }
0x96: {  	_ =	strace s3  }
0x97: {  	_ =	strace $0x8FFFFFFF  }
0x98: {  	s19 =	sld [smem:$0x3FDB];
	_ =	sdelay $0x1  }
0x99: {  	s4 =	simm.s32 $_scs_section_size  }
0x9a: {  	s5 =	simm.s32 $_size__tile_overlayer_lowered;
	s6 =	simm.s32 $_tile_overlayer_lowered  }
0x9b: {  	s22 =	simm.s32 $0x1BFF;
	s21 =	sshll.u32 s6, $0x1;
	s3 =	sadd.s32 s4, s19  }
0x9c: {  	s7 =	simm.s32 $0x0;
	s20 =	sshll.u32 s5, $0x1;
	s5 =	sadd.s32 s21, s3  }
0x9d: {  	[timem:s7], [sflag:s22] =	dma.local [hbm:s5], s20  }
0x9e: {  	_ =	swait.ge [sflag:s22], s20  }
0x9f: {  	s4 =	ssub.s32 $0x0, s20;
	[sflag:s22] =	ssyncset.done $0x0  }
0xa0: {  	[sflag:s22] =	ssyncadd.s32 s4;
	_ =	sdelay $0x1  }
0xa1: {  	s23 =	simm.s32 $0x1B8B  }
0xa2: {  	_ =	swait.ge [sflag:s23], $0x1  }
0xa3: {  	[sflag:s23] =	ssyncset.done $0x0  }
0xa4: {  	s25 =	simm.s32 $0x1B8E;
	s24 =	sld [smem:$0x3FFE];
	[sflag:s23] =	ssyncadd.s32 $0xFFFFFFFF  }
0xa5: {  	s26 =	simm.s32 $execute0_lowered;
	[smem:$0x3FD2] =	sst s25  }
0xa6: {  	s5 =	sshll.u32 s26, $0x1;
	_ =	strace $0x80000046;
	[dreg:$0x1] =	wrdreg $0xFFFFFFFF  }
0xa7: {  	s28 =	simm.s32 $_size_execute0_lowered;
	s3 =	sadd.s32 s3, s5;
	[dreg:$0x0] =	wrdreg $0x0  }
0xa8: {  	s5 =	sshll.u32 s28, $0x1;
	[dreg:$0x2] =	wrdreg s3  }
0xa9: {  	[dreg:$0x3] =	wrdreg s5  }
0xaa: {  	[dreg:$0x4] =	wrdreg $0xC0  }
0xab: {  	_ =	task [dreg:s7], $0x5FFFF  }
0xac: {  	[dreg:$0x1] =	wrdreg $0xFFFFFFFF  }
0xad: {  	[dreg:$0x0] =	wrdreg $0x60  }
0xae: {  	[dreg:$0x2] =	wrdreg s24  }
0xaf: {  	[dreg:$0x3] =	wrdreg s2  }
0xb0: {  	[dreg:$0x4] =	wrdreg $0x1C000  }
0xb1: {  	[dreg:$0x5] =	wrdreg $0x9  }
0xb2: {  	_ =	task.clear_ibuf [dreg:s7], $0x6FFFF;
	_ =	strace $0x90000046  }
0xb3: {  	s29 =	simm.s32 $0x9;
	_ =	strace $0x80000048  }
0xb4: {  	_ =	swait.ge [sflag:s29], $0x1  }
0xb5: {  	[sflag:s29] =	ssyncadd.s32 $0xFFFFFFFF  }
0xb6: {  	_ =	strace $0x90000048  }
0xb7: {  	_ =	sfence  }
0xb8: {  	s30 =	sld [smem:$0x0];
	_ =	sdelay $0x2  }
0xb9: {  	s31 =	sshll.u32 s1, $0xD;
	s1 =	sshrl.u32 s1, $0x2  }
0xba: {  	s3 =	sand.u32 $0x4000, s31;
	s1 =	sadd.s32 s1, s30  }
0xbb: {  	s0 =	sor.u32 s3, s0;
	s1 =	sshll.u32 s1, $0x11  }
0xbc: {  	s0 =	sor.u32 s1, s0  }
0xbd: {  	s0 =	sadd.s32 $0x8F2B, s0  }
0xbe: {  	[sflag:s0] =	ssyncadd.remote.s32 $0x1  }
0xbf: {  	_ =	sfence.sel $0xFFFF  }
0xc0: {  	[dreg:$0x0] =	wrdreg $0xFFFFFFFF;
	(pc) =	sbr.abs _section_cstart, $3  }
0xc1: {  	[dreg:$0x1] =	wrdreg $0xFFFFFFFF  }
0xc2: {  	_ =	task.clear_ibuf [dreg:s7], $0x2FFFF;
	_ =	strace $0x9FFFFFFF  }
0xc3: {  	(tm) =	ssettm $0x7FFFFFFF  }
tec
execute0_lowered:
.L_overlay_start_1:
0x0: {  	(tag) =	ssettag $0x1  }
0x1: {  	s0 =	rddreg [dreg:$0x0]  }
0x2: {  	s1 =	srdreg.scid;
	s10 =	rddreg [dreg:$0x1]  }
0x3: {  	s2 =	rddreg [dreg:$0x2];
	s7 =	stileid.u32  }
0x4: {  	s3 =	simm.s32 $0x0;
	s12 =	simm.s32 $0x2;
	s13 =	simm.s32 $0x1400  }
0x5: {  	s14 =	simm.s32 $0x80;
	s21 =	simm.s32 $0xD00;
	s22 =	simm.s32 $0xD80  }
0x6: {  	s23 =	simm.s32 $0xE00;
	s28 =	simm.s32 $0x1000;
	s29 =	simm.s32 $0x1080  }
0x7: {  	s30 =	simm.s32 $0x1100;
	s31 =	simm.s32 $0x1180;
	s15 =	simm.s32 $0x1300  }
0x8: {  	s16 =	simm.s32 $0x1380;
	s17 =	simm.s32 $0x1;
	s18 =	simm.s32 $0x0  }
0x9: {  	s1 =	sand.u32 $0x1, s1;
	[smem:$0x7FF] =	sst s3;
	s6 =	smul.u32 $0xA000, s7  }
0xa: {  	s8 =	smul.u32 $0x2800, s7;
	s4 =	sshll.u32 s1, $0x4;
	_ =	strace $0x80000047  }
0xb: {  	s5 =	ssub.s32 $0x2, s1;
	s1 =	smul.u32 $0x28000, s1;
	s4 =	sor.u32 s7, s4  }
0xc: {  	s24 =	sshrl.u32 s5, $0x1;
	s6 =	sshrl.u32 s6, $0x2;
	s4 =	smul.u32 $0x280, s4  }
0xd: {  	s11 =	ssub.s32 s5, s24;
	s5 =	sadd.s32 s8, s2;
	s25 =	sadd.s32 s6, s2  }
0xe: {  	s1 =	sadd.s32 s8, s1;
	s24 =	simm.s32 $0xE80;
	s6 =	sadd.s32 $0x800, s25  }
0xf: {  	s7 =	sadd.s32 $0x1000, s25;
	s8 =	sadd.s32 $0x1800, s25;
	s9 =	sadd.s32 $0x2000, s25  }
0x10: {  	s26 =	sshrl.u32 s1, $0x3;
	s11 =	smax.u32 s11, $0x1;
	s25 =	simm.s32 $0xF00  }
0x11: {  	s1 =	simm.s32 $0x1280;
	s0 =	sadd.s32 s4, s0;
	s10 =	sadd.s32 s10, s26  }
0x12: {  	v0 =	vimm.f32 $0.0e+00;
	v1 =	vimm.f32 $1.000000000e+00;
	s26 =	simm.s32 $0xF80;
	s4 =	sadd.s32 $0x6200, s0;
	s0 =	simm.s32 $0x1200  }
.LBB2_1:
0x13: {  	[tilespmem:s3], [sflag:$0x2] =	stream.linear.gather [hbm4b:s4+s3], $0x1400, $0x38;
	[tilespmem:$0x4400] =	vst v63  }
0x14: {  	_ =	swait.ge [sflag:s12], $0x1400  }
0x15: {  	[sflag:s12] =	ssyncset.done $0x0  }
0x16: {  	s19 =	simm.s32 $0x40;
	s20 =	simm.s32 $0x0;
	[sflag:s12] =	ssyncadd.s32 $0xFFFFEC00  }
.LBB2_2:
0x17: {  	p0 =	sne.s32 s19, $0x1FC0;
	[tilespmem:s20+$0x1400] =	vst v0;
	s20 =	smov.u32 s19;
	s19 =	sadd.s32 $0x40, s19  }
.Ltmp0:
0x18: {  	(pc) =	sbr.rel @p0 .LBB2_2-.Ltmp0, $2  }
0x19: {  	_ =	sdelay $0x2  }
0x1a: {  	s20 =	sshra.s32 s20, $0x2  }
0x1b: {  	[tilespmem:s20+$0x1400] =	vst v0  }
0x1c: {  	[spmem:s5] =	stream.linear.scatter [tilespmem:s13], [sflag:$0x2], $0x800, $0x38;
	[tilespmem:$0x4400] =	vst v63  }
0x1d: {  	_ =	swait.ge [sflag:s12], $0x800  }
0x1e: {  	[sflag:s12] =	ssyncset.done $0x0  }
0x1f: {  	[sflag:s12] =	ssyncadd.s32 $0xFFFFF800  }
0x20: {  	[spmem:s6] =	stream.linear.scatter [tilespmem:s13], [sflag:$0x2], $0x800, $0x38;
	[tilespmem:$0x4400] =	vst v63  }
0x21: {  	_ =	swait.ge [sflag:s12], $0x800  }
0x22: {  	[sflag:s12] =	ssyncset.done $0x0  }
0x23: {  	[sflag:s12] =	ssyncadd.s32 $0xFFFFF800  }
0x24: {  	[spmem:s7] =	stream.linear.scatter [tilespmem:s13], [sflag:$0x2], $0x800, $0x38;
	[tilespmem:$0x4400] =	vst v63  }
0x25: {  	_ =	swait.ge [sflag:s12], $0x800  }
0x26: {  	[sflag:s12] =	ssyncset.done $0x0  }
0x27: {  	[sflag:s12] =	ssyncadd.s32 $0xFFFFF800  }
0x28: {  	[spmem:s8] =	stream.linear.scatter [tilespmem:s13], [sflag:$0x2], $0x800, $0x38;
	[tilespmem:$0x4400] =	vst v63  }
0x29: {  	_ =	swait.ge [sflag:s12], $0x800  }
0x2a: {  	[sflag:s12] =	ssyncset.done $0x0  }
0x2b: {  	[sflag:s12] =	ssyncadd.s32 $0xFFFFF800  }
0x2c: {  	[spmem:s9] =	stream.linear.scatter [tilespmem:s13], [sflag:$0x2], $0x800, $0x38;
	[tilespmem:$0x4400] =	vst v63  }
0x2d: {  	_ =	swait.ge [sflag:s12], $0x800  }
0x2e: {  	[sflag:s12] =	ssyncset.done $0x0  }
0x2f: {  	s19 =	simm.s32 $0x40;
	s20 =	simm.s32 $0x0;
	[sflag:s12] =	ssyncadd.s32 $0xFFFFF800  }
.LBB2_4:
0x30: {  	p0 =	sne.s32 s19, $0x1FC0;
	[tilespmem:s20+$0x1400] =	vst v1;
	s20 =	smov.u32 s19;
	s19 =	sadd.s32 $0x40, s19  }
.Ltmp1:
0x31: {  	(pc) =	sbr.rel @p0 .LBB2_4-.Ltmp1, $2  }
0x32: {  	_ =	sdelay $0x2  }
0x33: {  	s20 =	sshra.s32 s20, $0x2  }
0x34: {  	[tilespmem:s20+$0x1400] =	vst v1  }
0x35: {  	[bflag:$0x0] =	sbarrier.arrive $0xFFFF  }
0x36: {  	[spmem:s2] =	stream.indirect.scatter.add.f32 [tilespmem:s13], [sflag:$0x1], $0x10, s3, s14, $0xb8;
	[tilespmem:$0x4400] =	vst v63  }
0x37: {  	_ = 	snop  }
0x38: {  	[spmem:s2] =	stream.indirect.scatter.add.f32 [tilespmem:s13], [sflag:$0x1], $0x10, s14, s14, $0xb8;
	[tilespmem:$0x4400] =	vst v63  }
0x39: {  	s19 =	simm.s32 $0x100  }
0x3a: {  	[spmem:s2] =	stream.indirect.scatter.add.f32 [tilespmem:s13], [sflag:$0x1], $0x10, s19, s14, $0xb8;
	[tilespmem:$0x4400] =	vst v63  }
0x3b: {  	s20 =	simm.s32 $0x180  }
0x3c: {  	[spmem:s2] =	stream.indirect.scatter.add.f32 [tilespmem:s13], [sflag:$0x1], $0x10, s20, s14, $0xb8;
	[tilespmem:$0x4400] =	vst v63  }
0x3d: {  	s20 =	simm.s32 $0x200  }
0x3e: {  	[spmem:s2] =	stream.indirect.scatter.add.f32 [tilespmem:s13], [sflag:$0x1], $0x10, s20, s14, $0xb8;
	[tilespmem:$0x4400] =	vst v63  }
0x3f: {  	s20 =	simm.s32 $0x280  }
0x40: {  	[spmem:s2] =	stream.indirect.scatter.add.f32 [tilespmem:s13], [sflag:$0x1], $0x10, s20, s14, $0xb8;
	[tilespmem:$0x4400] =	vst v63  }
0x41: {  	s20 =	simm.s32 $0x300  }
0x42: {  	[spmem:s2] =	stream.indirect.scatter.add.f32 [tilespmem:s13], [sflag:$0x1], $0x10, s20, s14, $0xb8;
	[tilespmem:$0x4400] =	vst v63  }
0x43: {  	s20 =	simm.s32 $0x380  }
0x44: {  	[spmem:s2] =	stream.indirect.scatter.add.f32 [tilespmem:s13], [sflag:$0x1], $0x10, s20, s14, $0xb8;
	[tilespmem:$0x4400] =	vst v63  }
0x45: {  	s20 =	simm.s32 $0x400  }
0x46: {  	[spmem:s2] =	stream.indirect.scatter.add.f32 [tilespmem:s13], [sflag:$0x1], $0x10, s20, s14, $0xb8;
	[tilespmem:$0x4400] =	vst v63  }
0x47: {  	s20 =	simm.s32 $0x480  }
0x48: {  	[spmem:s2] =	stream.indirect.scatter.add.f32 [tilespmem:s13], [sflag:$0x1], $0x10, s20, s14, $0xb8;
	[tilespmem:$0x4400] =	vst v63  }
0x49: {  	s20 =	simm.s32 $0x500  }
0x4a: {  	[spmem:s2] =	stream.indirect.scatter.add.f32 [tilespmem:s13], [sflag:$0x1], $0x10, s20, s14, $0xb8;
	[tilespmem:$0x4400] =	vst v63  }
0x4b: {  	s20 =	simm.s32 $0x580  }
0x4c: {  	[spmem:s2] =	stream.indirect.scatter.add.f32 [tilespmem:s13], [sflag:$0x1], $0x10, s20, s14, $0xb8;
	[tilespmem:$0x4400] =	vst v63  }
0x4d: {  	s20 =	simm.s32 $0x600  }
0x4e: {  	[spmem:s2] =	stream.indirect.scatter.add.f32 [tilespmem:s13], [sflag:$0x1], $0x10, s20, s14, $0xb8;
	[tilespmem:$0x4400] =	vst v63  }
0x4f: {  	s20 =	simm.s32 $0x680  }
0x50: {  	[spmem:s2] =	stream.indirect.scatter.add.f32 [tilespmem:s13], [sflag:$0x1], $0x10, s20, s14, $0xb8;
	[tilespmem:$0x4400] =	vst v63  }
0x51: {  	s20 =	simm.s32 $0x700  }
0x52: {  	[spmem:s2] =	stream.indirect.scatter.add.f32 [tilespmem:s13], [sflag:$0x1], $0x10, s20, s14, $0xb8;
	[tilespmem:$0x4400] =	vst v63  }
0x53: {  	s20 =	simm.s32 $0x780  }
0x54: {  	[spmem:s2] =	stream.indirect.scatter.add.f32 [tilespmem:s13], [sflag:$0x1], $0x10, s20, s14, $0xb8;
	[tilespmem:$0x4400] =	vst v63  }
0x55: {  	s20 =	simm.s32 $0x800  }
0x56: {  	[spmem:s2] =	stream.indirect.scatter.add.f32 [tilespmem:s13], [sflag:$0x1], $0x10, s20, s14, $0xb8;
	[tilespmem:$0x4400] =	vst v63  }
0x57: {  	s20 =	simm.s32 $0x880  }
0x58: {  	[spmem:s2] =	stream.indirect.scatter.add.f32 [tilespmem:s13], [sflag:$0x1], $0x10, s20, s14, $0xb8;
	[tilespmem:$0x4400] =	vst v63  }
0x59: {  	s20 =	simm.s32 $0x900  }
0x5a: {  	[spmem:s2] =	stream.indirect.scatter.add.f32 [tilespmem:s13], [sflag:$0x1], $0x10, s20, s14, $0xb8;
	[tilespmem:$0x4400] =	vst v63  }
0x5b: {  	s20 =	simm.s32 $0x980  }
0x5c: {  	[spmem:s2] =	stream.indirect.scatter.add.f32 [tilespmem:s13], [sflag:$0x1], $0x10, s20, s14, $0xb8;
	[tilespmem:$0x4400] =	vst v63  }
0x5d: {  	s20 =	simm.s32 $0xA00  }
0x5e: {  	[spmem:s2] =	stream.indirect.scatter.add.f32 [tilespmem:s13], [sflag:$0x1], $0x10, s20, s14, $0xb8;
	[tilespmem:$0x4400] =	vst v63  }
0x5f: {  	s20 =	simm.s32 $0xA80  }
0x60: {  	[spmem:s2] =	stream.indirect.scatter.add.f32 [tilespmem:s13], [sflag:$0x1], $0x10, s20, s14, $0xb8;
	[tilespmem:$0x4400] =	vst v63  }
0x61: {  	s20 =	simm.s32 $0xB00  }
0x62: {  	[spmem:s2] =	stream.indirect.scatter.add.f32 [tilespmem:s13], [sflag:$0x1], $0x10, s20, s14, $0xb8;
	[tilespmem:$0x4400] =	vst v63  }
0x63: {  	s20 =	simm.s32 $0xB80  }
0x64: {  	[spmem:s2] =	stream.indirect.scatter.add.f32 [tilespmem:s13], [sflag:$0x1], $0x10, s20, s14, $0xb8;
	[tilespmem:$0x4400] =	vst v63  }
0x65: {  	s20 =	simm.s32 $0xC00  }
0x66: {  	[spmem:s2] =	stream.indirect.scatter.add.f32 [tilespmem:s13], [sflag:$0x1], $0x10, s20, s14, $0xb8;
	[tilespmem:$0x4400] =	vst v63  }
0x67: {  	s20 =	simm.s32 $0xC80  }
0x68: {  	[spmem:s2] =	stream.indirect.scatter.add.f32 [tilespmem:s13], [sflag:$0x1], $0x10, s20, s14, $0xb8;
	[tilespmem:$0x4400] =	vst v63  }
0x69: {  	_ = 	snop  }
0x6a: {  	[spmem:s2] =	stream.indirect.scatter.add.f32 [tilespmem:s13], [sflag:$0x1], $0x10, s21, s14, $0xb8;
	[tilespmem:$0x4400] =	vst v63  }
0x6b: {  	_ = 	snop  }
0x6c: {  	[spmem:s2] =	stream.indirect.scatter.add.f32 [tilespmem:s13], [sflag:$0x1], $0x10, s22, s14, $0xb8;
	[tilespmem:$0x4400] =	vst v63  }
0x6d: {  	_ = 	snop  }
0x6e: {  	[spmem:s2] =	stream.indirect.scatter.add.f32 [tilespmem:s13], [sflag:$0x1], $0x10, s23, s14, $0xb8;
	[tilespmem:$0x4400] =	vst v63  }
0x6f: {  	_ = 	snop  }
0x70: {  	[spmem:s2] =	stream.indirect.scatter.add.f32 [tilespmem:s13], [sflag:$0x1], $0x10, s24, s14, $0xb8;
	[tilespmem:$0x4400] =	vst v63  }
0x71: {  	_ = 	snop  }
0x72: {  	[spmem:s2] =	stream.indirect.scatter.add.f32 [tilespmem:s13], [sflag:$0x1], $0x10, s25, s14, $0xb8;
	[tilespmem:$0x4400] =	vst v63  }
0x73: {  	_ = 	snop  }
0x74: {  	[spmem:s2] =	stream.indirect.scatter.add.f32 [tilespmem:s13], [sflag:$0x1], $0x10, s26, s14, $0xb8;
	[tilespmem:$0x4400] =	vst v63  }
0x75: {  	_ = 	snop  }
0x76: {  	[spmem:s2] =	stream.indirect.scatter.add.f32 [tilespmem:s13], [sflag:$0x1], $0x10, s28, s14, $0xb8;
	[tilespmem:$0x4400] =	vst v63  }
0x77: {  	_ = 	snop  }
0x78: {  	[spmem:s2] =	stream.indirect.scatter.add.f32 [tilespmem:s13], [sflag:$0x1], $0x10, s29, s14, $0xb8;
	[tilespmem:$0x4400] =	vst v63  }
0x79: {  	_ = 	snop  }
0x7a: {  	[spmem:s2] =	stream.indirect.scatter.add.f32 [tilespmem:s13], [sflag:$0x1], $0x10, s30, s14, $0xb8;
	[tilespmem:$0x4400] =	vst v63  }
0x7b: {  	_ = 	snop  }
0x7c: {  	[spmem:s2] =	stream.indirect.scatter.add.f32 [tilespmem:s13], [sflag:$0x1], $0x10, s31, s14, $0xb8;
	[tilespmem:$0x4400] =	vst v63  }
0x7d: {  	_ = 	snop  }
0x7e: {  	[spmem:s2] =	stream.indirect.scatter.add.f32 [tilespmem:s13], [sflag:$0x1], $0x10, s0, s14, $0xb8;
	[tilespmem:$0x4400] =	vst v63  }
0x7f: {  	_ = 	snop  }
0x80: {  	[spmem:s2] =	stream.indirect.scatter.add.f32 [tilespmem:s13], [sflag:$0x1], $0x10, s1, s14, $0xb8;
	[tilespmem:$0x4400] =	vst v63  }
0x81: {  	_ = 	snop  }
0x82: {  	[spmem:s2] =	stream.indirect.scatter.add.f32 [tilespmem:s13], [sflag:$0x1], $0x10, s15, s14, $0xb8;
	[tilespmem:$0x4400] =	vst v63  }
0x83: {  	_ = 	snop  }
0x84: {  	[spmem:s2] =	stream.indirect.scatter.add.f32 [tilespmem:s13], [sflag:$0x1], $0x10, s16, s14, $0xb8;
	[tilespmem:$0x4400] =	vst v63  }
0x85: {  	_ =	swait.ge [sflag:s17], $0x800  }
0x86: {  	s19 =	simm.s32 $0x27;
	[sflag:s17] =	ssyncset.done $0x0  }
.LBB2_6:
0x87: {  	p0 =	sne.s32 s19, $0x1;
	s19 =	sadd.s32 $0xFFFFFFFF, s19;
	[sflag:s17] =	ssyncadd.s32 $0xFFFFF800  }
.Ltmp2:
0x88: {  	(pc) =	sbr.rel @p0 .LBB2_6-.Ltmp2, $3  }
0x89: {  	_ =	sdelay $0x1  }
0x8a: {  	_ =	swait.ge [sflag:s17], $0x800  }
0x8b: {  	[sflag:s17] =	ssyncset.done $0x0  }
0x8c: {  	[sflag:s17] =	ssyncadd.s32 $0xFFFFF800;
	s19 =	stileid.u32;
	s18 =	sadd.s32 $0x1, s18  }
0x8d: {  	s20 =	sshrl.u32 s5, $0x3;
	s19 =	sshll.u32 s19, $0x6;
	p0 =	sne.s32 s18, s11  }
.Ltmp3:
0x8e: {  	[bflag:$0x0] =	sbarrier.arrive $0xFFFF;
	s19 =	sor.u32 $0x1C02, s19;
	(pc) =	sbr.rel @p0 .LBB2_1-.Ltmp3, $4  }
0x8f: {  	[hbm:s10], [sflag:s19] =	dma.local [spmem:s20], $0x500  }
0x90: {  	_ =	swait.ge [sflag:s12], $0x500  }
0x91: {  	[sflag:s12] =	ssyncset.done $0x0  }
0x92: {  	[sflag:s12] =	ssyncadd.s32 $0xFFFFFB00  }
0x93: {  	_ =	sfence.sel $0x180000  }
0x94: {  	[bflag:$0x0] =	sbarrier.arrive $0xFFFF  }
0x95: {  	_ =	strace $0x90000047  }
0x96: {  	s0 =	stileid.u32;
	[bflag:$0x2] =	sbarrier.arrive $0xFFFF  }
0x97: {  	p0 =	sne.s32 s0, $0x0;
	s0 =	rddreg [dreg:$0x3]  }
0x98: {  	s0 =	sadd.s32 @!p0 $0x100000, s0  }
0x99: {  	[sflag:s0] =	ssyncadd.tile.s32 @!p0 $0x1;
	_ =	shalt  }
.Lfunc_end2:
_tile_overlayer_lowered:
.L_overlay_start_2:
0x9a: {  	(tag) =	ssettag $0x2  }
0x9b: {  	s0 =	rddreg [dreg:$0x0];
	s2 =	stileid.u32  }
0x9c: {  	s1 =	rddreg [dreg:$0x1];
	p0 =	sne.s32 s2, $0x0  }
0x9d: {  	s3 =	rddreg [dreg:$0x2];
	[bflag:$0x3] =	sbarrier.arrive $0xFFFF;
	s2 =	simm.s32 @!p0 $0x1C02  }
0x9e: {  	[timem:s3], [sflag:s2] =	dma.local @!p0 [hbm:s0], s1  }
0x9f: {  	s0 =	simm.s32 @!p0 $0x2  }
0xa0: {  	_ =	swait.ge @!p0 [sflag:s0], s1  }
0xa1: {  	s1 =	ssub.s32 @!p0 $0x0, s1;
	[sflag:s0] =	ssyncset.done @!p0 $0x0  }
0xa2: {  	[sflag:s0] =	ssyncadd.s32 @!p0 s1  }
0xa3: {  	[bflag:$0x3] =	sbarrier.arrive $0xFFFF  }
0xa4: {  	_ =	shalt  }

</sc_bundles>
